<compile_context>
chip_gen: v7x
topology: tpu7x:2x2x1
jax: 0.10.2.dev20260603
libtpu: 0.0.44.dev20260713+nightly
codegen_flags: <defaults>
</compile_context>

<pallas_src>
import functools

import jax
import jax.numpy as jnp
from jax import lax
from jax.experimental import pallas as pl
from jax.experimental.pallas import tpu as pltpu
from jax.experimental.pallas import tpu_sc as plsc

N = 10000
DIN = 128
DOUT = 128
E = 320000

NC = 2
NS = 16
NW = NC * NS
K = 128
NCH = 80
EPAD = NW * NCH * K
ACC_N = 10240
RPT = ACC_N // NS
LANES = 16
MBLK = 1000


def _linear_body(x_ref, wt_ref, b_ref, o_ref):
    o_ref[...] = (
        jnp.dot(x_ref[...], wt_ref[...], preferred_element_type=jnp.float32)
        + b_ref[...]
    )


def _linear(x, wt, b2):
    return pl.pallas_call(
        _linear_body,
        grid=(N // MBLK,),
        in_specs=[
            pl.BlockSpec((MBLK, DIN), lambda i: (i, 0)),
            pl.BlockSpec((DIN, DOUT), lambda i: (0, 0)),
            pl.BlockSpec((1, DOUT), lambda i: (0, 0)),
        ],
        out_specs=pl.BlockSpec((MBLK, DOUT), lambda i: (i, 0)),
        out_shape=jax.ShapeDtypeStruct((N, DOUT), jnp.float32),
    )(x, wt, b2)


def _combine_body(p_ref, o_ref):
    o_ref[...] = p_ref[0] + p_ref[1]


def _combine(partials):
    return pl.pallas_call(
        _combine_body,
        grid=(N // MBLK,),
        in_specs=[pl.BlockSpec((NC, MBLK, DOUT), lambda i: (0, i, 0))],
        out_specs=pl.BlockSpec((MBLK, DOUT), lambda i: (i, 0)),
        out_shape=jax.ShapeDtypeStruct((N, DOUT), jnp.float32),
    )(partials)


def _make_spmm():
    mesh = plsc.VectorSubcoreMesh(core_axis_name="c", subcore_axis_name="s")

    @functools.partial(
        pl.kernel,
        mesh=mesh,
        out_type=jax.ShapeDtypeStruct((NC, ACC_N, DOUT), jnp.float32),
        scratch_types=[
            pltpu.VMEM((NCH, K), jnp.int32),
            pltpu.VMEM((NCH, K), jnp.int32),
            pltpu.VMEM((NCH, K), jnp.float32),
            pltpu.VMEM((K, DOUT), jnp.float32),
            pltpu.VMEM_SHARED((ACC_N, DOUT), jnp.float32),
            pltpu.SemaphoreType.DMA,
        ],
    )
    def spmm(wx_hbm, cols_hbm, rows_hbm, vals_hbm, out_hbm,
             cols_v, rows_v, vals_v, gbuf, acc, sem):
        cid = lax.axis_index("c")
        sid = lax.axis_index("s")
        wid = cid * NS + sid

        pltpu.sync_copy(cols_hbm.at[wid], cols_v)
        pltpu.sync_copy(rows_hbm.at[wid], rows_v)
        pltpu.sync_copy(vals_hbm.at[wid], vals_v)

        def zrow(r, carry):
            for c in range(DOUT // LANES):
                gbuf[r, pl.ds(c * LANES, LANES)] = jnp.zeros(
                    (LANES,), jnp.float32)
            return carry
        lax.fori_loop(0, K, zrow, 0)
        base = sid * RPT
        for t in range(RPT // K):
            pltpu.sync_copy(gbuf, acc.at[pl.ds(base + t * K, K)])
        plsc.subcore_barrier()

        def chunk(j, carry):
            pltpu.async_copy(wx_hbm.at[cols_v.at[j]], gbuf, sem).wait()

            def rgroup(rg, c2):
                base_r = pl.multiple_of(rg * LANES, LANES)
                vrow = vals_v[j, pl.ds(base_r, LANES)]
                for r16 in range(LANES):
                    splat = vrow.at[jnp.full((LANES,), r16, jnp.int32)].get(
                        mode="promise_in_bounds")
                    rr = base_r + r16
                    for c in range(DOUT // LANES):
                        sl = pl.ds(c * LANES, LANES)
                        gbuf[rr, sl] = gbuf[rr, sl] * splat
                return c2
            lax.fori_loop(0, K // LANES, rgroup, 0)

            pltpu.sync_copy(gbuf, acc.at[rows_v.at[j]], add=True)
            return carry
        lax.fori_loop(0, NCH, chunk, 0)

        plsc.subcore_barrier()
        pltpu.sync_copy(acc.at[pl.ds(base, RPT)],
                        out_hbm.at[cid, pl.ds(base, RPT)])

    return spmm


_spmm = _make_spmm()


def kernel(A_indices, A_values, X, W, b):
    wx = _linear(X, W.T, b.reshape(1, DOUT))
    pad = EPAD - E
    rows = jnp.concatenate(
        [A_indices[0], jnp.zeros((pad,), jnp.int32)]).reshape(NW, NCH, K)
    cols = jnp.concatenate(
        [A_indices[1], jnp.zeros((pad,), jnp.int32)]).reshape(NW, NCH, K)
    vals = jnp.concatenate(
        [A_values, jnp.zeros((pad,), jnp.float32)]).reshape(NW, NCH, K)
    partials = _spmm(wx, cols, rows, vals)
    return _combine(partials)

# --- scband reference (transcript-rebuilt; emitter-appended) ---
"""Pipeline reference for scband-gcnlayer-12086037971597 (READ-ONLY COPY).

The authoritative reference and input builder live on the scoring server;
editing this copy changes nothing except your own understanding.
"""

import jax, jax.numpy as jnp
import numpy as np

N = 10000
E = 320000
DIN = 128
DOUT = 128


def setup_inputs(seed: int = 0) -> dict:
    key = jax.random.key(seed)
    k1, k2, k3, k4, k5 = jax.random.split(key, 5)
    A_indices = jax.random.randint(k1, (2, E), 0, N, dtype=jnp.int32)
    A_values = jax.random.uniform(k2, (E,), dtype=jnp.float32)
    X = jax.random.normal(k3, (N, DIN), dtype=jnp.float32)
    # Learned params of nn.Linear(in_dim, out_dim, bias=True)
    W = jax.random.normal(k4, (DOUT, DIN), dtype=jnp.float32) * (1.0 / np.sqrt(DIN))
    b = jax.random.normal(k5, (DOUT,), dtype=jnp.float32) * 0.01
    return {"A_indices": A_indices, "A_values": A_values, "X": X, "W": W, "b": b}


def reference(A_indices, A_values, X, W, b):
    # torch equivalent: torch.sparse.mm(A_norm, self.W(X))
    # A_norm is a sparse [N, N] matrix given in COO form:
    #   A_indices[0] = row (dst) indices, A_indices[1] = col (src) indices
    WX = X @ W.T + b  # dense linear projection: [N, DOUT]
    rows = A_indices[0]
    cols = A_indices[1]
    gathered = WX[cols] * A_values[:, None]  # gather + scale per nonzero
    out = jax.ops.segment_sum(gathered, rows, num_segments=N)  # scatter-add SpMM
    return out

if __name__ == "__main__":
    import jax
    _d = setup_inputs()
    print(jax.jit(kernel)(*tuple(_d.values())))

</pallas_src>

<mosaic_0001>
#map = affine_map<(d0, d1) -> (0, 0)>
#map1 = affine_map<(d0, d1) -> (0, 0, 0)>
module attributes {stable_mosaic.version = 14 : i64} {
  func.func @spmm(%arg0: i32, %arg1: i32, %arg2: memref<10000x128xf32, #tpu.memory_space<hbm>>, %arg3: memref<32x80x128xi32, #tpu.memory_space<hbm>>, %arg4: memref<32x80x128xi32, #tpu.memory_space<hbm>>, %arg5: memref<32x80x128xf32, #tpu.memory_space<hbm>>, %arg6: memref<2x10240x128xf32, #tpu.memory_space<hbm>>, %arg7: memref<80x128xi32, #tpu.memory_space<vmem>>, %arg8: memref<80x128xi32, #tpu.memory_space<vmem>>, %arg9: memref<80x128xf32, #tpu.memory_space<vmem>>, %arg10: memref<128x128xf32, #tpu.memory_space<vmem>>, %arg11: memref<10240x128xf32, #tpu.memory_space<vmem_shared>>, %arg12: memref<!tpu.dma_semaphore, #tpu.memory_space<semaphore_mem>>) attributes {dimension_semantics = [#tpu.dimension_semantics<core_parallel>, #tpu.dimension_semantics<subcore_parallel>], iteration_bounds = array<i64: 2, 16>, scalar_prefetch = 0 : i64, scratch_operands = 6 : i64, tpu.core_type = #tpu.core_type<sc_vector_subcore>, window_params = [{transform_indices = #map}, {transform_indices = #map1}, {transform_indices = #map1}, {transform_indices = #map1}, {transform_indices = #map1}]} {
    %mul3A = arith.constant 16 : i32
    %mul3A_0 = arith.muli %arg0, %mul3A : i32
    %add3A = arith.addi %mul3A_0, %arg1 : i32
    "tpu.region"() ({
      %run_scoped3A = tpu.sem_alloc : memref<!tpu.dma_semaphore, #tpu.memory_space<semaphore_mem>>
      %dma_start3A = arith.constant 0 : i32
      %dma_start3A_25 = arith.constant 0 : i32
      %dma_start3A_26 = tpu.memref_slice %arg3[%add3A, %dma_start3A, %dma_start3A_25] : memref<32x80x128xi32, #tpu.memory_space<hbm>> -> memref<1x80x128xi32, #tpu.memory_space<hbm>>
      %dma_start3A_27 = tpu.memref_squeeze %dma_start3A_26 : memref<1x80x128xi32, #tpu.memory_space<hbm>> -> memref<80x128xi32, #tpu.memory_space<hbm>>
      %dma_start3A_28 = arith.constant 0 : i32
      %dma_start3A_29 = arith.constant 0 : i32
      %dma_start3A_30 = tpu.memref_slice %arg3[%add3A, %dma_start3A_28, %dma_start3A_29] : memref<32x80x128xi32, #tpu.memory_space<hbm>> -> memref<1x80x128xi32, #tpu.memory_space<hbm>>
      %dma_start3A_31 = tpu.memref_squeeze %dma_start3A_30 : memref<1x80x128xi32, #tpu.memory_space<hbm>> -> memref<80x128xi32, #tpu.memory_space<hbm>>
      tpu.enqueue_dma source(%dma_start3A_31 : memref<80x128xi32, #tpu.memory_space<hbm>>) target(%arg7 : memref<80x128xi32, #tpu.memory_space<vmem>>) target_semaphore(%run_scoped3A : memref<!tpu.dma_semaphore, #tpu.memory_space<semaphore_mem>>)
      %dma_wait3A = arith.constant 0 : i32
      %dma_wait3A_32 = arith.constant 0 : i32
      %dma_wait3A_33 = tpu.memref_slice %arg3[%add3A, %dma_wait3A, %dma_wait3A_32] : memref<32x80x128xi32, #tpu.memory_space<hbm>> -> memref<1x80x128xi32, #tpu.memory_space<hbm>>
      %dma_wait3A_34 = tpu.memref_squeeze %dma_wait3A_33 : memref<1x80x128xi32, #tpu.memory_space<hbm>> -> memref<80x128xi32, #tpu.memory_space<hbm>>
      %dma_wait3A_35 = arith.constant 0 : i32
      %dma_wait3A_36 = arith.constant 0 : i32
      %dma_wait3A_37 = tpu.memref_slice %arg3[%add3A, %dma_wait3A_35, %dma_wait3A_36] : memref<32x80x128xi32, #tpu.memory_space<hbm>> -> memref<1x80x128xi32, #tpu.memory_space<hbm>>
      %dma_wait3A_38 = tpu.memref_squeeze %dma_wait3A_37 : memref<1x80x128xi32, #tpu.memory_space<hbm>> -> memref<80x128xi32, #tpu.memory_space<hbm>>
      tpu.wait_dma2 semaphore(%run_scoped3A : memref<!tpu.dma_semaphore, #tpu.memory_space<semaphore_mem>>) src(%dma_wait3A_38 : memref<80x128xi32, #tpu.memory_space<hbm>>) dst(%arg7 : memref<80x128xi32, #tpu.memory_space<vmem>>)
      tpu.yield
    }) : () -> ()
    "tpu.region"() ({
      %run_scoped3A = tpu.sem_alloc : memref<!tpu.dma_semaphore, #tpu.memory_space<semaphore_mem>>
      %dma_start3A = arith.constant 0 : i32
      %dma_start3A_25 = arith.constant 0 : i32
      %dma_start3A_26 = tpu.memref_slice %arg4[%add3A, %dma_start3A, %dma_start3A_25] : memref<32x80x128xi32, #tpu.memory_space<hbm>> -> memref<1x80x128xi32, #tpu.memory_space<hbm>>
      %dma_start3A_27 = tpu.memref_squeeze %dma_start3A_26 : memref<1x80x128xi32, #tpu.memory_space<hbm>> -> memref<80x128xi32, #tpu.memory_space<hbm>>
      %dma_start3A_28 = arith.constant 0 : i32
      %dma_start3A_29 = arith.constant 0 : i32
      %dma_start3A_30 = tpu.memref_slice %arg4[%add3A, %dma_start3A_28, %dma_start3A_29] : memref<32x80x128xi32, #tpu.memory_space<hbm>> -> memref<1x80x128xi32, #tpu.memory_space<hbm>>
      %dma_start3A_31 = tpu.memref_squeeze %dma_start3A_30 : memref<1x80x128xi32, #tpu.memory_space<hbm>> -> memref<80x128xi32, #tpu.memory_space<hbm>>
      tpu.enqueue_dma source(%dma_start3A_31 : memref<80x128xi32, #tpu.memory_space<hbm>>) target(%arg8 : memref<80x128xi32, #tpu.memory_space<vmem>>) target_semaphore(%run_scoped3A : memref<!tpu.dma_semaphore, #tpu.memory_space<semaphore_mem>>)
      %dma_wait3A = arith.constant 0 : i32
      %dma_wait3A_32 = arith.constant 0 : i32
      %dma_wait3A_33 = tpu.memref_slice %arg4[%add3A, %dma_wait3A, %dma_wait3A_32] : memref<32x80x128xi32, #tpu.memory_space<hbm>> -> memref<1x80x128xi32, #tpu.memory_space<hbm>>
      %dma_wait3A_34 = tpu.memref_squeeze %dma_wait3A_33 : memref<1x80x128xi32, #tpu.memory_space<hbm>> -> memref<80x128xi32, #tpu.memory_space<hbm>>
      %dma_wait3A_35 = arith.constant 0 : i32
      %dma_wait3A_36 = arith.constant 0 : i32
      %dma_wait3A_37 = tpu.memref_slice %arg4[%add3A, %dma_wait3A_35, %dma_wait3A_36] : memref<32x80x128xi32, #tpu.memory_space<hbm>> -> memref<1x80x128xi32, #tpu.memory_space<hbm>>
      %dma_wait3A_38 = tpu.memref_squeeze %dma_wait3A_37 : memref<1x80x128xi32, #tpu.memory_space<hbm>> -> memref<80x128xi32, #tpu.memory_space<hbm>>
      tpu.wait_dma2 semaphore(%run_scoped3A : memref<!tpu.dma_semaphore, #tpu.memory_space<semaphore_mem>>) src(%dma_wait3A_38 : memref<80x128xi32, #tpu.memory_space<hbm>>) dst(%arg8 : memref<80x128xi32, #tpu.memory_space<vmem>>)
      tpu.yield
    }) : () -> ()
    "tpu.region"() ({
      %run_scoped3A = tpu.sem_alloc : memref<!tpu.dma_semaphore, #tpu.memory_space<semaphore_mem>>
      %dma_start3A = arith.constant 0 : i32
      %dma_start3A_25 = arith.constant 0 : i32
      %dma_start3A_26 = tpu.memref_slice %arg5[%add3A, %dma_start3A, %dma_start3A_25] : memref<32x80x128xf32, #tpu.memory_space<hbm>> -> memref<1x80x128xf32, #tpu.memory_space<hbm>>
      %dma_start3A_27 = tpu.memref_squeeze %dma_start3A_26 : memref<1x80x128xf32, #tpu.memory_space<hbm>> -> memref<80x128xf32, #tpu.memory_space<hbm>>
      %dma_start3A_28 = arith.constant 0 : i32
      %dma_start3A_29 = arith.constant 0 : i32
      %dma_start3A_30 = tpu.memref_slice %arg5[%add3A, %dma_start3A_28, %dma_start3A_29] : memref<32x80x128xf32, #tpu.memory_space<hbm>> -> memref<1x80x128xf32, #tpu.memory_space<hbm>>
      %dma_start3A_31 = tpu.memref_squeeze %dma_start3A_30 : memref<1x80x128xf32, #tpu.memory_space<hbm>> -> memref<80x128xf32, #tpu.memory_space<hbm>>
      tpu.enqueue_dma source(%dma_start3A_31 : memref<80x128xf32, #tpu.memory_space<hbm>>) target(%arg9 : memref<80x128xf32, #tpu.memory_space<vmem>>) target_semaphore(%run_scoped3A : memref<!tpu.dma_semaphore, #tpu.memory_space<semaphore_mem>>)
      %dma_wait3A = arith.constant 0 : i32
      %dma_wait3A_32 = arith.constant 0 : i32
      %dma_wait3A_33 = tpu.memref_slice %arg5[%add3A, %dma_wait3A, %dma_wait3A_32] : memref<32x80x128xf32, #tpu.memory_space<hbm>> -> memref<1x80x128xf32, #tpu.memory_space<hbm>>
      %dma_wait3A_34 = tpu.memref_squeeze %dma_wait3A_33 : memref<1x80x128xf32, #tpu.memory_space<hbm>> -> memref<80x128xf32, #tpu.memory_space<hbm>>
      %dma_wait3A_35 = arith.constant 0 : i32
      %dma_wait3A_36 = arith.constant 0 : i32
      %dma_wait3A_37 = tpu.memref_slice %arg5[%add3A, %dma_wait3A_35, %dma_wait3A_36] : memref<32x80x128xf32, #tpu.memory_space<hbm>> -> memref<1x80x128xf32, #tpu.memory_space<hbm>>
      %dma_wait3A_38 = tpu.memref_squeeze %dma_wait3A_37 : memref<1x80x128xf32, #tpu.memory_space<hbm>> -> memref<80x128xf32, #tpu.memory_space<hbm>>
      tpu.wait_dma2 semaphore(%run_scoped3A : memref<!tpu.dma_semaphore, #tpu.memory_space<semaphore_mem>>) src(%dma_wait3A_38 : memref<80x128xf32, #tpu.memory_space<hbm>>) dst(%arg9 : memref<80x128xf32, #tpu.memory_space<vmem>>)
      tpu.yield
    }) : () -> ()
    %scan3A = arith.constant 0 : i32
    %scan3A_1 = arith.constant 0 : i32
    %scan3A_2 = arith.constant 128 : i32
    %scan3A_3 = arith.addi %scan3A_1, %scan3A_2 : i32
    %scan3A_4 = arith.constant 1 : i32
    scf.for %scan3A_25 = %scan3A_1 to %scan3A_3 step %scan3A_4  : i32 {
      %broadcast_in_dim3A = arith.constant 0.000000e+00 : f32
      %broadcast_in_dim3A_26 = vector.broadcast %broadcast_in_dim3A : f32 to vector<16xf32>
      %swap3A = arith.index_cast %scan3A_25 : i32 to index
      %swap3A_27 = arith.constant 0 : index
      %swap3A_28 = tpu.vector_load %arg10[%swap3A, %swap3A_27] {strides = array<i32>} : memref<128x128xf32, #tpu.memory_space<vmem>>, vector<1x16xf32>,
      %swap3A_29 = vector.shape_cast %swap3A_28 : vector<1x16xf32> to vector<16xf32>
      %swap3A_30 = vector.shape_cast %broadcast_in_dim3A_26 : vector<16xf32> to vector<1x16xf32>
      tpu.vector_store %arg10[%swap3A, %swap3A_27], %swap3A_30 {strides = array<i32>} : memref<128x128xf32, #tpu.memory_space<vmem>>, vector<1x16xf32>,
      %broadcast_in_dim3A_31 = arith.constant 0.000000e+00 : f32
      %broadcast_in_dim3A_32 = vector.broadcast %broadcast_in_dim3A_31 : f32 to vector<16xf32>
      %swap3A_33 = arith.index_cast %scan3A_25 : i32 to index
      %swap3A_34 = arith.constant 16 : index
      %swap3A_35 = tpu.vector_load %arg10[%swap3A_33, %swap3A_34] {strides = array<i32>} : memref<128x128xf32, #tpu.memory_space<vmem>>, vector<1x16xf32>,
      %swap3A_36 = vector.shape_cast %swap3A_35 : vector<1x16xf32> to vector<16xf32>
      %swap3A_37 = vector.shape_cast %broadcast_in_dim3A_32 : vector<16xf32> to vector<1x16xf32>
      tpu.vector_store %arg10[%swap3A_33, %swap3A_34], %swap3A_37 {strides = array<i32>} : memref<128x128xf32, #tpu.memory_space<vmem>>, vector<1x16xf32>,
      %broadcast_in_dim3A_38 = arith.constant 0.000000e+00 : f32
      %broadcast_in_dim3A_39 = vector.broadcast %broadcast_in_dim3A_38 : f32 to vector<16xf32>
      %swap3A_40 = arith.index_cast %scan3A_25 : i32 to index
      %swap3A_41 = arith.constant 32 : index
      %swap3A_42 = tpu.vector_load %arg10[%swap3A_40, %swap3A_41] {strides = array<i32>} : memref<128x128xf32, #tpu.memory_space<vmem>>, vector<1x16xf32>,
      %swap3A_43 = vector.shape_cast %swap3A_42 : vector<1x16xf32> to vector<16xf32>
      %swap3A_44 = vector.shape_cast %broadcast_in_dim3A_39 : vector<16xf32> to vector<1x16xf32>
      tpu.vector_store %arg10[%swap3A_40, %swap3A_41], %swap3A_44 {strides = array<i32>} : memref<128x128xf32, #tpu.memory_space<vmem>>, vector<1x16xf32>,
      %broadcast_in_dim3A_45 = arith.constant 0.000000e+00 : f32
      %broadcast_in_dim3A_46 = vector.broadcast %broadcast_in_dim3A_45 : f32 to vector<16xf32>
      %swap3A_47 = arith.index_cast %scan3A_25 : i32 to index
      %swap3A_48 = arith.constant 48 : index
      %swap3A_49 = tpu.vector_load %arg10[%swap3A_47, %swap3A_48] {strides = array<i32>} : memref<128x128xf32, #tpu.memory_space<vmem>>, vector<1x16xf32>,
      %swap3A_50 = vector.shape_cast %swap3A_49 : vector<1x16xf32> to vector<16xf32>
      %swap3A_51 = vector.shape_cast %broadcast_in_dim3A_46 : vector<16xf32> to vector<1x16xf32>
      tpu.vector_store %arg10[%swap3A_47, %swap3A_48], %swap3A_51 {strides = array<i32>} : memref<128x128xf32, #tpu.memory_space<vmem>>, vector<1x16xf32>,
      %broadcast_in_dim3A_52 = arith.constant 0.000000e+00 : f32
      %broadcast_in_dim3A_53 = vector.broadcast %broadcast_in_dim3A_52 : f32 to vector<16xf32>
      %swap3A_54 = arith.index_cast %scan3A_25 : i32 to index
      %swap3A_55 = arith.constant 64 : index
      %swap3A_56 = tpu.vector_load %arg10[%swap3A_54, %swap3A_55] {strides = array<i32>} : memref<128x128xf32, #tpu.memory_space<vmem>>, vector<1x16xf32>,
      %swap3A_57 = vector.shape_cast %swap3A_56 : vector<1x16xf32> to vector<16xf32>
      %swap3A_58 = vector.shape_cast %broadcast_in_dim3A_53 : vector<16xf32> to vector<1x16xf32>
      tpu.vector_store %arg10[%swap3A_54, %swap3A_55], %swap3A_58 {strides = array<i32>} : memref<128x128xf32, #tpu.memory_space<vmem>>, vector<1x16xf32>,
      %broadcast_in_dim3A_59 = arith.constant 0.000000e+00 : f32
      %broadcast_in_dim3A_60 = vector.broadcast %broadcast_in_dim3A_59 : f32 to vector<16xf32>
      %swap3A_61 = arith.index_cast %scan3A_25 : i32 to index
      %swap3A_62 = arith.constant 80 : index
      %swap3A_63 = tpu.vector_load %arg10[%swap3A_61, %swap3A_62] {strides = array<i32>} : memref<128x128xf32, #tpu.memory_space<vmem>>, vector<1x16xf32>,
      %swap3A_64 = vector.shape_cast %swap3A_63 : vector<1x16xf32> to vector<16xf32>
      %swap3A_65 = vector.shape_cast %broadcast_in_dim3A_60 : vector<16xf32> to vector<1x16xf32>
      tpu.vector_store %arg10[%swap3A_61, %swap3A_62], %swap3A_65 {strides = array<i32>} : memref<128x128xf32, #tpu.memory_space<vmem>>, vector<1x16xf32>,
      %broadcast_in_dim3A_66 = arith.constant 0.000000e+00 : f32
      %broadcast_in_dim3A_67 = vector.broadcast %broadcast_in_dim3A_66 : f32 to vector<16xf32>
      %swap3A_68 = arith.index_cast %scan3A_25 : i32 to index
      %swap3A_69 = arith.constant 96 : index
      %swap3A_70 = tpu.vector_load %arg10[%swap3A_68, %swap3A_69] {strides = array<i32>} : memref<128x128xf32, #tpu.memory_space<vmem>>, vector<1x16xf32>,
      %swap3A_71 = vector.shape_cast %swap3A_70 : vector<1x16xf32> to vector<16xf32>
      %swap3A_72 = vector.shape_cast %broadcast_in_dim3A_67 : vector<16xf32> to vector<1x16xf32>
      tpu.vector_store %arg10[%swap3A_68, %swap3A_69], %swap3A_72 {strides = array<i32>} : memref<128x128xf32, #tpu.memory_space<vmem>>, vector<1x16xf32>,
      %broadcast_in_dim3A_73 = arith.constant 0.000000e+00 : f32
      %broadcast_in_dim3A_74 = vector.broadcast %broadcast_in_dim3A_73 : f32 to vector<16xf32>
      %swap3A_75 = arith.index_cast %scan3A_25 : i32 to index
      %swap3A_76 = arith.constant 112 : index
      %swap3A_77 = tpu.vector_load %arg10[%swap3A_75, %swap3A_76] {strides = array<i32>} : memref<128x128xf32, #tpu.memory_space<vmem>>, vector<1x16xf32>,
      %swap3A_78 = vector.shape_cast %swap3A_77 : vector<1x16xf32> to vector<16xf32>
      %swap3A_79 = vector.shape_cast %broadcast_in_dim3A_74 : vector<16xf32> to vector<1x16xf32>
      tpu.vector_store %arg10[%swap3A_75, %swap3A_76], %swap3A_79 {strides = array<i32>} : memref<128x128xf32, #tpu.memory_space<vmem>>, vector<1x16xf32>,
    }
    %scan3A_5 = arith.constant 128 : i32
    %mul3A_6 = arith.constant 640 : i32
    %mul3A_7 = arith.muli %arg1, %mul3A_6 : i32
    %add3A_8 = arith.constant 0 : i32
    %add3A_9 = arith.addi %mul3A_7, %add3A_8 : i32
    "tpu.region"() ({
      %run_scoped3A = tpu.sem_alloc : memref<!tpu.dma_semaphore, #tpu.memory_space<semaphore_mem>>
      %dma_start3A = arith.constant 0 : i32
      %dma_start3A_25 = tpu.memref_slice %arg11[%add3A_9, %dma_start3A] : memref<10240x128xf32, #tpu.memory_space<vmem_shared>> -> memref<128x128xf32, #tpu.memory_space<vmem_shared>>
      %dma_start3A_26 = arith.constant 0 : i32
      %dma_start3A_27 = tpu.memref_slice %arg11[%add3A_9, %dma_start3A_26] : memref<10240x128xf32, #tpu.memory_space<vmem_shared>> -> memref<128x128xf32, #tpu.memory_space<vmem_shared>>
      tpu.enqueue_dma source(%arg10 : memref<128x128xf32, #tpu.memory_space<vmem>>) target(%dma_start3A_27 : memref<128x128xf32, #tpu.memory_space<vmem_shared>>) target_semaphore(%run_scoped3A : memref<!tpu.dma_semaphore, #tpu.memory_space<semaphore_mem>>)
      %dma_wait3A = arith.constant 0 : i32
      %dma_wait3A_28 = tpu.memref_slice %arg11[%add3A_9, %dma_wait3A] : memref<10240x128xf32, #tpu.memory_space<vmem_shared>> -> memref<128x128xf32, #tpu.memory_space<vmem_shared>>
      %dma_wait3A_29 = arith.constant 0 : i32
      %dma_wait3A_30 = tpu.memref_slice %arg11[%add3A_9, %dma_wait3A_29] : memref<10240x128xf32, #tpu.memory_space<vmem_shared>> -> memref<128x128xf32, #tpu.memory_space<vmem_shared>>
      tpu.wait_dma2 semaphore(%run_scoped3A : memref<!tpu.dma_semaphore, #tpu.memory_space<semaphore_mem>>) src(%arg10 : memref<128x128xf32, #tpu.memory_space<vmem>>) dst(%dma_wait3A_30 : memref<128x128xf32, #tpu.memory_space<vmem_shared>>)
      tpu.yield
    }) : () -> ()
    %add3A_10 = arith.constant 128 : i32
    %add3A_11 = arith.addi %mul3A_7, %add3A_10 : i32
    "tpu.region"() ({
      %run_scoped3A = tpu.sem_alloc : memref<!tpu.dma_semaphore, #tpu.memory_space<semaphore_mem>>
      %dma_start3A = arith.constant 0 : i32
      %dma_start3A_25 = tpu.memref_slice %arg11[%add3A_11, %dma_start3A] : memref<10240x128xf32, #tpu.memory_space<vmem_shared>> -> memref<128x128xf32, #tpu.memory_space<vmem_shared>>
      %dma_start3A_26 = arith.constant 0 : i32
      %dma_start3A_27 = tpu.memref_slice %arg11[%add3A_11, %dma_start3A_26] : memref<10240x128xf32, #tpu.memory_space<vmem_shared>> -> memref<128x128xf32, #tpu.memory_space<vmem_shared>>
      tpu.enqueue_dma source(%arg10 : memref<128x128xf32, #tpu.memory_space<vmem>>) target(%dma_start3A_27 : memref<128x128xf32, #tpu.memory_space<vmem_shared>>) target_semaphore(%run_scoped3A : memref<!tpu.dma_semaphore, #tpu.memory_space<semaphore_mem>>)
      %dma_wait3A = arith.constant 0 : i32
      %dma_wait3A_28 = tpu.memref_slice %arg11[%add3A_11, %dma_wait3A] : memref<10240x128xf32, #tpu.memory_space<vmem_shared>> -> memref<128x128xf32, #tpu.memory_space<vmem_shared>>
      %dma_wait3A_29 = arith.constant 0 : i32
      %dma_wait3A_30 = tpu.memref_slice %arg11[%add3A_11, %dma_wait3A_29] : memref<10240x128xf32, #tpu.memory_space<vmem_shared>> -> memref<128x128xf32, #tpu.memory_space<vmem_shared>>
      tpu.wait_dma2 semaphore(%run_scoped3A : memref<!tpu.dma_semaphore, #tpu.memory_space<semaphore_mem>>) src(%arg10 : memref<128x128xf32, #tpu.memory_space<vmem>>) dst(%dma_wait3A_30 : memref<128x128xf32, #tpu.memory_space<vmem_shared>>)
      tpu.yield
    }) : () -> ()
    %add3A_12 = arith.constant 256 : i32
    %add3A_13 = arith.addi %mul3A_7, %add3A_12 : i32
    "tpu.region"() ({
      %run_scoped3A = tpu.sem_alloc : memref<!tpu.dma_semaphore, #tpu.memory_space<semaphore_mem>>
      %dma_start3A = arith.constant 0 : i32
      %dma_start3A_25 = tpu.memref_slice %arg11[%add3A_13, %dma_start3A] : memref<10240x128xf32, #tpu.memory_space<vmem_shared>> -> memref<128x128xf32, #tpu.memory_space<vmem_shared>>
      %dma_start3A_26 = arith.constant 0 : i32
      %dma_start3A_27 = tpu.memref_slice %arg11[%add3A_13, %dma_start3A_26] : memref<10240x128xf32, #tpu.memory_space<vmem_shared>> -> memref<128x128xf32, #tpu.memory_space<vmem_shared>>
      tpu.enqueue_dma source(%arg10 : memref<128x128xf32, #tpu.memory_space<vmem>>) target(%dma_start3A_27 : memref<128x128xf32, #tpu.memory_space<vmem_shared>>) target_semaphore(%run_scoped3A : memref<!tpu.dma_semaphore, #tpu.memory_space<semaphore_mem>>)
      %dma_wait3A = arith.constant 0 : i32
      %dma_wait3A_28 = tpu.memref_slice %arg11[%add3A_13, %dma_wait3A] : memref<10240x128xf32, #tpu.memory_space<vmem_shared>> -> memref<128x128xf32, #tpu.memory_space<vmem_shared>>
      %dma_wait3A_29 = arith.constant 0 : i32
      %dma_wait3A_30 = tpu.memref_slice %arg11[%add3A_13, %dma_wait3A_29] : memref<10240x128xf32, #tpu.memory_space<vmem_shared>> -> memref<128x128xf32, #tpu.memory_space<vmem_shared>>
      tpu.wait_dma2 semaphore(%run_scoped3A : memref<!tpu.dma_semaphore, #tpu.memory_space<semaphore_mem>>) src(%arg10 : memref<128x128xf32, #tpu.memory_space<vmem>>) dst(%dma_wait3A_30 : memref<128x128xf32, #tpu.memory_space<vmem_shared>>)
      tpu.yield
    }) : () -> ()
    %add3A_14 = arith.constant 384 : i32
    %add3A_15 = arith.addi %mul3A_7, %add3A_14 : i32
    "tpu.region"() ({
      %run_scoped3A = tpu.sem_alloc : memref<!tpu.dma_semaphore, #tpu.memory_space<semaphore_mem>>
      %dma_start3A = arith.constant 0 : i32
      %dma_start3A_25 = tpu.memref_slice %arg11[%add3A_15, %dma_start3A] : memref<10240x128xf32, #tpu.memory_space<vmem_shared>> -> memref<128x128xf32, #tpu.memory_space<vmem_shared>>
      %dma_start3A_26 = arith.constant 0 : i32
      %dma_start3A_27 = tpu.memref_slice %arg11[%add3A_15, %dma_start3A_26] : memref<10240x128xf32, #tpu.memory_space<vmem_shared>> -> memref<128x128xf32, #tpu.memory_space<vmem_shared>>
      tpu.enqueue_dma source(%arg10 : memref<128x128xf32, #tpu.memory_space<vmem>>) target(%dma_start3A_27 : memref<128x128xf32, #tpu.memory_space<vmem_shared>>) target_semaphore(%run_scoped3A : memref<!tpu.dma_semaphore, #tpu.memory_space<semaphore_mem>>)
      %dma_wait3A = arith.constant 0 : i32
      %dma_wait3A_28 = tpu.memref_slice %arg11[%add3A_15, %dma_wait3A] : memref<10240x128xf32, #tpu.memory_space<vmem_shared>> -> memref<128x128xf32, #tpu.memory_space<vmem_shared>>
      %dma_wait3A_29 = arith.constant 0 : i32
      %dma_wait3A_30 = tpu.memref_slice %arg11[%add3A_15, %dma_wait3A_29] : memref<10240x128xf32, #tpu.memory_space<vmem_shared>> -> memref<128x128xf32, #tpu.memory_space<vmem_shared>>
      tpu.wait_dma2 semaphore(%run_scoped3A : memref<!tpu.dma_semaphore, #tpu.memory_space<semaphore_mem>>) src(%arg10 : memref<128x128xf32, #tpu.memory_space<vmem>>) dst(%dma_wait3A_30 : memref<128x128xf32, #tpu.memory_space<vmem_shared>>)
      tpu.yield
    }) : () -> ()
    %add3A_16 = arith.constant 512 : i32
    %add3A_17 = arith.addi %mul3A_7, %add3A_16 : i32
    "tpu.region"() ({
      %run_scoped3A = tpu.sem_alloc : memref<!tpu.dma_semaphore, #tpu.memory_space<semaphore_mem>>
      %dma_start3A = arith.constant 0 : i32
      %dma_start3A_25 = tpu.memref_slice %arg11[%add3A_17, %dma_start3A] : memref<10240x128xf32, #tpu.memory_space<vmem_shared>> -> memref<128x128xf32, #tpu.memory_space<vmem_shared>>
      %dma_start3A_26 = arith.constant 0 : i32
      %dma_start3A_27 = tpu.memref_slice %arg11[%add3A_17, %dma_start3A_26] : memref<10240x128xf32, #tpu.memory_space<vmem_shared>> -> memref<128x128xf32, #tpu.memory_space<vmem_shared>>
      tpu.enqueue_dma source(%arg10 : memref<128x128xf32, #tpu.memory_space<vmem>>) target(%dma_start3A_27 : memref<128x128xf32, #tpu.memory_space<vmem_shared>>) target_semaphore(%run_scoped3A : memref<!tpu.dma_semaphore, #tpu.memory_space<semaphore_mem>>)
      %dma_wait3A = arith.constant 0 : i32
      %dma_wait3A_28 = tpu.memref_slice %arg11[%add3A_17, %dma_wait3A] : memref<10240x128xf32, #tpu.memory_space<vmem_shared>> -> memref<128x128xf32, #tpu.memory_space<vmem_shared>>
      %dma_wait3A_29 = arith.constant 0 : i32
      %dma_wait3A_30 = tpu.memref_slice %arg11[%add3A_17, %dma_wait3A_29] : memref<10240x128xf32, #tpu.memory_space<vmem_shared>> -> memref<128x128xf32, #tpu.memory_space<vmem_shared>>
      tpu.wait_dma2 semaphore(%run_scoped3A : memref<!tpu.dma_semaphore, #tpu.memory_space<semaphore_mem>>) src(%arg10 : memref<128x128xf32, #tpu.memory_space<vmem>>) dst(%dma_wait3A_30 : memref<128x128xf32, #tpu.memory_space<vmem_shared>>)
      tpu.yield
    }) : () -> ()
    %barrier3A = arith.constant 0 : index
    tpu.barrier barrier_id(%barrier3A)
    %scan3A_18 = arith.constant 0 : i32
    %scan3A_19 = arith.constant 0 : i32
    %scan3A_20 = arith.constant 80 : i32
    %scan3A_21 = arith.addi %scan3A_19, %scan3A_20 : i32
    %scan3A_22 = arith.constant 1 : i32
    scf.for %scan3A_25 = %scan3A_19 to %scan3A_21 step %scan3A_22  : i32 {
      %dma_start3A = arith.constant 0 : i32
      %dma_start3A_26 = tpu.memref_slice %arg7[%scan3A_25, %dma_start3A] : memref<80x128xi32, #tpu.memory_space<vmem>> -> memref<1x128xi32, #tpu.memory_space<vmem>>
      %dma_start3A_27 = tpu.memref_squeeze %dma_start3A_26 : memref<1x128xi32, #tpu.memory_space<vmem>> -> memref<128xi32, #tpu.memory_space<vmem>>
      %dma_start3A_28 = arith.constant 0 : i32
      %dma_start3A_29 = arith.constant 0 : i32
      %dma_start3A_30 = tpu.memref_slice %arg2[%dma_start3A_28, %dma_start3A_29] : memref<10000x128xf32, #tpu.memory_space<hbm>> -> memref<10000x128xf32, #tpu.memory_space<hbm>>
      tpu.enqueue_indirect_dma source(%dma_start3A_30 : memref<10000x128xf32, #tpu.memory_space<hbm>>) target(%arg10 : memref<128x128xf32, #tpu.memory_space<vmem>>) offsets(%dma_start3A_27 : memref<128xi32, #tpu.memory_space<vmem>>) semaphore(%arg12 : memref<!tpu.dma_semaphore, #tpu.memory_space<semaphore_mem>>)
      %dma_wait3A = arith.constant 0 : i32
      %dma_wait3A_31 = tpu.memref_slice %arg7[%scan3A_25, %dma_wait3A] : memref<80x128xi32, #tpu.memory_space<vmem>> -> memref<1x128xi32, #tpu.memory_space<vmem>>
      %dma_wait3A_32 = tpu.memref_squeeze %dma_wait3A_31 : memref<1x128xi32, #tpu.memory_space<vmem>> -> memref<128xi32, #tpu.memory_space<vmem>>
      %dma_wait3A_33 = arith.constant 0 : i32
      %dma_wait3A_34 = arith.constant 0 : i32
      %dma_wait3A_35 = tpu.memref_slice %arg2[%dma_wait3A_33, %dma_wait3A_34] : memref<10000x128xf32, #tpu.memory_space<hbm>> -> memref<10000x128xf32, #tpu.memory_space<hbm>>
      tpu.wait_indirect_dma semaphore(%arg12 : memref<!tpu.dma_semaphore, #tpu.memory_space<semaphore_mem>>) src(%dma_wait3A_35 : memref<10000x128xf32, #tpu.memory_space<hbm>>) dst(%arg10 : memref<128x128xf32, #tpu.memory_space<vmem>>)
      %scan3A_36 = arith.constant 0 : i32
      %scan3A_37 = arith.constant 0 : i32
      %scan3A_38 = arith.constant 8 : i32
      %scan3A_39 = arith.addi %scan3A_37, %scan3A_38 : i32
      %scan3A_40 = arith.constant 1 : i32
      scf.for %scan3A_42 = %scan3A_37 to %scan3A_39 step %scan3A_40  : i32 {
        %mul3A_43 = arith.constant 16 : i32
        %mul3A_44 = arith.muli %scan3A_42, %mul3A_43 : i32
        %multiple_of3A = tpu.assume_multiple %mul3A_44, 16 : i32
        %get3A = arith.index_cast %scan3A_25 : i32 to index
        %get3A_45 = arith.index_cast %multiple_of3A : i32 to index
        %get3A_46 = tpu.vector_load %arg9[%get3A, %get3A_45] {strides = array<i32>} : memref<80x128xf32, #tpu.memory_space<vmem>>, vector<1x16xf32>,
        %get3A_47 = vector.shape_cast %get3A_46 : vector<1x16xf32> to vector<16xf32>
        %broadcast_in_dim3A = arith.constant 0 : i32
        %broadcast_in_dim3A_48 = vector.broadcast %broadcast_in_dim3A : i32 to vector<16xi32>
        %lt3A = arith.constant 0 : i32
        %lt3A_49 = vector.broadcast %lt3A : i32 to vector<16xi32>
        %lt3A_50 = arith.cmpi slt, %broadcast_in_dim3A_48, %lt3A_49 : vector<16xi32>
        %add3A_51 = arith.constant 16 : i32
        %add3A_52 = vector.broadcast %add3A_51 : i32 to vector<16xi32>
        %add3A_53 = arith.addi %broadcast_in_dim3A_48, %add3A_52 : vector<16xi32>
        %select_n3A = arith.select %lt3A_50, %add3A_53, %broadcast_in_dim3A_48 : vector<16xi1>, vector<16xi32>
        %broadcast_in_dim3A_54 = vector.shape_cast %select_n3A : vector<16xi32> to vector<16x1xi32>
        %gather3A = vector.shape_cast %broadcast_in_dim3A_54 : vector<16x1xi32> to vector<16xi32>
        %gather3A_55 = tpu.dynamic_gather %get3A_47[%gather3A] in [0] : vector<16xf32>, vector<16xi32> -> vector<16xf32>
        %add3A_56 = arith.constant 0 : i32
        %add3A_57 = arith.addi %multiple_of3A, %add3A_56 : i32
        %get3A_58 = arith.index_cast %add3A_57 : i32 to index
        %get3A_59 = arith.constant 0 : index
        %get3A_60 = tpu.vector_load %arg10[%get3A_58, %get3A_59] {strides = array<i32>} : memref<128x128xf32, #tpu.memory_space<vmem>>, vector<1x16xf32>,
        %get3A_61 = vector.shape_cast %get3A_60 : vector<1x16xf32> to vector<16xf32>
        %mul3A_62 = arith.mulf %get3A_61, %gather3A_55 : vector<16xf32>
        %swap3A = arith.index_cast %add3A_57 : i32 to index
        %swap3A_63 = arith.constant 0 : index
        %swap3A_64 = tpu.vector_load %arg10[%swap3A, %swap3A_63] {strides = array<i32>} : memref<128x128xf32, #tpu.memory_space<vmem>>, vector<1x16xf32>,
        %swap3A_65 = vector.shape_cast %swap3A_64 : vector<1x16xf32> to vector<16xf32>
        %swap3A_66 = vector.shape_cast %mul3A_62 : vector<16xf32> to vector<1x16xf32>
        tpu.vector_store %arg10[%swap3A, %swap3A_63], %swap3A_66 {strides = array<i32>} : memref<128x128xf32, #tpu.memory_space<vmem>>, vector<1x16xf32>,
        %get3A_67 = arith.index_cast %add3A_57 : i32 to index
        %get3A_68 = arith.constant 16 : index
        %get3A_69 = tpu.vector_load %arg10[%get3A_67, %get3A_68] {strides = array<i32>} : memref<128x128xf32, #tpu.memory_space<vmem>>, vector<1x16xf32>,
        %get3A_70 = vector.shape_cast %get3A_69 : vector<1x16xf32> to vector<16xf32>
        %mul3A_71 = arith.mulf %get3A_70, %gather3A_55 : vector<16xf32>
        %swap3A_72 = arith.index_cast %add3A_57 : i32 to index
        %swap3A_73 = arith.constant 16 : index
        %swap3A_74 = tpu.vector_load %arg10[%swap3A_72, %swap3A_73] {strides = array<i32>} : memref<128x128xf32, #tpu.memory_space<vmem>>, vector<1x16xf32>,
        %swap3A_75 = vector.shape_cast %swap3A_74 : vector<1x16xf32> to vector<16xf32>
        %swap3A_76 = vector.shape_cast %mul3A_71 : vector<16xf32> to vector<1x16xf32>
        tpu.vector_store %arg10[%swap3A_72, %swap3A_73], %swap3A_76 {strides = array<i32>} : memref<128x128xf32, #tpu.memory_space<vmem>>, vector<1x16xf32>,
        %get3A_77 = arith.index_cast %add3A_57 : i32 to index
        %get3A_78 = arith.constant 32 : index
        %get3A_79 = tpu.vector_load %arg10[%get3A_77, %get3A_78] {strides = array<i32>} : memref<128x128xf32, #tpu.memory_space<vmem>>, vector<1x16xf32>,
        %get3A_80 = vector.shape_cast %get3A_79 : vector<1x16xf32> to vector<16xf32>
        %mul3A_81 = arith.mulf %get3A_80, %gather3A_55 : vector<16xf32>
        %swap3A_82 = arith.index_cast %add3A_57 : i32 to index
        %swap3A_83 = arith.constant 32 : index
        %swap3A_84 = tpu.vector_load %arg10[%swap3A_82, %swap3A_83] {strides = array<i32>} : memref<128x128xf32, #tpu.memory_space<vmem>>, vector<1x16xf32>,
        %swap3A_85 = vector.shape_cast %swap3A_84 : vector<1x16xf32> to vector<16xf32>
        %swap3A_86 = vector.shape_cast %mul3A_81 : vector<16xf32> to vector<1x16xf32>
        tpu.vector_store %arg10[%swap3A_82, %swap3A_83], %swap3A_86 {strides = array<i32>} : memref<128x128xf32, #tpu.memory_space<vmem>>, vector<1x16xf32>,
        %get3A_87 = arith.index_cast %add3A_57 : i32 to index
        %get3A_88 = arith.constant 48 : index
        %get3A_89 = tpu.vector_load %arg10[%get3A_87, %get3A_88] {strides = array<i32>} : memref<128x128xf32, #tpu.memory_space<vmem>>, vector<1x16xf32>,
        %get3A_90 = vector.shape_cast %get3A_89 : vector<1x16xf32> to vector<16xf32>
        %mul3A_91 = arith.mulf %get3A_90, %gather3A_55 : vector<16xf32>
        %swap3A_92 = arith.index_cast %add3A_57 : i32 to index
        %swap3A_93 = arith.constant 48 : index
        %swap3A_94 = tpu.vector_load %arg10[%swap3A_92, %swap3A_93] {strides = array<i32>} : memref<128x128xf32, #tpu.memory_space<vmem>>, vector<1x16xf32>,
        %swap3A_95 = vector.shape_cast %swap3A_94 : vector<1x16xf32> to vector<16xf32>
        %swap3A_96 = vector.shape_cast %mul3A_91 : vector<16xf32> to vector<1x16xf32>
        tpu.vector_store %arg10[%swap3A_92, %swap3A_93], %swap3A_96 {strides = array<i32>} : memref<128x128xf32, #tpu.memory_space<vmem>>, vector<1x16xf32>,
        %get3A_97 = arith.index_cast %add3A_57 : i32 to index
        %get3A_98 = arith.constant 64 : index
        %get3A_99 = tpu.vector_load %arg10[%get3A_97, %get3A_98] {strides = array<i32>} : memref<128x128xf32, #tpu.memory_space<vmem>>, vector<1x16xf32>,
        %get3A_100 = vector.shape_cast %get3A_99 : vector<1x16xf32> to vector<16xf32>
        %mul3A_101 = arith.mulf %get3A_100, %gather3A_55 : vector<16xf32>
        %swap3A_102 = arith.index_cast %add3A_57 : i32 to index
        %swap3A_103 = arith.constant 64 : index
        %swap3A_104 = tpu.vector_load %arg10[%swap3A_102, %swap3A_103] {strides = array<i32>} : memref<128x128xf32, #tpu.memory_space<vmem>>, vector<1x16xf32>,
        %swap3A_105 = vector.shape_cast %swap3A_104 : vector<1x16xf32> to vector<16xf32>
        %swap3A_106 = vector.shape_cast %mul3A_101 : vector<16xf32> to vector<1x16xf32>
        tpu.vector_store %arg10[%swap3A_102, %swap3A_103], %swap3A_106 {strides = array<i32>} : memref<128x128xf32, #tpu.memory_space<vmem>>, vector<1x16xf32>,
        %get3A_107 = arith.index_cast %add3A_57 : i32 to index
        %get3A_108 = arith.constant 80 : index
        %get3A_109 = tpu.vector_load %arg10[%get3A_107, %get3A_108] {strides = array<i32>} : memref<128x128xf32, #tpu.memory_space<vmem>>, vector<1x16xf32>,
        %get3A_110 = vector.shape_cast %get3A_109 : vector<1x16xf32> to vector<16xf32>
        %mul3A_111 = arith.mulf %get3A_110, %gather3A_55 : vector<16xf32>
        %swap3A_112 = arith.index_cast %add3A_57 : i32 to index
        %swap3A_113 = arith.constant 80 : index
        %swap3A_114 = tpu.vector_load %arg10[%swap3A_112, %swap3A_113] {strides = array<i32>} : memref<128x128xf32, #tpu.memory_space<vmem>>, vector<1x16xf32>,
        %swap3A_115 = vector.shape_cast %swap3A_114 : vector<1x16xf32> to vector<16xf32>
        %swap3A_116 = vector.shape_cast %mul3A_111 : vector<16xf32> to vector<1x16xf32>
        tpu.vector_store %arg10[%swap3A_112, %swap3A_113], %swap3A_116 {strides = array<i32>} : memref<128x128xf32, #tpu.memory_space<vmem>>, vector<1x16xf32>,
        %get3A_117 = arith.index_cast %add3A_57 : i32 to index
        %get3A_118 = arith.constant 96 : index
        %get3A_119 = tpu.vector_load %arg10[%get3A_117, %get3A_118] {strides = array<i32>} : memref<128x128xf32, #tpu.memory_space<vmem>>, vector<1x16xf32>,
        %get3A_120 = vector.shape_cast %get3A_119 : vector<1x16xf32> to vector<16xf32>
        %mul3A_121 = arith.mulf %get3A_120, %gather3A_55 : vector<16xf32>
        %swap3A_122 = arith.index_cast %add3A_57 : i32 to index
        %swap3A_123 = arith.constant 96 : index
        %swap3A_124 = tpu.vector_load %arg10[%swap3A_122, %swap3A_123] {strides = array<i32>} : memref<128x128xf32, #tpu.memory_space<vmem>>, vector<1x16xf32>,
        %swap3A_125 = vector.shape_cast %swap3A_124 : vector<1x16xf32> to vector<16xf32>
        %swap3A_126 = vector.shape_cast %mul3A_121 : vector<16xf32> to vector<1x16xf32>
        tpu.vector_store %arg10[%swap3A_122, %swap3A_123], %swap3A_126 {strides = array<i32>} : memref<128x128xf32, #tpu.memory_space<vmem>>, vector<1x16xf32>,
        %get3A_127 = arith.index_cast %add3A_57 : i32 to index
        %get3A_128 = arith.constant 112 : index
        %get3A_129 = tpu.vector_load %arg10[%get3A_127, %get3A_128] {strides = array<i32>} : memref<128x128xf32, #tpu.memory_space<vmem>>, vector<1x16xf32>,
        %get3A_130 = vector.shape_cast %get3A_129 : vector<1x16xf32> to vector<16xf32>
        %mul3A_131 = arith.mulf %get3A_130, %gather3A_55 : vector<16xf32>
        %swap3A_132 = arith.index_cast %add3A_57 : i32 to index
        %swap3A_133 = arith.constant 112 : index
        %swap3A_134 = tpu.vector_load %arg10[%swap3A_132, %swap3A_133] {strides = array<i32>} : memref<128x128xf32, #tpu.memory_space<vmem>>, vector<1x16xf32>,
        %swap3A_135 = vector.shape_cast %swap3A_134 : vector<1x16xf32> to vector<16xf32>
        %swap3A_136 = vector.shape_cast %mul3A_131 : vector<16xf32> to vector<1x16xf32>
        tpu.vector_store %arg10[%swap3A_132, %swap3A_133], %swap3A_136 {strides = array<i32>} : memref<128x128xf32, #tpu.memory_space<vmem>>, vector<1x16xf32>,
        %broadcast_in_dim3A_137 = arith.constant 1 : i32
        %broadcast_in_dim3A_138 = vector.broadcast %broadcast_in_dim3A_137 : i32 to vector<16xi32>
        %lt3A_139 = arith.constant 0 : i32
        %lt3A_140 = vector.broadcast %lt3A_139 : i32 to vector<16xi32>
        %lt3A_141 = arith.cmpi slt, %broadcast_in_dim3A_138, %lt3A_140 : vector<16xi32>
        %add3A_142 = arith.constant 16 : i32
        %add3A_143 = vector.broadcast %add3A_142 : i32 to vector<16xi32>
        %add3A_144 = arith.addi %broadcast_in_dim3A_138, %add3A_143 : vector<16xi32>
        %select_n3A_145 = arith.select %lt3A_141, %add3A_144, %broadcast_in_dim3A_138 : vector<16xi1>, vector<16xi32>
        %broadcast_in_dim3A_146 = vector.shape_cast %select_n3A_145 : vector<16xi32> to vector<16x1xi32>
        %gather3A_147 = vector.shape_cast %broadcast_in_dim3A_146 : vector<16x1xi32> to vector<16xi32>
        %gather3A_148 = tpu.dynamic_gather %get3A_47[%gather3A_147] in [0] : vector<16xf32>, vector<16xi32> -> vector<16xf32>
        %add3A_149 = arith.constant 1 : i32
        %add3A_150 = arith.addi %multiple_of3A, %add3A_149 : i32
        %get3A_151 = arith.index_cast %add3A_150 : i32 to index
        %get3A_152 = arith.constant 0 : index
        %get3A_153 = tpu.vector_load %arg10[%get3A_151, %get3A_152] {strides = array<i32>} : memref<128x128xf32, #tpu.memory_space<vmem>>, vector<1x16xf32>,
        %get3A_154 = vector.shape_cast %get3A_153 : vector<1x16xf32> to vector<16xf32>
        %mul3A_155 = arith.mulf %get3A_154, %gather3A_148 : vector<16xf32>
        %swap3A_156 = arith.index_cast %add3A_150 : i32 to index
        %swap3A_157 = arith.constant 0 : index
        %swap3A_158 = tpu.vector_load %arg10[%swap3A_156, %swap3A_157] {strides = array<i32>} : memref<128x128xf32, #tpu.memory_space<vmem>>, vector<1x16xf32>,
        %swap3A_159 = vector.shape_cast %swap3A_158 : vector<1x16xf32> to vector<16xf32>
        %swap3A_160 = vector.shape_cast %mul3A_155 : vector<16xf32> to vector<1x16xf32>
        tpu.vector_store %arg10[%swap3A_156, %swap3A_157], %swap3A_160 {strides = array<i32>} : memref<128x128xf32, #tpu.memory_space<vmem>>, vector<1x16xf32>,
        %get3A_161 = arith.index_cast %add3A_150 : i32 to index
        %get3A_162 = arith.constant 16 : index
        %get3A_163 = tpu.vector_load %arg10[%get3A_161, %get3A_162] {strides = array<i32>} : memref<128x128xf32, #tpu.memory_space<vmem>>, vector<1x16xf32>,
        %get3A_164 = vector.shape_cast %get3A_163 : vector<1x16xf32> to vector<16xf32>
        %mul3A_165 = arith.mulf %get3A_164, %gather3A_148 : vector<16xf32>
        %swap3A_166 = arith.index_cast %add3A_150 : i32 to index
        %swap3A_167 = arith.constant 16 : index
        %swap3A_168 = tpu.vector_load %arg10[%swap3A_166, %swap3A_167] {strides = array<i32>} : memref<128x128xf32, #tpu.memory_space<vmem>>, vector<1x16xf32>,
        %swap3A_169 = vector.shape_cast %swap3A_168 : vector<1x16xf32> to vector<16xf32>
        %swap3A_170 = vector.shape_cast %mul3A_165 : vector<16xf32> to vector<1x16xf32>
        tpu.vector_store %arg10[%swap3A_166, %swap3A_167], %swap3A_170 {strides = array<i32>} : memref<128x128xf32, #tpu.memory_space<vmem>>, vector<1x16xf32>,
        %get3A_171 = arith.index_cast %add3A_150 : i32 to index
        %get3A_172 = arith.constant 32 : index
        %get3A_173 = tpu.vector_load %arg10[%get3A_171, %get3A_172] {strides = array<i32>} : memref<128x128xf32, #tpu.memory_space<vmem>>, vector<1x16xf32>,
        %get3A_174 = vector.shape_cast %get3A_173 : vector<1x16xf32> to vector<16xf32>
        %mul3A_175 = arith.mulf %get3A_174, %gather3A_148 : vector<16xf32>
        %swap3A_176 = arith.index_cast %add3A_150 : i32 to index
        %swap3A_177 = arith.constant 32 : index
        %swap3A_178 = tpu.vector_load %arg10[%swap3A_176, %swap3A_177] {strides = array<i32>} : memref<128x128xf32, #tpu.memory_space<vmem>>, vector<1x16xf32>,
        %swap3A_179 = vector.shape_cast %swap3A_178 : vector<1x16xf32> to vector<16xf32>
        %swap3A_180 = vector.shape_cast %mul3A_175 : vector<16xf32> to vector<1x16xf32>
        tpu.vector_store %arg10[%swap3A_176, %swap3A_177], %swap3A_180 {strides = array<i32>} : memref<128x128xf32, #tpu.memory_space<vmem>>, vector<1x16xf32>,
        %get3A_181 = arith.index_cast %add3A_150 : i32 to index
        %get3A_182 = arith.constant 48 : index
        %get3A_183 = tpu.vector_load %arg10[%get3A_181, %get3A_182] {strides = array<i32>} : memref<128x128xf32, #tpu.memory_space<vmem>>, vector<1x16xf32>,
        %get3A_184 = vector.shape_cast %get3A_183 : vector<1x16xf32> to vector<16xf32>
        %mul3A_185 = arith.mulf %get3A_184, %gather3A_148 : vector<16xf32>
        %swap3A_186 = arith.index_cast %add3A_150 : i32 to index
        %swap3A_187 = arith.constant 48 : index
        %swap3A_188 = tpu.vector_load %arg10[%swap3A_186, %swap3A_187] {strides = array<i32>} : memref<128x128xf32, #tpu.memory_space<vmem>>, vector<1x16xf32>,
        %swap3A_189 = vector.shape_cast %swap3A_188 : vector<1x16xf32> to vector<16xf32>
        %swap3A_190 = vector.shape_cast %mul3A_185 : vector<16xf32> to vector<1x16xf32>
        tpu.vector_store %arg10[%swap3A_186, %swap3A_187], %swap3A_190 {strides = array<i32>} : memref<128x128xf32, #tpu.memory_space<vmem>>, vector<1x16xf32>,
        %get3A_191 = arith.index_cast %add3A_150 : i32 to index
        %get3A_192 = arith.constant 64 : index
        %get3A_193 = tpu.vector_load %arg10[%get3A_191, %get3A_192] {strides = array<i32>} : memref<128x128xf32, #tpu.memory_space<vmem>>, vector<1x16xf32>,
        %get3A_194 = vector.shape_cast %get3A_193 : vector<1x16xf32> to vector<16xf32>
        %mul3A_195 = arith.mulf %get3A_194, %gather3A_148 : vector<16xf32>
        %swap3A_196 = arith.index_cast %add3A_150 : i32 to index
        %swap3A_197 = arith.constant 64 : index
        %swap3A_198 = tpu.vector_load %arg10[%swap3A_196, %swap3A_197] {strides = array<i32>} : memref<128x128xf32, #tpu.memory_space<vmem>>, vector<1x16xf32>,
        %swap3A_199 = vector.shape_cast %swap3A_198 : vector<1x16xf32> to vector<16xf32>
        %swap3A_200 = vector.shape_cast %mul3A_195 : vector<16xf32> to vector<1x16xf32>
        tpu.vector_store %arg10[%swap3A_196, %swap3A_197], %swap3A_200 {strides = array<i32>} : memref<128x128xf32, #tpu.memory_space<vmem>>, vector<1x16xf32>,
        %get3A_201 = arith.index_cast %add3A_150 : i32 to index
        %get3A_202 = arith.constant 80 : index
        %get3A_203 = tpu.vector_load %arg10[%get3A_201, %get3A_202] {strides = array<i32>} : memref<128x128xf32, #tpu.memory_space<vmem>>, vector<1x16xf32>,
        %get3A_204 = vector.shape_cast %get3A_203 : vector<1x16xf32> to vector<16xf32>
        %mul3A_205 = arith.mulf %get3A_204, %gather3A_148 : vector<16xf32>
        %swap3A_206 = arith.index_cast %add3A_150 : i32 to index
        %swap3A_207 = arith.constant 80 : index
        %swap3A_208 = tpu.vector_load %arg10[%swap3A_206, %swap3A_207] {strides = array<i32>} : memref<128x128xf32, #tpu.memory_space<vmem>>, vector<1x16xf32>,
        %swap3A_209 = vector.shape_cast %swap3A_208 : vector<1x16xf32> to vector<16xf32>
        %swap3A_210 = vector.shape_cast %mul3A_205 : vector<16xf32> to vector<1x16xf32>
        tpu.vector_store %arg10[%swap3A_206, %swap3A_207], %swap3A_210 {strides = array<i32>} : memref<128x128xf32, #tpu.memory_space<vmem>>, vector<1x16xf32>,
        %get3A_211 = arith.index_cast %add3A_150 : i32 to index
        %get3A_212 = arith.constant 96 : index
        %get3A_213 = tpu.vector_load %arg10[%get3A_211, %get3A_212] {strides = array<i32>} : memref<128x128xf32, #tpu.memory_space<vmem>>, vector<1x16xf32>,
        %get3A_214 = vector.shape_cast %get3A_213 : vector<1x16xf32> to vector<16xf32>
        %mul3A_215 = arith.mulf %get3A_214, %gather3A_148 : vector<16xf32>
        %swap3A_216 = arith.index_cast %add3A_150 : i32 to index
        %swap3A_217 = arith.constant 96 : index
        %swap3A_218 = tpu.vector_load %arg10[%swap3A_216, %swap3A_217] {strides = array<i32>} : memref<128x128xf32, #tpu.memory_space<vmem>>, vector<1x16xf32>,
        %swap3A_219 = vector.shape_cast %swap3A_218 : vector<1x16xf32> to vector<16xf32>
        %swap3A_220 = vector.shape_cast %mul3A_215 : vector<16xf32> to vector<1x16xf32>
        tpu.vector_store %arg10[%swap3A_216, %swap3A_217], %swap3A_220 {strides = array<i32>} : memref<128x128xf32, #tpu.memory_space<vmem>>, vector<1x16xf32>,
        %get3A_221 = arith.index_cast %add3A_150 : i32 to index
        %get3A_222 = arith.constant 112 : index
        %get3A_223 = tpu.vector_load %arg10[%get3A_221, %get3A_222] {strides = array<i32>} : memref<128x128xf32, #tpu.memory_space<vmem>>, vector<1x16xf32>,
        %get3A_224 = vector.shape_cast %get3A_223 : vector<1x16xf32> to vector<16xf32>
        %mul3A_225 = arith.mulf %get3A_224, %gather3A_148 : vector<16xf32>
        %swap3A_226 = arith.index_cast %add3A_150 : i32 to index
        %swap3A_227 = arith.constant 112 : index
        %swap3A_228 = tpu.vector_load %arg10[%swap3A_226, %swap3A_227] {strides = array<i32>} : memref<128x128xf32, #tpu.memory_space<vmem>>, vector<1x16xf32>,
        %swap3A_229 = vector.shape_cast %swap3A_228 : vector<1x16xf32> to vector<16xf32>
        %swap3A_230 = vector.shape_cast %mul3A_225 : vector<16xf32> to vector<1x16xf32>
        tpu.vector_store %arg10[%swap3A_226, %swap3A_227], %swap3A_230 {strides = array<i32>} : memref<128x128xf32, #tpu.memory_space<vmem>>, vector<1x16xf32>,
        %broadcast_in_dim3A_231 = arith.constant 2 : i32
        %broadcast_in_dim3A_232 = vector.broadcast %broadcast_in_dim3A_231 : i32 to vector<16xi32>
        %lt3A_233 = arith.constant 0 : i32
        %lt3A_234 = vector.broadcast %lt3A_233 : i32 to vector<16xi32>
        %lt3A_235 = arith.cmpi slt, %broadcast_in_dim3A_232, %lt3A_234 : vector<16xi32>
        %add3A_236 = arith.constant 16 : i32
        %add3A_237 = vector.broadcast %add3A_236 : i32 to vector<16xi32>
        %add3A_238 = arith.addi %broadcast_in_dim3A_232, %add3A_237 : vector<16xi32>
        %select_n3A_239 = arith.select %lt3A_235, %add3A_238, %broadcast_in_dim3A_232 : vector<16xi1>, vector<16xi32>
        %broadcast_in_dim3A_240 = vector.shape_cast %select_n3A_239 : vector<16xi32> to vector<16x1xi32>
        %gather3A_241 = vector.shape_cast %broadcast_in_dim3A_240 : vector<16x1xi32> to vector<16xi32>
        %gather3A_242 = tpu.dynamic_gather %get3A_47[%gather3A_241] in [0] : vector<16xf32>, vector<16xi32> -> vector<16xf32>
        %add3A_243 = arith.constant 2 : i32
        %add3A_244 = arith.addi %multiple_of3A, %add3A_243 : i32
        %get3A_245 = arith.index_cast %add3A_244 : i32 to index
        %get3A_246 = arith.constant 0 : index
        %get3A_247 = tpu.vector_load %arg10[%get3A_245, %get3A_246] {strides = array<i32>} : memref<128x128xf32, #tpu.memory_space<vmem>>, vector<1x16xf32>,
        %get3A_248 = vector.shape_cast %get3A_247 : vector<1x16xf32> to vector<16xf32>
        %mul3A_249 = arith.mulf %get3A_248, %gather3A_242 : vector<16xf32>
        %swap3A_250 = arith.index_cast %add3A_244 : i32 to index
        %swap3A_251 = arith.constant 0 : index
        %swap3A_252 = tpu.vector_load %arg10[%swap3A_250, %swap3A_251] {strides = array<i32>} : memref<128x128xf32, #tpu.memory_space<vmem>>, vector<1x16xf32>,
        %swap3A_253 = vector.shape_cast %swap3A_252 : vector<1x16xf32> to vector<16xf32>
        %swap3A_254 = vector.shape_cast %mul3A_249 : vector<16xf32> to vector<1x16xf32>
        tpu.vector_store %arg10[%swap3A_250, %swap3A_251], %swap3A_254 {strides = array<i32>} : memref<128x128xf32, #tpu.memory_space<vmem>>, vector<1x16xf32>,
        %get3A_255 = arith.index_cast %add3A_244 : i32 to index
        %get3A_256 = arith.constant 16 : index
        %get3A_257 = tpu.vector_load %arg10[%get3A_255, %get3A_256] {strides = array<i32>} : memref<128x128xf32, #tpu.memory_space<vmem>>, vector<1x16xf32>,
        %get3A_258 = vector.shape_cast %get3A_257 : vector<1x16xf32> to vector<16xf32>
        %mul3A_259 = arith.mulf %get3A_258, %gather3A_242 : vector<16xf32>
        %swap3A_260 = arith.index_cast %add3A_244 : i32 to index
        %swap3A_261 = arith.constant 16 : index
        %swap3A_262 = tpu.vector_load %arg10[%swap3A_260, %swap3A_261] {strides = array<i32>} : memref<128x128xf32, #tpu.memory_space<vmem>>, vector<1x16xf32>,
        %swap3A_263 = vector.shape_cast %swap3A_262 : vector<1x16xf32> to vector<16xf32>
        %swap3A_264 = vector.shape_cast %mul3A_259 : vector<16xf32> to vector<1x16xf32>
        tpu.vector_store %arg10[%swap3A_260, %swap3A_261], %swap3A_264 {strides = array<i32>} : memref<128x128xf32, #tpu.memory_space<vmem>>, vector<1x16xf32>,
        %get3A_265 = arith.index_cast %add3A_244 : i32 to index
        %get3A_266 = arith.constant 32 : index
        %get3A_267 = tpu.vector_load %arg10[%get3A_265, %get3A_266] {strides = array<i32>} : memref<128x128xf32, #tpu.memory_space<vmem>>, vector<1x16xf32>,
        %get3A_268 = vector.shape_cast %get3A_267 : vector<1x16xf32> to vector<16xf32>
        %mul3A_269 = arith.mulf %get3A_268, %gather3A_242 : vector<16xf32>
        %swap3A_270 = arith.index_cast %add3A_244 : i32 to index
        %swap3A_271 = arith.constant 32 : index
        %swap3A_272 = tpu.vector_load %arg10[%swap3A_270, %swap3A_271] {strides = array<i32>} : memref<128x128xf32, #tpu.memory_space<vmem>>, vector<1x16xf32>,
        %swap3A_273 = vector.shape_cast %swap3A_272 : vector<1x16xf32> to vector<16xf32>
        %swap3A_274 = vector.shape_cast %mul3A_269 : vector<16xf32> to vector<1x16xf32>
        tpu.vector_store %arg10[%swap3A_270, %swap3A_271], %swap3A_274 {strides = array<i32>} : memref<128x128xf32, #tpu.memory_space<vmem>>, vector<1x16xf32>,
        %get3A_275 = arith.index_cast %add3A_244 : i32 to index
        %get3A_276 = arith.constant 48 : index
        %get3A_277 = tpu.vector_load %arg10[%get3A_275, %get3A_276] {strides = array<i32>} : memref<128x128xf32, #tpu.memory_space<vmem>>, vector<1x16xf32>,
        %get3A_278 = vector.shape_cast %get3A_277 : vector<1x16xf32> to vector<16xf32>
        %mul3A_279 = arith.mulf %get3A_278, %gather3A_242 : vector<16xf32>
        %swap3A_280 = arith.index_cast %add3A_244 : i32 to index
        %swap3A_281 = arith.constant 48 : index
        %swap3A_282 = tpu.vector_load %arg10[%swap3A_280, %swap3A_281] {strides = array<i32>} : memref<128x128xf32, #tpu.memory_space<vmem>>, vector<1x16xf32>,
        %swap3A_283 = vector.shape_cast %swap3A_282 : vector<1x16xf32> to vector<16xf32>
        %swap3A_284 = vector.shape_cast %mul3A_279 : vector<16xf32> to vector<1x16xf32>
        tpu.vector_store %arg10[%swap3A_280, %swap3A_281], %swap3A_284 {strides = array<i32>} : memref<128x128xf32, #tpu.memory_space<vmem>>, vector<1x16xf32>,
        %get3A_285 = arith.index_cast %add3A_244 : i32 to index
        %get3A_286 = arith.constant 64 : index
        %get3A_287 = tpu.vector_load %arg10[%get3A_285, %get3A_286] {strides = array<i32>} : memref<128x128xf32, #tpu.memory_space<vmem>>, vector<1x16xf32>,
        %get3A_288 = vector.shape_cast %get3A_287 : vector<1x16xf32> to vector<16xf32>
        %mul3A_289 = arith.mulf %get3A_288, %gather3A_242 : vector<16xf32>
        %swap3A_290 = arith.index_cast %add3A_244 : i32 to index
        %swap3A_291 = arith.constant 64 : index
        %swap3A_292 = tpu.vector_load %arg10[%swap3A_290, %swap3A_291] {strides = array<i32>} : memref<128x128xf32, #tpu.memory_space<vmem>>, vector<1x16xf32>,
        %swap3A_293 = vector.shape_cast %swap3A_292 : vector<1x16xf32> to vector<16xf32>
        %swap3A_294 = vector.shape_cast %mul3A_289 : vector<16xf32> to vector<1x16xf32>
        tpu.vector_store %arg10[%swap3A_290, %swap3A_291], %swap3A_294 {strides = array<i32>} : memref<128x128xf32, #tpu.memory_space<vmem>>, vector<1x16xf32>,
        %get3A_295 = arith.index_cast %add3A_244 : i32 to index
        %get3A_296 = arith.constant 80 : index
        %get3A_297 = tpu.vector_load %arg10[%get3A_295, %get3A_296] {strides = array<i32>} : memref<128x128xf32, #tpu.memory_space<vmem>>, vector<1x16xf32>,
        %get3A_298 = vector.shape_cast %get3A_297 : vector<1x16xf32> to vector<16xf32>
        %mul3A_299 = arith.mulf %get3A_298, %gather3A_242 : vector<16xf32>
        %swap3A_300 = arith.index_cast %add3A_244 : i32 to index
        %swap3A_301 = arith.constant 80 : index
        %swap3A_302 = tpu.vector_load %arg10[%swap3A_300, %swap3A_301] {strides = array<i32>} : memref<128x128xf32, #tpu.memory_space<vmem>>, vector<1x16xf32>,
        %swap3A_303 = vector.shape_cast %swap3A_302 : vector<1x16xf32> to vector<16xf32>
        %swap3A_304 = vector.shape_cast %mul3A_299 : vector<16xf32> to vector<1x16xf32>
        tpu.vector_store %arg10[%swap3A_300, %swap3A_301], %swap3A_304 {strides = array<i32>} : memref<128x128xf32, #tpu.memory_space<vmem>>, vector<1x16xf32>,
        %get3A_305 = arith.index_cast %add3A_244 : i32 to index
        %get3A_306 = arith.constant 96 : index
        %get3A_307 = tpu.vector_load %arg10[%get3A_305, %get3A_306] {strides = array<i32>} : memref<128x128xf32, #tpu.memory_space<vmem>>, vector<1x16xf32>,
        %get3A_308 = vector.shape_cast %get3A_307 : vector<1x16xf32> to vector<16xf32>
        %mul3A_309 = arith.mulf %get3A_308, %gather3A_242 : vector<16xf32>
        %swap3A_310 = arith.index_cast %add3A_244 : i32 to index
        %swap3A_311 = arith.constant 96 : index
        %swap3A_312 = tpu.vector_load %arg10[%swap3A_310, %swap3A_311] {strides = array<i32>} : memref<128x128xf32, #tpu.memory_space<vmem>>, vector<1x16xf32>,
        %swap3A_313 = vector.shape_cast %swap3A_312 : vector<1x16xf32> to vector<16xf32>
        %swap3A_314 = vector.shape_cast %mul3A_309 : vector<16xf32> to vector<1x16xf32>
        tpu.vector_store %arg10[%swap3A_310, %swap3A_311], %swap3A_314 {strides = array<i32>} : memref<128x128xf32, #tpu.memory_space<vmem>>, vector<1x16xf32>,
        %get3A_315 = arith.index_cast %add3A_244 : i32 to index
        %get3A_316 = arith.constant 112 : index
        %get3A_317 = tpu.vector_load %arg10[%get3A_315, %get3A_316] {strides = array<i32>} : memref<128x128xf32, #tpu.memory_space<vmem>>, vector<1x16xf32>,
        %get3A_318 = vector.shape_cast %get3A_317 : vector<1x16xf32> to vector<16xf32>
        %mul3A_319 = arith.mulf %get3A_318, %gather3A_242 : vector<16xf32>
        %swap3A_320 = arith.index_cast %add3A_244 : i32 to index
        %swap3A_321 = arith.constant 112 : index
        %swap3A_322 = tpu.vector_load %arg10[%swap3A_320, %swap3A_321] {strides = array<i32>} : memref<128x128xf32, #tpu.memory_space<vmem>>, vector<1x16xf32>,
        %swap3A_323 = vector.shape_cast %swap3A_322 : vector<1x16xf32> to vector<16xf32>
        %swap3A_324 = vector.shape_cast %mul3A_319 : vector<16xf32> to vector<1x16xf32>
        tpu.vector_store %arg10[%swap3A_320, %swap3A_321], %swap3A_324 {strides = array<i32>} : memref<128x128xf32, #tpu.memory_space<vmem>>, vector<1x16xf32>,
        %broadcast_in_dim3A_325 = arith.constant 3 : i32
        %broadcast_in_dim3A_326 = vector.broadcast %broadcast_in_dim3A_325 : i32 to vector<16xi32>
        %lt3A_327 = arith.constant 0 : i32
        %lt3A_328 = vector.broadcast %lt3A_327 : i32 to vector<16xi32>
        %lt3A_329 = arith.cmpi slt, %broadcast_in_dim3A_326, %lt3A_328 : vector<16xi32>
        %add3A_330 = arith.constant 16 : i32
        %add3A_331 = vector.broadcast %add3A_330 : i32 to vector<16xi32>
        %add3A_332 = arith.addi %broadcast_in_dim3A_326, %add3A_331 : vector<16xi32>
        %select_n3A_333 = arith.select %lt3A_329, %add3A_332, %broadcast_in_dim3A_326 : vector<16xi1>, vector<16xi32>
        %broadcast_in_dim3A_334 = vector.shape_cast %select_n3A_333 : vector<16xi32> to vector<16x1xi32>
        %gather3A_335 = vector.shape_cast %broadcast_in_dim3A_334 : vector<16x1xi32> to vector<16xi32>
        %gather3A_336 = tpu.dynamic_gather %get3A_47[%gather3A_335] in [0] : vector<16xf32>, vector<16xi32> -> vector<16xf32>
        %add3A_337 = arith.constant 3 : i32
        %add3A_338 = arith.addi %multiple_of3A, %add3A_337 : i32
        %get3A_339 = arith.index_cast %add3A_338 : i32 to index
        %get3A_340 = arith.constant 0 : index
        %get3A_341 = tpu.vector_load %arg10[%get3A_339, %get3A_340] {strides = array<i32>} : memref<128x128xf32, #tpu.memory_space<vmem>>, vector<1x16xf32>,
        %get3A_342 = vector.shape_cast %get3A_341 : vector<1x16xf32> to vector<16xf32>
        %mul3A_343 = arith.mulf %get3A_342, %gather3A_336 : vector<16xf32>
        %swap3A_344 = arith.index_cast %add3A_338 : i32 to index
        %swap3A_345 = arith.constant 0 : index
        %swap3A_346 = tpu.vector_load %arg10[%swap3A_344, %swap3A_345] {strides = array<i32>} : memref<128x128xf32, #tpu.memory_space<vmem>>, vector<1x16xf32>,
        %swap3A_347 = vector.shape_cast %swap3A_346 : vector<1x16xf32> to vector<16xf32>
        %swap3A_348 = vector.shape_cast %mul3A_343 : vector<16xf32> to vector<1x16xf32>
        tpu.vector_store %arg10[%swap3A_344, %swap3A_345], %swap3A_348 {strides = array<i32>} : memref<128x128xf32, #tpu.memory_space<vmem>>, vector<1x16xf32>,
        %get3A_349 = arith.index_cast %add3A_338 : i32 to index
        %get3A_350 = arith.constant 16 : index
        %get3A_351 = tpu.vector_load %arg10[%get3A_349, %get3A_350] {strides = array<i32>} : memref<128x128xf32, #tpu.memory_space<vmem>>, vector<1x16xf32>,
        %get3A_352 = vector.shape_cast %get3A_351 : vector<1x16xf32> to vector<16xf32>
        %mul3A_353 = arith.mulf %get3A_352, %gather3A_336 : vector<16xf32>
        %swap3A_354 = arith.index_cast %add3A_338 : i32 to index
        %swap3A_355 = arith.constant 16 : index
        %swap3A_356 = tpu.vector_load %arg10[%swap3A_354, %swap3A_355] {strides = array<i32>} : memref<128x128xf32, #tpu.memory_space<vmem>>, vector<1x16xf32>,
        %swap3A_357 = vector.shape_cast %swap3A_356 : vector<1x16xf32> to vector<16xf32>
        %swap3A_358 = vector.shape_cast %mul3A_353 : vector<16xf32> to vector<1x16xf32>
        tpu.vector_store %arg10[%swap3A_354, %swap3A_355], %swap3A_358 {strides = array<i32>} : memref<128x128xf32, #tpu.memory_space<vmem>>, vector<1x16xf32>,
        %get3A_359 = arith.index_cast %add3A_338 : i32 to index
        %get3A_360 = arith.constant 32 : index
        %get3A_361 = tpu.vector_load %arg10[%get3A_359, %get3A_360] {strides = array<i32>} : memref<128x128xf32, #tpu.memory_space<vmem>>, vector<1x16xf32>,
        %get3A_362 = vector.shape_cast %get3A_361 : vector<1x16xf32> to vector<16xf32>
        %mul3A_363 = arith.mulf %get3A_362, %gather3A_336 : vector<16xf32>
        %swap3A_364 = arith.index_cast %add3A_338 : i32 to index
        %swap3A_365 = arith.constant 32 : index
        %swap3A_366 = tpu.vector_load %arg10[%swap3A_364, %swap3A_365] {strides = array<i32>} : memref<128x128xf32, #tpu.memory_space<vmem>>, vector<1x16xf32>,
        %swap3A_367 = vector.shape_cast %swap3A_366 : vector<1x16xf32> to vector<16xf32>
        %swap3A_368 = vector.shape_cast %mul3A_363 : vector<16xf32> to vector<1x16xf32>
        tpu.vector_store %arg10[%swap3A_364, %swap3A_365], %swap3A_368 {strides = array<i32>} : memref<128x128xf32, #tpu.memory_space<vmem>>, vector<1x16xf32>,
        %get3A_369 = arith.index_cast %add3A_338 : i32 to index
        %get3A_370 = arith.constant 48 : index
        %get3A_371 = tpu.vector_load %arg10[%get3A_369, %get3A_370] {strides = array<i32>} : memref<128x128xf32, #tpu.memory_space<vmem>>, vector<1x16xf32>,
        %get3A_372 = vector.shape_cast %get3A_371 : vector<1x16xf32> to vector<16xf32>
        %mul3A_373 = arith.mulf %get3A_372, %gather3A_336 : vector<16xf32>
        %swap3A_374 = arith.index_cast %add3A_338 : i32 to index
        %swap3A_375 = arith.constant 48 : index
        %swap3A_376 = tpu.vector_load %arg10[%swap3A_374, %swap3A_375] {strides = array<i32>} : memref<128x128xf32, #tpu.memory_space<vmem>>, vector<1x16xf32>,
        %swap3A_377 = vector.shape_cast %swap3A_376 : vector<1x16xf32> to vector<16xf32>
        %swap3A_378 = vector.shape_cast %mul3A_373 : vector<16xf32> to vector<1x16xf32>
        tpu.vector_store %arg10[%swap3A_374, %swap3A_375], %swap3A_378 {strides = array<i32>} : memref<128x128xf32, #tpu.memory_space<vmem>>, vector<1x16xf32>,
        %get3A_379 = arith.index_cast %add3A_338 : i32 to index
        %get3A_380 = arith.constant 64 : index
        %get3A_381 = tpu.vector_load %arg10[%get3A_379, %get3A_380] {strides = array<i32>} : memref<128x128xf32, #tpu.memory_space<vmem>>, vector<1x16xf32>,
        %get3A_382 = vector.shape_cast %get3A_381 : vector<1x16xf32> to vector<16xf32>
        %mul3A_383 = arith.mulf %get3A_382, %gather3A_336 : vector<16xf32>
        %swap3A_384 = arith.index_cast %add3A_338 : i32 to index
        %swap3A_385 = arith.constant 64 : index
        %swap3A_386 = tpu.vector_load %arg10[%swap3A_384, %swap3A_385] {strides = array<i32>} : memref<128x128xf32, #tpu.memory_space<vmem>>, vector<1x16xf32>,
        %swap3A_387 = vector.shape_cast %swap3A_386 : vector<1x16xf32> to vector<16xf32>
        %swap3A_388 = vector.shape_cast %mul3A_383 : vector<16xf32> to vector<1x16xf32>
        tpu.vector_store %arg10[%swap3A_384, %swap3A_385], %swap3A_388 {strides = array<i32>} : memref<128x128xf32, #tpu.memory_space<vmem>>, vector<1x16xf32>,
        %get3A_389 = arith.index_cast %add3A_338 : i32 to index
        %get3A_390 = arith.constant 80 : index
        %get3A_391 = tpu.vector_load %arg10[%get3A_389, %get3A_390] {strides = array<i32>} : memref<128x128xf32, #tpu.memory_space<vmem>>, vector<1x16xf32>,
        %get3A_392 = vector.shape_cast %get3A_391 : vector<1x16xf32> to vector<16xf32>
        %mul3A_393 = arith.mulf %get3A_392, %gather3A_336 : vector<16xf32>
        %swap3A_394 = arith.index_cast %add3A_338 : i32 to index
        %swap3A_395 = arith.constant 80 : index
        %swap3A_396 = tpu.vector_load %arg10[%swap3A_394, %swap3A_395] {strides = array<i32>} : memref<128x128xf32, #tpu.memory_space<vmem>>, vector<1x16xf32>,
        %swap3A_397 = vector.shape_cast %swap3A_396 : vector<1x16xf32> to vector<16xf32>
        %swap3A_398 = vector.shape_cast %mul3A_393 : vector<16xf32> to vector<1x16xf32>
        tpu.vector_store %arg10[%swap3A_394, %swap3A_395], %swap3A_398 {strides = array<i32>} : memref<128x128xf32, #tpu.memory_space<vmem>>, vector<1x16xf32>,
        %get3A_399 = arith.index_cast %add3A_338 : i32 to index
        %get3A_400 = arith.constant 96 : index
        %get3A_401 = tpu.vector_load %arg10[%get3A_399, %get3A_400] {strides = array<i32>} : memref<128x128xf32, #tpu.memory_space<vmem>>, vector<1x16xf32>,
        %get3A_402 = vector.shape_cast %get3A_401 : vector<1x16xf32> to vector<16xf32>
        %mul3A_403 = arith.mulf %get3A_402, %gather3A_336 : vector<16xf32>
        %swap3A_404 = arith.index_cast %add3A_338 : i32 to index
        %swap3A_405 = arith.constant 96 : index
        %swap3A_406 = tpu.vector_load %arg10[%swap3A_404, %swap3A_405] {strides = array<i32>} : memref<128x128xf32, #tpu.memory_space<vmem>>, vector<1x16xf32>,
        %swap3A_407 = vector.shape_cast %swap3A_406 : vector<1x16xf32> to vector<16xf32>
        %swap3A_408 = vector.shape_cast %mul3A_403 : vector<16xf32> to vector<1x16xf32>
        tpu.vector_store %arg10[%swap3A_404, %swap3A_405], %swap3A_408 {strides = array<i32>} : memref<128x128xf32, #tpu.memory_space<vmem>>, vector<1x16xf32>,
        %get3A_409 = arith.index_cast %add3A_338 : i32 to index
        %get3A_410 = arith.constant 112 : index
        %get3A_411 = tpu.vector_load %arg10[%get3A_409, %get3A_410] {strides = array<i32>} : memref<128x128xf32, #tpu.memory_space<vmem>>, vector<1x16xf32>,
        %get3A_412 = vector.shape_cast %get3A_411 : vector<1x16xf32> to vector<16xf32>
        %mul3A_413 = arith.mulf %get3A_412, %gather3A_336 : vector<16xf32>
        %swap3A_414 = arith.index_cast %add3A_338 : i32 to index
        %swap3A_415 = arith.constant 112 : index
        %swap3A_416 = tpu.vector_load %arg10[%swap3A_414, %swap3A_415] {strides = array<i32>} : memref<128x128xf32, #tpu.memory_space<vmem>>, vector<1x16xf32>,
        %swap3A_417 = vector.shape_cast %swap3A_416 : vector<1x16xf32> to vector<16xf32>
        %swap3A_418 = vector.shape_cast %mul3A_413 : vector<16xf32> to vector<1x16xf32>
        tpu.vector_store %arg10[%swap3A_414, %swap3A_415], %swap3A_418 {strides = array<i32>} : memref<128x128xf32, #tpu.memory_space<vmem>>, vector<1x16xf32>,
        %broadcast_in_dim3A_419 = arith.constant 4 : i32
        %broadcast_in_dim3A_420 = vector.broadcast %broadcast_in_dim3A_419 : i32 to vector<16xi32>
        %lt3A_421 = arith.constant 0 : i32
        %lt3A_422 = vector.broadcast %lt3A_421 : i32 to vector<16xi32>
        %lt3A_423 = arith.cmpi slt, %broadcast_in_dim3A_420, %lt3A_422 : vector<16xi32>
        %add3A_424 = arith.constant 16 : i32
        %add3A_425 = vector.broadcast %add3A_424 : i32 to vector<16xi32>
        %add3A_426 = arith.addi %broadcast_in_dim3A_420, %add3A_425 : vector<16xi32>
        %select_n3A_427 = arith.select %lt3A_423, %add3A_426, %broadcast_in_dim3A_420 : vector<16xi1>, vector<16xi32>
        %broadcast_in_dim3A_428 = vector.shape_cast %select_n3A_427 : vector<16xi32> to vector<16x1xi32>
        %gather3A_429 = vector.shape_cast %broadcast_in_dim3A_428 : vector<16x1xi32> to vector<16xi32>
        %gather3A_430 = tpu.dynamic_gather %get3A_47[%gather3A_429] in [0] : vector<16xf32>, vector<16xi32> -> vector<16xf32>
        %add3A_431 = arith.constant 4 : i32
        %add3A_432 = arith.addi %multiple_of3A, %add3A_431 : i32
        %get3A_433 = arith.index_cast %add3A_432 : i32 to index
        %get3A_434 = arith.constant 0 : index
        %get3A_435 = tpu.vector_load %arg10[%get3A_433, %get3A_434] {strides = array<i32>} : memref<128x128xf32, #tpu.memory_space<vmem>>, vector<1x16xf32>,
        %get3A_436 = vector.shape_cast %get3A_435 : vector<1x16xf32> to vector<16xf32>
        %mul3A_437 = arith.mulf %get3A_436, %gather3A_430 : vector<16xf32>
        %swap3A_438 = arith.index_cast %add3A_432 : i32 to index
        %swap3A_439 = arith.constant 0 : index
        %swap3A_440 = tpu.vector_load %arg10[%swap3A_438, %swap3A_439] {strides = array<i32>} : memref<128x128xf32, #tpu.memory_space<vmem>>, vector<1x16xf32>,
        %swap3A_441 = vector.shape_cast %swap3A_440 : vector<1x16xf32> to vector<16xf32>
        %swap3A_442 = vector.shape_cast %mul3A_437 : vector<16xf32> to vector<1x16xf32>
        tpu.vector_store %arg10[%swap3A_438, %swap3A_439], %swap3A_442 {strides = array<i32>} : memref<128x128xf32, #tpu.memory_space<vmem>>, vector<1x16xf32>,
        %get3A_443 = arith.index_cast %add3A_432 : i32 to index
        %get3A_444 = arith.constant 16 : index
        %get3A_445 = tpu.vector_load %arg10[%get3A_443, %get3A_444] {strides = array<i32>} : memref<128x128xf32, #tpu.memory_space<vmem>>, vector<1x16xf32>,
        %get3A_446 = vector.shape_cast %get3A_445 : vector<1x16xf32> to vector<16xf32>
        %mul3A_447 = arith.mulf %get3A_446, %gather3A_430 : vector<16xf32>
        %swap3A_448 = arith.index_cast %add3A_432 : i32 to index
        %swap3A_449 = arith.constant 16 : index
        %swap3A_450 = tpu.vector_load %arg10[%swap3A_448, %swap3A_449] {strides = array<i32>} : memref<128x128xf32, #tpu.memory_space<vmem>>, vector<1x16xf32>,
        %swap3A_451 = vector.shape_cast %swap3A_450 : vector<1x16xf32> to vector<16xf32>
        %swap3A_452 = vector.shape_cast %mul3A_447 : vector<16xf32> to vector<1x16xf32>
        tpu.vector_store %arg10[%swap3A_448, %swap3A_449], %swap3A_452 {strides = array<i32>} : memref<128x128xf32, #tpu.memory_space<vmem>>, vector<1x16xf32>,
        %get3A_453 = arith.index_cast %add3A_432 : i32 to index
        %get3A_454 = arith.constant 32 : index
        %get3A_455 = tpu.vector_load %arg10[%get3A_453, %get3A_454] {strides = array<i32>} : memref<128x128xf32, #tpu.memory_space<vmem>>, vector<1x16xf32>,
        %get3A_456 = vector.shape_cast %get3A_455 : vector<1x16xf32> to vector<16xf32>
        %mul3A_457 = arith.mulf %get3A_456, %gather3A_430 : vector<16xf32>
        %swap3A_458 = arith.index_cast %add3A_432 : i32 to index
        %swap3A_459 = arith.constant 32 : index
        %swap3A_460 = tpu.vector_load %arg10[%swap3A_458, %swap3A_459] {strides = array<i32>} : memref<128x128xf32, #tpu.memory_space<vmem>>, vector<1x16xf32>,
        %swap3A_461 = vector.shape_cast %swap3A_460 : vector<1x16xf32> to vector<16xf32>
        %swap3A_462 = vector.shape_cast %mul3A_457 : vector<16xf32> to vector<1x16xf32>
        tpu.vector_store %arg10[%swap3A_458, %swap3A_459], %swap3A_462 {strides = array<i32>} : memref<128x128xf32, #tpu.memory_space<vmem>>, vector<1x16xf32>,
        %get3A_463 = arith.index_cast %add3A_432 : i32 to index
        %get3A_464 = arith.constant 48 : index
        %get3A_465 = tpu.vector_load %arg10[%get3A_463, %get3A_464] {strides = array<i32>} : memref<128x128xf32, #tpu.memory_space<vmem>>, vector<1x16xf32>,
        %get3A_466 = vector.shape_cast %get3A_465 : vector<1x16xf32> to vector<16xf32>
        %mul3A_467 = arith.mulf %get3A_466, %gather3A_430 : vector<16xf32>
        %swap3A_468 = arith.index_cast %add3A_432 : i32 to index
        %swap3A_469 = arith.constant 48 : index
        %swap3A_470 = tpu.vector_load %arg10[%swap3A_468, %swap3A_469] {strides = array<i32>} : memref<128x128xf32, #tpu.memory_space<vmem>>, vector<1x16xf32>,
        %swap3A_471 = vector.shape_cast %swap3A_470 : vector<1x16xf32> to vector<16xf32>
        %swap3A_472 = vector.shape_cast %mul3A_467 : vector<16xf32> to vector<1x16xf32>
        tpu.vector_store %arg10[%swap3A_468, %swap3A_469], %swap3A_472 {strides = array<i32>} : memref<128x128xf32, #tpu.memory_space<vmem>>, vector<1x16xf32>,
        %get3A_473 = arith.index_cast %add3A_432 : i32 to index
        %get3A_474 = arith.constant 64 : index
        %get3A_475 = tpu.vector_load %arg10[%get3A_473, %get3A_474] {strides = array<i32>} : memref<128x128xf32, #tpu.memory_space<vmem>>, vector<1x16xf32>,
        %get3A_476 = vector.shape_cast %get3A_475 : vector<1x16xf32> to vector<16xf32>
        %mul3A_477 = arith.mulf %get3A_476, %gather3A_430 : vector<16xf32>
        %swap3A_478 = arith.index_cast %add3A_432 : i32 to index
        %swap3A_479 = arith.constant 64 : index
        %swap3A_480 = tpu.vector_load %arg10[%swap3A_478, %swap3A_479] {strides = array<i32>} : memref<128x128xf32, #tpu.memory_space<vmem>>, vector<1x16xf32>,
        %swap3A_481 = vector.shape_cast %swap3A_480 : vector<1x16xf32> to vector<16xf32>
        %swap3A_482 = vector.shape_cast %mul3A_477 : vector<16xf32> to vector<1x16xf32>
        tpu.vector_store %arg10[%swap3A_478, %swap3A_479], %swap3A_482 {strides = array<i32>} : memref<128x128xf32, #tpu.memory_space<vmem>>, vector<1x16xf32>,
        %get3A_483 = arith.index_cast %add3A_432 : i32 to index
        %get3A_484 = arith.constant 80 : index
        %get3A_485 = tpu.vector_load %arg10[%get3A_483, %get3A_484] {strides = array<i32>} : memref<128x128xf32, #tpu.memory_space<vmem>>, vector<1x16xf32>,
        %get3A_486 = vector.shape_cast %get3A_485 : vector<1x16xf32> to vector<16xf32>
        %mul3A_487 = arith.mulf %get3A_486, %gather3A_430 : vector<16xf32>
        %swap3A_488 = arith.index_cast %add3A_432 : i32 to index
        %swap3A_489 = arith.constant 80 : index
        %swap3A_490 = tpu.vector_load %arg10[%swap3A_488, %swap3A_489] {strides = array<i32>} : memref<128x128xf32, #tpu.memory_space<vmem>>, vector<1x16xf32>,
        %swap3A_491 = vector.shape_cast %swap3A_490 : vector<1x16xf32> to vector<16xf32>
        %swap3A_492 = vector.shape_cast %mul3A_487 : vector<16xf32> to vector<1x16xf32>
        tpu.vector_store %arg10[%swap3A_488, %swap3A_489], %swap3A_492 {strides = array<i32>} : memref<128x128xf32, #tpu.memory_space<vmem>>, vector<1x16xf32>,
        %get3A_493 = arith.index_cast %add3A_432 : i32 to index
        %get3A_494 = arith.constant 96 : index
        %get3A_495 = tpu.vector_load %arg10[%get3A_493, %get3A_494] {strides = array<i32>} : memref<128x128xf32, #tpu.memory_space<vmem>>, vector<1x16xf32>,
        %get3A_496 = vector.shape_cast %get3A_495 : vector<1x16xf32> to vector<16xf32>
        %mul3A_497 = arith.mulf %get3A_496, %gather3A_430 : vector<16xf32>
        %swap3A_498 = arith.index_cast %add3A_432 : i32 to index
        %swap3A_499 = arith.constant 96 : index
        %swap3A_500 = tpu.vector_load %arg10[%swap3A_498, %swap3A_499] {strides = array<i32>} : memref<128x128xf32, #tpu.memory_space<vmem>>, vector<1x16xf32>,
        %swap3A_501 = vector.shape_cast %swap3A_500 : vector<1x16xf32> to vector<16xf32>
        %swap3A_502 = vector.shape_cast %mul3A_497 : vector<16xf32> to vector<1x16xf32>
        tpu.vector_store %arg10[%swap3A_498, %swap3A_499], %swap3A_502 {strides = array<i32>} : memref<128x128xf32, #tpu.memory_space<vmem>>, vector<1x16xf32>,
        %get3A_503 = arith.index_cast %add3A_432 : i32 to index
        %get3A_504 = arith.constant 112 : index
        %get3A_505 = tpu.vector_load %arg10[%get3A_503, %get3A_504] {strides = array<i32>} : memref<128x128xf32, #tpu.memory_space<vmem>>, vector<1x16xf32>,
        %get3A_506 = vector.shape_cast %get3A_505 : vector<1x16xf32> to vector<16xf32>
        %mul3A_507 = arith.mulf %get3A_506, %gather3A_430 : vector<16xf32>
        %swap3A_508 = arith.index_cast %add3A_432 : i32 to index
        %swap3A_509 = arith.constant 112 : index
        %swap3A_510 = tpu.vector_load %arg10[%swap3A_508, %swap3A_509] {strides = array<i32>} : memref<128x128xf32, #tpu.memory_space<vmem>>, vector<1x16xf32>,
        %swap3A_511 = vector.shape_cast %swap3A_510 : vector<1x16xf32> to vector<16xf32>
        %swap3A_512 = vector.shape_cast %mul3A_507 : vector<16xf32> to vector<1x16xf32>
        tpu.vector_store %arg10[%swap3A_508, %swap3A_509], %swap3A_512 {strides = array<i32>} : memref<128x128xf32, #tpu.memory_space<vmem>>, vector<1x16xf32>,
        %broadcast_in_dim3A_513 = arith.constant 5 : i32
        %broadcast_in_dim3A_514 = vector.broadcast %broadcast_in_dim3A_513 : i32 to vector<16xi32>
        %lt3A_515 = arith.constant 0 : i32
        %lt3A_516 = vector.broadcast %lt3A_515 : i32 to vector<16xi32>
        %lt3A_517 = arith.cmpi slt, %broadcast_in_dim3A_514, %lt3A_516 : vector<16xi32>
        %add3A_518 = arith.constant 16 : i32
        %add3A_519 = vector.broadcast %add3A_518 : i32 to vector<16xi32>
        %add3A_520 = arith.addi %broadcast_in_dim3A_514, %add3A_519 : vector<16xi32>
        %select_n3A_521 = arith.select %lt3A_517, %add3A_520, %broadcast_in_dim3A_514 : vector<16xi1>, vector<16xi32>
        %broadcast_in_dim3A_522 = vector.shape_cast %select_n3A_521 : vector<16xi32> to vector<16x1xi32>
        %gather3A_523 = vector.shape_cast %broadcast_in_dim3A_522 : vector<16x1xi32> to vector<16xi32>
        %gather3A_524 = tpu.dynamic_gather %get3A_47[%gather3A_523] in [0] : vector<16xf32>, vector<16xi32> -> vector<16xf32>
        %add3A_525 = arith.constant 5 : i32
        %add3A_526 = arith.addi %multiple_of3A, %add3A_525 : i32
        %get3A_527 = arith.index_cast %add3A_526 : i32 to index
        %get3A_528 = arith.constant 0 : index
        %get3A_529 = tpu.vector_load %arg10[%get3A_527, %get3A_528] {strides = array<i32>} : memref<128x128xf32, #tpu.memory_space<vmem>>, vector<1x16xf32>,
        %get3A_530 = vector.shape_cast %get3A_529 : vector<1x16xf32> to vector<16xf32>
        %mul3A_531 = arith.mulf %get3A_530, %gather3A_524 : vector<16xf32>
        %swap3A_532 = arith.index_cast %add3A_526 : i32 to index
        %swap3A_533 = arith.constant 0 : index
        %swap3A_534 = tpu.vector_load %arg10[%swap3A_532, %swap3A_533] {strides = array<i32>} : memref<128x128xf32, #tpu.memory_space<vmem>>, vector<1x16xf32>,
        %swap3A_535 = vector.shape_cast %swap3A_534 : vector<1x16xf32> to vector<16xf32>
        %swap3A_536 = vector.shape_cast %mul3A_531 : vector<16xf32> to vector<1x16xf32>
        tpu.vector_store %arg10[%swap3A_532, %swap3A_533], %swap3A_536 {strides = array<i32>} : memref<128x128xf32, #tpu.memory_space<vmem>>, vector<1x16xf32>,
        %get3A_537 = arith.index_cast %add3A_526 : i32 to index
        %get3A_538 = arith.constant 16 : index
        %get3A_539 = tpu.vector_load %arg10[%get3A_537, %get3A_538] {strides = array<i32>} : memref<128x128xf32, #tpu.memory_space<vmem>>, vector<1x16xf32>,
        %get3A_540 = vector.shape_cast %get3A_539 : vector<1x16xf32> to vector<16xf32>
        %mul3A_541 = arith.mulf %get3A_540, %gather3A_524 : vector<16xf32>
        %swap3A_542 = arith.index_cast %add3A_526 : i32 to index
        %swap3A_543 = arith.constant 16 : index
        %swap3A_544 = tpu.vector_load %arg10[%swap3A_542, %swap3A_543] {strides = array<i32>} : memref<128x128xf32, #tpu.memory_space<vmem>>, vector<1x16xf32>,
        %swap3A_545 = vector.shape_cast %swap3A_544 : vector<1x16xf32> to vector<16xf32>
        %swap3A_546 = vector.shape_cast %mul3A_541 : vector<16xf32> to vector<1x16xf32>
        tpu.vector_store %arg10[%swap3A_542, %swap3A_543], %swap3A_546 {strides = array<i32>} : memref<128x128xf32, #tpu.memory_space<vmem>>, vector<1x16xf32>,
        %get3A_547 = arith.index_cast %add3A_526 : i32 to index
        %get3A_548 = arith.constant 32 : index
        %get3A_549 = tpu.vector_load %arg10[%get3A_547, %get3A_548] {strides = array<i32>} : memref<128x128xf32, #tpu.memory_space<vmem>>, vector<1x16xf32>,
        %get3A_550 = vector.shape_cast %get3A_549 : vector<1x16xf32> to vector<16xf32>
        %mul3A_551 = arith.mulf %get3A_550, %gather3A_524 : vector<16xf32>
        %swap3A_552 = arith.index_cast %add3A_526 : i32 to index
        %swap3A_553 = arith.constant 32 : index
        %swap3A_554 = tpu.vector_load %arg10[%swap3A_552, %swap3A_553] {strides = array<i32>} : memref<128x128xf32, #tpu.memory_space<vmem>>, vector<1x16xf32>,
        %swap3A_555 = vector.shape_cast %swap3A_554 : vector<1x16xf32> to vector<16xf32>
        %swap3A_556 = vector.shape_cast %mul3A_551 : vector<16xf32> to vector<1x16xf32>
        tpu.vector_store %arg10[%swap3A_552, %swap3A_553], %swap3A_556 {strides = array<i32>} : memref<128x128xf32, #tpu.memory_space<vmem>>, vector<1x16xf32>,
        %get3A_557 = arith.index_cast %add3A_526 : i32 to index
        %get3A_558 = arith.constant 48 : index
        %get3A_559 = tpu.vector_load %arg10[%get3A_557, %get3A_558] {strides = array<i32>} : memref<128x128xf32, #tpu.memory_space<vmem>>, vector<1x16xf32>,
        %get3A_560 = vector.shape_cast %get3A_559 : vector<1x16xf32> to vector<16xf32>
        %mul3A_561 = arith.mulf %get3A_560, %gather3A_524 : vector<16xf32>
        %swap3A_562 = arith.index_cast %add3A_526 : i32 to index
        %swap3A_563 = arith.constant 48 : index
        %swap3A_564 = tpu.vector_load %arg10[%swap3A_562, %swap3A_563] {strides = array<i32>} : memref<128x128xf32, #tpu.memory_space<vmem>>, vector<1x16xf32>,
        %swap3A_565 = vector.shape_cast %swap3A_564 : vector<1x16xf32> to vector<16xf32>
        %swap3A_566 = vector.shape_cast %mul3A_561 : vector<16xf32> to vector<1x16xf32>
        tpu.vector_store %arg10[%swap3A_562, %swap3A_563], %swap3A_566 {strides = array<i32>} : memref<128x128xf32, #tpu.memory_space<vmem>>, vector<1x16xf32>,
        %get3A_567 = arith.index_cast %add3A_526 : i32 to index
        %get3A_568 = arith.constant 64 : index
        %get3A_569 = tpu.vector_load %arg10[%get3A_567, %get3A_568] {strides = array<i32>} : memref<128x128xf32, #tpu.memory_space<vmem>>, vector<1x16xf32>,
        %get3A_570 = vector.shape_cast %get3A_569 : vector<1x16xf32> to vector<16xf32>
        %mul3A_571 = arith.mulf %get3A_570, %gather3A_524 : vector<16xf32>
        %swap3A_572 = arith.index_cast %add3A_526 : i32 to index
        %swap3A_573 = arith.constant 64 : index
        %swap3A_574 = tpu.vector_load %arg10[%swap3A_572, %swap3A_573] {strides = array<i32>} : memref<128x128xf32, #tpu.memory_space<vmem>>, vector<1x16xf32>,
        %swap3A_575 = vector.shape_cast %swap3A_574 : vector<1x16xf32> to vector<16xf32>
        %swap3A_576 = vector.shape_cast %mul3A_571 : vector<16xf32> to vector<1x16xf32>
        tpu.vector_store %arg10[%swap3A_572, %swap3A_573], %swap3A_576 {strides = array<i32>} : memref<128x128xf32, #tpu.memory_space<vmem>>, vector<1x16xf32>,
        %get3A_577 = arith.index_cast %add3A_526 : i32 to index
        %get3A_578 = arith.constant 80 : index
        %get3A_579 = tpu.vector_load %arg10[%get3A_577, %get3A_578] {strides = array<i32>} : memref<128x128xf32, #tpu.memory_space<vmem>>, vector<1x16xf32>,
        %get3A_580 = vector.shape_cast %get3A_579 : vector<1x16xf32> to vector<16xf32>
        %mul3A_581 = arith.mulf %get3A_580, %gather3A_524 : vector<16xf32>
        %swap3A_582 = arith.index_cast %add3A_526 : i32 to index
        %swap3A_583 = arith.constant 80 : index
        %swap3A_584 = tpu.vector_load %arg10[%swap3A_582, %swap3A_583] {strides = array<i32>} : memref<128x128xf32, #tpu.memory_space<vmem>>, vector<1x16xf32>,
        %swap3A_585 = vector.shape_cast %swap3A_584 : vector<1x16xf32> to vector<16xf32>
        %swap3A_586 = vector.shape_cast %mul3A_581 : vector<16xf32> to vector<1x16xf32>
        tpu.vector_store %arg10[%swap3A_582, %swap3A_583], %swap3A_586 {strides = array<i32>} : memref<128x128xf32, #tpu.memory_space<vmem>>, vector<1x16xf32>,
        %get3A_587 = arith.index_cast %add3A_526 : i32 to index
        %get3A_588 = arith.constant 96 : index
        %get3A_589 = tpu.vector_load %arg10[%get3A_587, %get3A_588] {strides = array<i32>} : memref<128x128xf32, #tpu.memory_space<vmem>>, vector<1x16xf32>,
        %get3A_590 = vector.shape_cast %get3A_589 : vector<1x16xf32> to vector<16xf32>
        %mul3A_591 = arith.mulf %get3A_590, %gather3A_524 : vector<16xf32>
        %swap3A_592 = arith.index_cast %add3A_526 : i32 to index
        %swap3A_593 = arith.constant 96 : index
        %swap3A_594 = tpu.vector_load %arg10[%swap3A_592, %swap3A_593] {strides = array<i32>} : memref<128x128xf32, #tpu.memory_space<vmem>>, vector<1x16xf32>,
        %swap3A_595 = vector.shape_cast %swap3A_594 : vector<1x16xf32> to vector<16xf32>
        %swap3A_596 = vector.shape_cast %mul3A_591 : vector<16xf32> to vector<1x16xf32>
        tpu.vector_store %arg10[%swap3A_592, %swap3A_593], %swap3A_596 {strides = array<i32>} : memref<128x128xf32, #tpu.memory_space<vmem>>, vector<1x16xf32>,
        %get3A_597 = arith.index_cast %add3A_526 : i32 to index
        %get3A_598 = arith.constant 112 : index
        %get3A_599 = tpu.vector_load %arg10[%get3A_597, %get3A_598] {strides = array<i32>} : memref<128x128xf32, #tpu.memory_space<vmem>>, vector<1x16xf32>,
        %get3A_600 = vector.shape_cast %get3A_599 : vector<1x16xf32> to vector<16xf32>
        %mul3A_601 = arith.mulf %get3A_600, %gather3A_524 : vector<16xf32>
        %swap3A_602 = arith.index_cast %add3A_526 : i32 to index
        %swap3A_603 = arith.constant 112 : index
        %swap3A_604 = tpu.vector_load %arg10[%swap3A_602, %swap3A_603] {strides = array<i32>} : memref<128x128xf32, #tpu.memory_space<vmem>>, vector<1x16xf32>,
        %swap3A_605 = vector.shape_cast %swap3A_604 : vector<1x16xf32> to vector<16xf32>
        %swap3A_606 = vector.shape_cast %mul3A_601 : vector<16xf32> to vector<1x16xf32>
        tpu.vector_store %arg10[%swap3A_602, %swap3A_603], %swap3A_606 {strides = array<i32>} : memref<128x128xf32, #tpu.memory_space<vmem>>, vector<1x16xf32>,
        %broadcast_in_dim3A_607 = arith.constant 6 : i32
        %broadcast_in_dim3A_608 = vector.broadcast %broadcast_in_dim3A_607 : i32 to vector<16xi32>
        %lt3A_609 = arith.constant 0 : i32
        %lt3A_610 = vector.broadcast %lt3A_609 : i32 to vector<16xi32>
        %lt3A_611 = arith.cmpi slt, %broadcast_in_dim3A_608, %lt3A_610 : vector<16xi32>
        %add3A_612 = arith.constant 16 : i32
        %add3A_613 = vector.broadcast %add3A_612 : i32 to vector<16xi32>
        %add3A_614 = arith.addi %broadcast_in_dim3A_608, %add3A_613 : vector<16xi32>
        %select_n3A_615 = arith.select %lt3A_611, %add3A_614, %broadcast_in_dim3A_608 : vector<16xi1>, vector<16xi32>
        %broadcast_in_dim3A_616 = vector.shape_cast %select_n3A_615 : vector<16xi32> to vector<16x1xi32>
        %gather3A_617 = vector.shape_cast %broadcast_in_dim3A_616 : vector<16x1xi32> to vector<16xi32>
        %gather3A_618 = tpu.dynamic_gather %get3A_47[%gather3A_617] in [0] : vector<16xf32>, vector<16xi32> -> vector<16xf32>
        %add3A_619 = arith.constant 6 : i32
        %add3A_620 = arith.addi %multiple_of3A, %add3A_619 : i32
        %get3A_621 = arith.index_cast %add3A_620 : i32 to index
        %get3A_622 = arith.constant 0 : index
        %get3A_623 = tpu.vector_load %arg10[%get3A_621, %get3A_622] {strides = array<i32>} : memref<128x128xf32, #tpu.memory_space<vmem>>, vector<1x16xf32>,
        %get3A_624 = vector.shape_cast %get3A_623 : vector<1x16xf32> to vector<16xf32>
        %mul3A_625 = arith.mulf %get3A_624, %gather3A_618 : vector<16xf32>
        %swap3A_626 = arith.index_cast %add3A_620 : i32 to index
        %swap3A_627 = arith.constant 0 : index
        %swap3A_628 = tpu.vector_load %arg10[%swap3A_626, %swap3A_627] {strides = array<i32>} : memref<128x128xf32, #tpu.memory_space<vmem>>, vector<1x16xf32>,
        %swap3A_629 = vector.shape_cast %swap3A_628 : vector<1x16xf32> to vector<16xf32>
        %swap3A_630 = vector.shape_cast %mul3A_625 : vector<16xf32> to vector<1x16xf32>
        tpu.vector_store %arg10[%swap3A_626, %swap3A_627], %swap3A_630 {strides = array<i32>} : memref<128x128xf32, #tpu.memory_space<vmem>>, vector<1x16xf32>,
        %get3A_631 = arith.index_cast %add3A_620 : i32 to index
        %get3A_632 = arith.constant 16 : index
        %get3A_633 = tpu.vector_load %arg10[%get3A_631, %get3A_632] {strides = array<i32>} : memref<128x128xf32, #tpu.memory_space<vmem>>, vector<1x16xf32>,
        %get3A_634 = vector.shape_cast %get3A_633 : vector<1x16xf32> to vector<16xf32>
        %mul3A_635 = arith.mulf %get3A_634, %gather3A_618 : vector<16xf32>
        %swap3A_636 = arith.index_cast %add3A_620 : i32 to index
        %swap3A_637 = arith.constant 16 : index
        %swap3A_638 = tpu.vector_load %arg10[%swap3A_636, %swap3A_637] {strides = array<i32>} : memref<128x128xf32, #tpu.memory_space<vmem>>, vector<1x16xf32>,
        %swap3A_639 = vector.shape_cast %swap3A_638 : vector<1x16xf32> to vector<16xf32>
        %swap3A_640 = vector.shape_cast %mul3A_635 : vector<16xf32> to vector<1x16xf32>
        tpu.vector_store %arg10[%swap3A_636, %swap3A_637], %swap3A_640 {strides = array<i32>} : memref<128x128xf32, #tpu.memory_space<vmem>>, vector<1x16xf32>,
        %get3A_641 = arith.index_cast %add3A_620 : i32 to index
        %get3A_642 = arith.constant 32 : index
        %get3A_643 = tpu.vector_load %arg10[%get3A_641, %get3A_642] {strides = array<i32>} : memref<128x128xf32, #tpu.memory_space<vmem>>, vector<1x16xf32>,
        %get3A_644 = vector.shape_cast %get3A_643 : vector<1x16xf32> to vector<16xf32>
        %mul3A_645 = arith.mulf %get3A_644, %gather3A_618 : vector<16xf32>
        %swap3A_646 = arith.index_cast %add3A_620 : i32 to index
        %swap3A_647 = arith.constant 32 : index
        %swap3A_648 = tpu.vector_load %arg10[%swap3A_646, %swap3A_647] {strides = array<i32>} : memref<128x128xf32, #tpu.memory_space<vmem>>, vector<1x16xf32>,
        %swap3A_649 = vector.shape_cast %swap3A_648 : vector<1x16xf32> to vector<16xf32>
        %swap3A_650 = vector.shape_cast %mul3A_645 : vector<16xf32> to vector<1x16xf32>
        tpu.vector_store %arg10[%swap3A_646, %swap3A_647], %swap3A_650 {strides = array<i32>} : memref<128x128xf32, #tpu.memory_space<vmem>>, vector<1x16xf32>,
        %get3A_651 = arith.index_cast %add3A_620 : i32 to index
        %get3A_652 = arith.constant 48 : index
        %get3A_653 = tpu.vector_load %arg10[%get3A_651, %get3A_652] {strides = array<i32>} : memref<128x128xf32, #tpu.memory_space<vmem>>, vector<1x16xf32>,
        %get3A_654 = vector.shape_cast %get3A_653 : vector<1x16xf32> to vector<16xf32>
        %mul3A_655 = arith.mulf %get3A_654, %gather3A_618 : vector<16xf32>
        %swap3A_656 = arith.index_cast %add3A_620 : i32 to index
        %swap3A_657 = arith.constant 48 : index
        %swap3A_658 = tpu.vector_load %arg10[%swap3A_656, %swap3A_657] {strides = array<i32>} : memref<128x128xf32, #tpu.memory_space<vmem>>, vector<1x16xf32>,
        %swap3A_659 = vector.shape_cast %swap3A_658 : vector<1x16xf32> to vector<16xf32>
        %swap3A_660 = vector.shape_cast %mul3A_655 : vector<16xf32> to vector<1x16xf32>
        tpu.vector_store %arg10[%swap3A_656, %swap3A_657], %swap3A_660 {strides = array<i32>} : memref<128x128xf32, #tpu.memory_space<vmem>>, vector<1x16xf32>,
        %get3A_661 = arith.index_cast %add3A_620 : i32 to index
        %get3A_662 = arith.constant 64 : index
        %get3A_663 = tpu.vector_load %arg10[%get3A_661, %get3A_662] {strides = array<i32>} : memref<128x128xf32, #tpu.memory_space<vmem>>, vector<1x16xf32>,
        %get3A_664 = vector.shape_cast %get3A_663 : vector<1x16xf32> to vector<16xf32>
        %mul3A_665 = arith.mulf %get3A_664, %gather3A_618 : vector<16xf32>
        %swap3A_666 = arith.index_cast %add3A_620 : i32 to index
        %swap3A_667 = arith.constant 64 : index
        %swap3A_668 = tpu.vector_load %arg10[%swap3A_666, %swap3A_667] {strides = array<i32>} : memref<128x128xf32, #tpu.memory_space<vmem>>, vector<1x16xf32>,
        %swap3A_669 = vector.shape_cast %swap3A_668 : vector<1x16xf32> to vector<16xf32>
        %swap3A_670 = vector.shape_cast %mul3A_665 : vector<16xf32> to vector<1x16xf32>
        tpu.vector_store %arg10[%swap3A_666, %swap3A_667], %swap3A_670 {strides = array<i32>} : memref<128x128xf32, #tpu.memory_space<vmem>>, vector<1x16xf32>,
        %get3A_671 = arith.index_cast %add3A_620 : i32 to index
        %get3A_672 = arith.constant 80 : index
        %get3A_673 = tpu.vector_load %arg10[%get3A_671, %get3A_672] {strides = array<i32>} : memref<128x128xf32, #tpu.memory_space<vmem>>, vector<1x16xf32>,
        %get3A_674 = vector.shape_cast %get3A_673 : vector<1x16xf32> to vector<16xf32>
        %mul3A_675 = arith.mulf %get3A_674, %gather3A_618 : vector<16xf32>
        %swap3A_676 = arith.index_cast %add3A_620 : i32 to index
        %swap3A_677 = arith.constant 80 : index
        %swap3A_678 = tpu.vector_load %arg10[%swap3A_676, %swap3A_677] {strides = array<i32>} : memref<128x128xf32, #tpu.memory_space<vmem>>, vector<1x16xf32>,
        %swap3A_679 = vector.shape_cast %swap3A_678 : vector<1x16xf32> to vector<16xf32>
        %swap3A_680 = vector.shape_cast %mul3A_675 : vector<16xf32> to vector<1x16xf32>
        tpu.vector_store %arg10[%swap3A_676, %swap3A_677], %swap3A_680 {strides = array<i32>} : memref<128x128xf32, #tpu.memory_space<vmem>>, vector<1x16xf32>,
        %get3A_681 = arith.index_cast %add3A_620 : i32 to index
        %get3A_682 = arith.constant 96 : index
        %get3A_683 = tpu.vector_load %arg10[%get3A_681, %get3A_682] {strides = array<i32>} : memref<128x128xf32, #tpu.memory_space<vmem>>, vector<1x16xf32>,
        %get3A_684 = vector.shape_cast %get3A_683 : vector<1x16xf32> to vector<16xf32>
        %mul3A_685 = arith.mulf %get3A_684, %gather3A_618 : vector<16xf32>
        %swap3A_686 = arith.index_cast %add3A_620 : i32 to index
        %swap3A_687 = arith.constant 96 : index
        %swap3A_688 = tpu.vector_load %arg10[%swap3A_686, %swap3A_687] {strides = array<i32>} : memref<128x128xf32, #tpu.memory_space<vmem>>, vector<1x16xf32>,
        %swap3A_689 = vector.shape_cast %swap3A_688 : vector<1x16xf32> to vector<16xf32>
        %swap3A_690 = vector.shape_cast %mul3A_685 : vector<16xf32> to vector<1x16xf32>
        tpu.vector_store %arg10[%swap3A_686, %swap3A_687], %swap3A_690 {strides = array<i32>} : memref<128x128xf32, #tpu.memory_space<vmem>>, vector<1x16xf32>,
        %get3A_691 = arith.index_cast %add3A_620 : i32 to index
        %get3A_692 = arith.constant 112 : index
        %get3A_693 = tpu.vector_load %arg10[%get3A_691, %get3A_692] {strides = array<i32>} : memref<128x128xf32, #tpu.memory_space<vmem>>, vector<1x16xf32>,
        %get3A_694 = vector.shape_cast %get3A_693 : vector<1x16xf32> to vector<16xf32>
        %mul3A_695 = arith.mulf %get3A_694, %gather3A_618 : vector<16xf32>
        %swap3A_696 = arith.index_cast %add3A_620 : i32 to index
        %swap3A_697 = arith.constant 112 : index
        %swap3A_698 = tpu.vector_load %arg10[%swap3A_696, %swap3A_697] {strides = array<i32>} : memref<128x128xf32, #tpu.memory_space<vmem>>, vector<1x16xf32>,
        %swap3A_699 = vector.shape_cast %swap3A_698 : vector<1x16xf32> to vector<16xf32>
        %swap3A_700 = vector.shape_cast %mul3A_695 : vector<16xf32> to vector<1x16xf32>
        tpu.vector_store %arg10[%swap3A_696, %swap3A_697], %swap3A_700 {strides = array<i32>} : memref<128x128xf32, #tpu.memory_space<vmem>>, vector<1x16xf32>,
        %broadcast_in_dim3A_701 = arith.constant 7 : i32
        %broadcast_in_dim3A_702 = vector.broadcast %broadcast_in_dim3A_701 : i32 to vector<16xi32>
        %lt3A_703 = arith.constant 0 : i32
        %lt3A_704 = vector.broadcast %lt3A_703 : i32 to vector<16xi32>
        %lt3A_705 = arith.cmpi slt, %broadcast_in_dim3A_702, %lt3A_704 : vector<16xi32>
        %add3A_706 = arith.constant 16 : i32
        %add3A_707 = vector.broadcast %add3A_706 : i32 to vector<16xi32>
        %add3A_708 = arith.addi %broadcast_in_dim3A_702, %add3A_707 : vector<16xi32>
        %select_n3A_709 = arith.select %lt3A_705, %add3A_708, %broadcast_in_dim3A_702 : vector<16xi1>, vector<16xi32>
        %broadcast_in_dim3A_710 = vector.shape_cast %select_n3A_709 : vector<16xi32> to vector<16x1xi32>
        %gather3A_711 = vector.shape_cast %broadcast_in_dim3A_710 : vector<16x1xi32> to vector<16xi32>
        %gather3A_712 = tpu.dynamic_gather %get3A_47[%gather3A_711] in [0] : vector<16xf32>, vector<16xi32> -> vector<16xf32>
        %add3A_713 = arith.constant 7 : i32
        %add3A_714 = arith.addi %multiple_of3A, %add3A_713 : i32
        %get3A_715 = arith.index_cast %add3A_714 : i32 to index
        %get3A_716 = arith.constant 0 : index
        %get3A_717 = tpu.vector_load %arg10[%get3A_715, %get3A_716] {strides = array<i32>} : memref<128x128xf32, #tpu.memory_space<vmem>>, vector<1x16xf32>,
        %get3A_718 = vector.shape_cast %get3A_717 : vector<1x16xf32> to vector<16xf32>
        %mul3A_719 = arith.mulf %get3A_718, %gather3A_712 : vector<16xf32>
        %swap3A_720 = arith.index_cast %add3A_714 : i32 to index
        %swap3A_721 = arith.constant 0 : index
        %swap3A_722 = tpu.vector_load %arg10[%swap3A_720, %swap3A_721] {strides = array<i32>} : memref<128x128xf32, #tpu.memory_space<vmem>>, vector<1x16xf32>,
        %swap3A_723 = vector.shape_cast %swap3A_722 : vector<1x16xf32> to vector<16xf32>
        %swap3A_724 = vector.shape_cast %mul3A_719 : vector<16xf32> to vector<1x16xf32>
        tpu.vector_store %arg10[%swap3A_720, %swap3A_721], %swap3A_724 {strides = array<i32>} : memref<128x128xf32, #tpu.memory_space<vmem>>, vector<1x16xf32>,
        %get3A_725 = arith.index_cast %add3A_714 : i32 to index
        %get3A_726 = arith.constant 16 : index
        %get3A_727 = tpu.vector_load %arg10[%get3A_725, %get3A_726] {strides = array<i32>} : memref<128x128xf32, #tpu.memory_space<vmem>>, vector<1x16xf32>,
        %get3A_728 = vector.shape_cast %get3A_727 : vector<1x16xf32> to vector<16xf32>
        %mul3A_729 = arith.mulf %get3A_728, %gather3A_712 : vector<16xf32>
        %swap3A_730 = arith.index_cast %add3A_714 : i32 to index
        %swap3A_731 = arith.constant 16 : index
        %swap3A_732 = tpu.vector_load %arg10[%swap3A_730, %swap3A_731] {strides = array<i32>} : memref<128x128xf32, #tpu.memory_space<vmem>>, vector<1x16xf32>,
        %swap3A_733 = vector.shape_cast %swap3A_732 : vector<1x16xf32> to vector<16xf32>
        %swap3A_734 = vector.shape_cast %mul3A_729 : vector<16xf32> to vector<1x16xf32>
        tpu.vector_store %arg10[%swap3A_730, %swap3A_731], %swap3A_734 {strides = array<i32>} : memref<128x128xf32, #tpu.memory_space<vmem>>, vector<1x16xf32>,
        %get3A_735 = arith.index_cast %add3A_714 : i32 to index
        %get3A_736 = arith.constant 32 : index
        %get3A_737 = tpu.vector_load %arg10[%get3A_735, %get3A_736] {strides = array<i32>} : memref<128x128xf32, #tpu.memory_space<vmem>>, vector<1x16xf32>,
        %get3A_738 = vector.shape_cast %get3A_737 : vector<1x16xf32> to vector<16xf32>
        %mul3A_739 = arith.mulf %get3A_738, %gather3A_712 : vector<16xf32>
        %swap3A_740 = arith.index_cast %add3A_714 : i32 to index
        %swap3A_741 = arith.constant 32 : index
        %swap3A_742 = tpu.vector_load %arg10[%swap3A_740, %swap3A_741] {strides = array<i32>} : memref<128x128xf32, #tpu.memory_space<vmem>>, vector<1x16xf32>,
        %swap3A_743 = vector.shape_cast %swap3A_742 : vector<1x16xf32> to vector<16xf32>
        %swap3A_744 = vector.shape_cast %mul3A_739 : vector<16xf32> to vector<1x16xf32>
        tpu.vector_store %arg10[%swap3A_740, %swap3A_741], %swap3A_744 {strides = array<i32>} : memref<128x128xf32, #tpu.memory_space<vmem>>, vector<1x16xf32>,
        %get3A_745 = arith.index_cast %add3A_714 : i32 to index
        %get3A_746 = arith.constant 48 : index
        %get3A_747 = tpu.vector_load %arg10[%get3A_745, %get3A_746] {strides = array<i32>} : memref<128x128xf32, #tpu.memory_space<vmem>>, vector<1x16xf32>,
        %get3A_748 = vector.shape_cast %get3A_747 : vector<1x16xf32> to vector<16xf32>
        %mul3A_749 = arith.mulf %get3A_748, %gather3A_712 : vector<16xf32>
        %swap3A_750 = arith.index_cast %add3A_714 : i32 to index
        %swap3A_751 = arith.constant 48 : index
        %swap3A_752 = tpu.vector_load %arg10[%swap3A_750, %swap3A_751] {strides = array<i32>} : memref<128x128xf32, #tpu.memory_space<vmem>>, vector<1x16xf32>,
        %swap3A_753 = vector.shape_cast %swap3A_752 : vector<1x16xf32> to vector<16xf32>
        %swap3A_754 = vector.shape_cast %mul3A_749 : vector<16xf32> to vector<1x16xf32>
        tpu.vector_store %arg10[%swap3A_750, %swap3A_751], %swap3A_754 {strides = array<i32>} : memref<128x128xf32, #tpu.memory_space<vmem>>, vector<1x16xf32>,
        %get3A_755 = arith.index_cast %add3A_714 : i32 to index
        %get3A_756 = arith.constant 64 : index
        %get3A_757 = tpu.vector_load %arg10[%get3A_755, %get3A_756] {strides = array<i32>} : memref<128x128xf32, #tpu.memory_space<vmem>>, vector<1x16xf32>,
        %get3A_758 = vector.shape_cast %get3A_757 : vector<1x16xf32> to vector<16xf32>
        %mul3A_759 = arith.mulf %get3A_758, %gather3A_712 : vector<16xf32>
        %swap3A_760 = arith.index_cast %add3A_714 : i32 to index
        %swap3A_761 = arith.constant 64 : index
        %swap3A_762 = tpu.vector_load %arg10[%swap3A_760, %swap3A_761] {strides = array<i32>} : memref<128x128xf32, #tpu.memory_space<vmem>>, vector<1x16xf32>,
        %swap3A_763 = vector.shape_cast %swap3A_762 : vector<1x16xf32> to vector<16xf32>
        %swap3A_764 = vector.shape_cast %mul3A_759 : vector<16xf32> to vector<1x16xf32>
        tpu.vector_store %arg10[%swap3A_760, %swap3A_761], %swap3A_764 {strides = array<i32>} : memref<128x128xf32, #tpu.memory_space<vmem>>, vector<1x16xf32>,
        %get3A_765 = arith.index_cast %add3A_714 : i32 to index
        %get3A_766 = arith.constant 80 : index
        %get3A_767 = tpu.vector_load %arg10[%get3A_765, %get3A_766] {strides = array<i32>} : memref<128x128xf32, #tpu.memory_space<vmem>>, vector<1x16xf32>,
        %get3A_768 = vector.shape_cast %get3A_767 : vector<1x16xf32> to vector<16xf32>
        %mul3A_769 = arith.mulf %get3A_768, %gather3A_712 : vector<16xf32>
        %swap3A_770 = arith.index_cast %add3A_714 : i32 to index
        %swap3A_771 = arith.constant 80 : index
        %swap3A_772 = tpu.vector_load %arg10[%swap3A_770, %swap3A_771] {strides = array<i32>} : memref<128x128xf32, #tpu.memory_space<vmem>>, vector<1x16xf32>,
        %swap3A_773 = vector.shape_cast %swap3A_772 : vector<1x16xf32> to vector<16xf32>
        %swap3A_774 = vector.shape_cast %mul3A_769 : vector<16xf32> to vector<1x16xf32>
        tpu.vector_store %arg10[%swap3A_770, %swap3A_771], %swap3A_774 {strides = array<i32>} : memref<128x128xf32, #tpu.memory_space<vmem>>, vector<1x16xf32>,
        %get3A_775 = arith.index_cast %add3A_714 : i32 to index
        %get3A_776 = arith.constant 96 : index
        %get3A_777 = tpu.vector_load %arg10[%get3A_775, %get3A_776] {strides = array<i32>} : memref<128x128xf32, #tpu.memory_space<vmem>>, vector<1x16xf32>,
        %get3A_778 = vector.shape_cast %get3A_777 : vector<1x16xf32> to vector<16xf32>
        %mul3A_779 = arith.mulf %get3A_778, %gather3A_712 : vector<16xf32>
        %swap3A_780 = arith.index_cast %add3A_714 : i32 to index
        %swap3A_781 = arith.constant 96 : index
        %swap3A_782 = tpu.vector_load %arg10[%swap3A_780, %swap3A_781] {strides = array<i32>} : memref<128x128xf32, #tpu.memory_space<vmem>>, vector<1x16xf32>,
        %swap3A_783 = vector.shape_cast %swap3A_782 : vector<1x16xf32> to vector<16xf32>
        %swap3A_784 = vector.shape_cast %mul3A_779 : vector<16xf32> to vector<1x16xf32>
        tpu.vector_store %arg10[%swap3A_780, %swap3A_781], %swap3A_784 {strides = array<i32>} : memref<128x128xf32, #tpu.memory_space<vmem>>, vector<1x16xf32>,
        %get3A_785 = arith.index_cast %add3A_714 : i32 to index
        %get3A_786 = arith.constant 112 : index
        %get3A_787 = tpu.vector_load %arg10[%get3A_785, %get3A_786] {strides = array<i32>} : memref<128x128xf32, #tpu.memory_space<vmem>>, vector<1x16xf32>,
        %get3A_788 = vector.shape_cast %get3A_787 : vector<1x16xf32> to vector<16xf32>
        %mul3A_789 = arith.mulf %get3A_788, %gather3A_712 : vector<16xf32>
        %swap3A_790 = arith.index_cast %add3A_714 : i32 to index
        %swap3A_791 = arith.constant 112 : index
        %swap3A_792 = tpu.vector_load %arg10[%swap3A_790, %swap3A_791] {strides = array<i32>} : memref<128x128xf32, #tpu.memory_space<vmem>>, vector<1x16xf32>,
        %swap3A_793 = vector.shape_cast %swap3A_792 : vector<1x16xf32> to vector<16xf32>
        %swap3A_794 = vector.shape_cast %mul3A_789 : vector<16xf32> to vector<1x16xf32>
        tpu.vector_store %arg10[%swap3A_790, %swap3A_791], %swap3A_794 {strides = array<i32>} : memref<128x128xf32, #tpu.memory_space<vmem>>, vector<1x16xf32>,
        %broadcast_in_dim3A_795 = arith.constant 8 : i32
        %broadcast_in_dim3A_796 = vector.broadcast %broadcast_in_dim3A_795 : i32 to vector<16xi32>
        %lt3A_797 = arith.constant 0 : i32
        %lt3A_798 = vector.broadcast %lt3A_797 : i32 to vector<16xi32>
        %lt3A_799 = arith.cmpi slt, %broadcast_in_dim3A_796, %lt3A_798 : vector<16xi32>
        %add3A_800 = arith.constant 16 : i32
        %add3A_801 = vector.broadcast %add3A_800 : i32 to vector<16xi32>
        %add3A_802 = arith.addi %broadcast_in_dim3A_796, %add3A_801 : vector<16xi32>
        %select_n3A_803 = arith.select %lt3A_799, %add3A_802, %broadcast_in_dim3A_796 : vector<16xi1>, vector<16xi32>
        %broadcast_in_dim3A_804 = vector.shape_cast %select_n3A_803 : vector<16xi32> to vector<16x1xi32>
        %gather3A_805 = vector.shape_cast %broadcast_in_dim3A_804 : vector<16x1xi32> to vector<16xi32>
        %gather3A_806 = tpu.dynamic_gather %get3A_47[%gather3A_805] in [0] : vector<16xf32>, vector<16xi32> -> vector<16xf32>
        %add3A_807 = arith.constant 8 : i32
        %add3A_808 = arith.addi %multiple_of3A, %add3A_807 : i32
        %get3A_809 = arith.index_cast %add3A_808 : i32 to index
        %get3A_810 = arith.constant 0 : index
        %get3A_811 = tpu.vector_load %arg10[%get3A_809, %get3A_810] {strides = array<i32>} : memref<128x128xf32, #tpu.memory_space<vmem>>, vector<1x16xf32>,
        %get3A_812 = vector.shape_cast %get3A_811 : vector<1x16xf32> to vector<16xf32>
        %mul3A_813 = arith.mulf %get3A_812, %gather3A_806 : vector<16xf32>
        %swap3A_814 = arith.index_cast %add3A_808 : i32 to index
        %swap3A_815 = arith.constant 0 : index
        %swap3A_816 = tpu.vector_load %arg10[%swap3A_814, %swap3A_815] {strides = array<i32>} : memref<128x128xf32, #tpu.memory_space<vmem>>, vector<1x16xf32>,
        %swap3A_817 = vector.shape_cast %swap3A_816 : vector<1x16xf32> to vector<16xf32>
        %swap3A_818 = vector.shape_cast %mul3A_813 : vector<16xf32> to vector<1x16xf32>
        tpu.vector_store %arg10[%swap3A_814, %swap3A_815], %swap3A_818 {strides = array<i32>} : memref<128x128xf32, #tpu.memory_space<vmem>>, vector<1x16xf32>,
        %get3A_819 = arith.index_cast %add3A_808 : i32 to index
        %get3A_820 = arith.constant 16 : index
        %get3A_821 = tpu.vector_load %arg10[%get3A_819, %get3A_820] {strides = array<i32>} : memref<128x128xf32, #tpu.memory_space<vmem>>, vector<1x16xf32>,
        %get3A_822 = vector.shape_cast %get3A_821 : vector<1x16xf32> to vector<16xf32>
        %mul3A_823 = arith.mulf %get3A_822, %gather3A_806 : vector<16xf32>
        %swap3A_824 = arith.index_cast %add3A_808 : i32 to index
        %swap3A_825 = arith.constant 16 : index
        %swap3A_826 = tpu.vector_load %arg10[%swap3A_824, %swap3A_825] {strides = array<i32>} : memref<128x128xf32, #tpu.memory_space<vmem>>, vector<1x16xf32>,
        %swap3A_827 = vector.shape_cast %swap3A_826 : vector<1x16xf32> to vector<16xf32>
        %swap3A_828 = vector.shape_cast %mul3A_823 : vector<16xf32> to vector<1x16xf32>
        tpu.vector_store %arg10[%swap3A_824, %swap3A_825], %swap3A_828 {strides = array<i32>} : memref<128x128xf32, #tpu.memory_space<vmem>>, vector<1x16xf32>,
        %get3A_829 = arith.index_cast %add3A_808 : i32 to index
        %get3A_830 = arith.constant 32 : index
        %get3A_831 = tpu.vector_load %arg10[%get3A_829, %get3A_830] {strides = array<i32>} : memref<128x128xf32, #tpu.memory_space<vmem>>, vector<1x16xf32>,
        %get3A_832 = vector.shape_cast %get3A_831 : vector<1x16xf32> to vector<16xf32>
        %mul3A_833 = arith.mulf %get3A_832, %gather3A_806 : vector<16xf32>
        %swap3A_834 = arith.index_cast %add3A_808 : i32 to index
        %swap3A_835 = arith.constant 32 : index
        %swap3A_836 = tpu.vector_load %arg10[%swap3A_834, %swap3A_835] {strides = array<i32>} : memref<128x128xf32, #tpu.memory_space<vmem>>, vector<1x16xf32>,
        %swap3A_837 = vector.shape_cast %swap3A_836 : vector<1x16xf32> to vector<16xf32>
        %swap3A_838 = vector.shape_cast %mul3A_833 : vector<16xf32> to vector<1x16xf32>
        tpu.vector_store %arg10[%swap3A_834, %swap3A_835], %swap3A_838 {strides = array<i32>} : memref<128x128xf32, #tpu.memory_space<vmem>>, vector<1x16xf32>,
        %get3A_839 = arith.index_cast %add3A_808 : i32 to index
        %get3A_840 = arith.constant 48 : index
        %get3A_841 = tpu.vector_load %arg10[%get3A_839, %get3A_840] {strides = array<i32>} : memref<128x128xf32, #tpu.memory_space<vmem>>, vector<1x16xf32>,
        %get3A_842 = vector.shape_cast %get3A_841 : vector<1x16xf32> to vector<16xf32>
        %mul3A_843 = arith.mulf %get3A_842, %gather3A_806 : vector<16xf32>
        %swap3A_844 = arith.index_cast %add3A_808 : i32 to index
        %swap3A_845 = arith.constant 48 : index
        %swap3A_846 = tpu.vector_load %arg10[%swap3A_844, %swap3A_845] {strides = array<i32>} : memref<128x128xf32, #tpu.memory_space<vmem>>, vector<1x16xf32>,
        %swap3A_847 = vector.shape_cast %swap3A_846 : vector<1x16xf32> to vector<16xf32>
        %swap3A_848 = vector.shape_cast %mul3A_843 : vector<16xf32> to vector<1x16xf32>
        tpu.vector_store %arg10[%swap3A_844, %swap3A_845], %swap3A_848 {strides = array<i32>} : memref<128x128xf32, #tpu.memory_space<vmem>>, vector<1x16xf32>,
        %get3A_849 = arith.index_cast %add3A_808 : i32 to index
        %get3A_850 = arith.constant 64 : index
        %get3A_851 = tpu.vector_load %arg10[%get3A_849, %get3A_850] {strides = array<i32>} : memref<128x128xf32, #tpu.memory_space<vmem>>, vector<1x16xf32>,
        %get3A_852 = vector.shape_cast %get3A_851 : vector<1x16xf32> to vector<16xf32>
        %mul3A_853 = arith.mulf %get3A_852, %gather3A_806 : vector<16xf32>
        %swap3A_854 = arith.index_cast %add3A_808 : i32 to index
        %swap3A_855 = arith.constant 64 : index
        %swap3A_856 = tpu.vector_load %arg10[%swap3A_854, %swap3A_855] {strides = array<i32>} : memref<128x128xf32, #tpu.memory_space<vmem>>, vector<1x16xf32>,
        %swap3A_857 = vector.shape_cast %swap3A_856 : vector<1x16xf32> to vector<16xf32>
        %swap3A_858 = vector.shape_cast %mul3A_853 : vector<16xf32> to vector<1x16xf32>
        tpu.vector_store %arg10[%swap3A_854, %swap3A_855], %swap3A_858 {strides = array<i32>} : memref<128x128xf32, #tpu.memory_space<vmem>>, vector<1x16xf32>,
        %get3A_859 = arith.index_cast %add3A_808 : i32 to index
        %get3A_860 = arith.constant 80 : index
        %get3A_861 = tpu.vector_load %arg10[%get3A_859, %get3A_860] {strides = array<i32>} : memref<128x128xf32, #tpu.memory_space<vmem>>, vector<1x16xf32>,
        %get3A_862 = vector.shape_cast %get3A_861 : vector<1x16xf32> to vector<16xf32>
        %mul3A_863 = arith.mulf %get3A_862, %gather3A_806 : vector<16xf32>
        %swap3A_864 = arith.index_cast %add3A_808 : i32 to index
        %swap3A_865 = arith.constant 80 : index
        %swap3A_866 = tpu.vector_load %arg10[%swap3A_864, %swap3A_865] {strides = array<i32>} : memref<128x128xf32, #tpu.memory_space<vmem>>, vector<1x16xf32>,
        %swap3A_867 = vector.shape_cast %swap3A_866 : vector<1x16xf32> to vector<16xf32>
        %swap3A_868 = vector.shape_cast %mul3A_863 : vector<16xf32> to vector<1x16xf32>
        tpu.vector_store %arg10[%swap3A_864, %swap3A_865], %swap3A_868 {strides = array<i32>} : memref<128x128xf32, #tpu.memory_space<vmem>>, vector<1x16xf32>,
        %get3A_869 = arith.index_cast %add3A_808 : i32 to index
        %get3A_870 = arith.constant 96 : index
        %get3A_871 = tpu.vector_load %arg10[%get3A_869, %get3A_870] {strides = array<i32>} : memref<128x128xf32, #tpu.memory_space<vmem>>, vector<1x16xf32>,
        %get3A_872 = vector.shape_cast %get3A_871 : vector<1x16xf32> to vector<16xf32>
        %mul3A_873 = arith.mulf %get3A_872, %gather3A_806 : vector<16xf32>
        %swap3A_874 = arith.index_cast %add3A_808 : i32 to index
        %swap3A_875 = arith.constant 96 : index
        %swap3A_876 = tpu.vector_load %arg10[%swap3A_874, %swap3A_875] {strides = array<i32>} : memref<128x128xf32, #tpu.memory_space<vmem>>, vector<1x16xf32>,
        %swap3A_877 = vector.shape_cast %swap3A_876 : vector<1x16xf32> to vector<16xf32>
        %swap3A_878 = vector.shape_cast %mul3A_873 : vector<16xf32> to vector<1x16xf32>
        tpu.vector_store %arg10[%swap3A_874, %swap3A_875], %swap3A_878 {strides = array<i32>} : memref<128x128xf32, #tpu.memory_space<vmem>>, vector<1x16xf32>,
        %get3A_879 = arith.index_cast %add3A_808 : i32 to index
        %get3A_880 = arith.constant 112 : index
        %get3A_881 = tpu.vector_load %arg10[%get3A_879, %get3A_880] {strides = array<i32>} : memref<128x128xf32, #tpu.memory_space<vmem>>, vector<1x16xf32>,
        %get3A_882 = vector.shape_cast %get3A_881 : vector<1x16xf32> to vector<16xf32>
        %mul3A_883 = arith.mulf %get3A_882, %gather3A_806 : vector<16xf32>
        %swap3A_884 = arith.index_cast %add3A_808 : i32 to index
        %swap3A_885 = arith.constant 112 : index
        %swap3A_886 = tpu.vector_load %arg10[%swap3A_884, %swap3A_885] {strides = array<i32>} : memref<128x128xf32, #tpu.memory_space<vmem>>, vector<1x16xf32>,
        %swap3A_887 = vector.shape_cast %swap3A_886 : vector<1x16xf32> to vector<16xf32>
        %swap3A_888 = vector.shape_cast %mul3A_883 : vector<16xf32> to vector<1x16xf32>
        tpu.vector_store %arg10[%swap3A_884, %swap3A_885], %swap3A_888 {strides = array<i32>} : memref<128x128xf32, #tpu.memory_space<vmem>>, vector<1x16xf32>,
        %broadcast_in_dim3A_889 = arith.constant 9 : i32
        %broadcast_in_dim3A_890 = vector.broadcast %broadcast_in_dim3A_889 : i32 to vector<16xi32>
        %lt3A_891 = arith.constant 0 : i32
        %lt3A_892 = vector.broadcast %lt3A_891 : i32 to vector<16xi32>
        %lt3A_893 = arith.cmpi slt, %broadcast_in_dim3A_890, %lt3A_892 : vector<16xi32>
        %add3A_894 = arith.constant 16 : i32
        %add3A_895 = vector.broadcast %add3A_894 : i32 to vector<16xi32>
        %add3A_896 = arith.addi %broadcast_in_dim3A_890, %add3A_895 : vector<16xi32>
        %select_n3A_897 = arith.select %lt3A_893, %add3A_896, %broadcast_in_dim3A_890 : vector<16xi1>, vector<16xi32>
        %broadcast_in_dim3A_898 = vector.shape_cast %select_n3A_897 : vector<16xi32> to vector<16x1xi32>
        %gather3A_899 = vector.shape_cast %broadcast_in_dim3A_898 : vector<16x1xi32> to vector<16xi32>
        %gather3A_900 = tpu.dynamic_gather %get3A_47[%gather3A_899] in [0] : vector<16xf32>, vector<16xi32> -> vector<16xf32>
        %add3A_901 = arith.constant 9 : i32
        %add3A_902 = arith.addi %multiple_of3A, %add3A_901 : i32
        %get3A_903 = arith.index_cast %add3A_902 : i32 to index
        %get3A_904 = arith.constant 0 : index
        %get3A_905 = tpu.vector_load %arg10[%get3A_903, %get3A_904] {strides = array<i32>} : memref<128x128xf32, #tpu.memory_space<vmem>>, vector<1x16xf32>,
        %get3A_906 = vector.shape_cast %get3A_905 : vector<1x16xf32> to vector<16xf32>
        %mul3A_907 = arith.mulf %get3A_906, %gather3A_900 : vector<16xf32>
        %swap3A_908 = arith.index_cast %add3A_902 : i32 to index
        %swap3A_909 = arith.constant 0 : index
        %swap3A_910 = tpu.vector_load %arg10[%swap3A_908, %swap3A_909] {strides = array<i32>} : memref<128x128xf32, #tpu.memory_space<vmem>>, vector<1x16xf32>,
        %swap3A_911 = vector.shape_cast %swap3A_910 : vector<1x16xf32> to vector<16xf32>
        %swap3A_912 = vector.shape_cast %mul3A_907 : vector<16xf32> to vector<1x16xf32>
        tpu.vector_store %arg10[%swap3A_908, %swap3A_909], %swap3A_912 {strides = array<i32>} : memref<128x128xf32, #tpu.memory_space<vmem>>, vector<1x16xf32>,
        %get3A_913 = arith.index_cast %add3A_902 : i32 to index
        %get3A_914 = arith.constant 16 : index
        %get3A_915 = tpu.vector_load %arg10[%get3A_913, %get3A_914] {strides = array<i32>} : memref<128x128xf32, #tpu.memory_space<vmem>>, vector<1x16xf32>,
        %get3A_916 = vector.shape_cast %get3A_915 : vector<1x16xf32> to vector<16xf32>
        %mul3A_917 = arith.mulf %get3A_916, %gather3A_900 : vector<16xf32>
        %swap3A_918 = arith.index_cast %add3A_902 : i32 to index
        %swap3A_919 = arith.constant 16 : index
        %swap3A_920 = tpu.vector_load %arg10[%swap3A_918, %swap3A_919] {strides = array<i32>} : memref<128x128xf32, #tpu.memory_space<vmem>>, vector<1x16xf32>,
        %swap3A_921 = vector.shape_cast %swap3A_920 : vector<1x16xf32> to vector<16xf32>
        %swap3A_922 = vector.shape_cast %mul3A_917 : vector<16xf32> to vector<1x16xf32>
        tpu.vector_store %arg10[%swap3A_918, %swap3A_919], %swap3A_922 {strides = array<i32>} : memref<128x128xf32, #tpu.memory_space<vmem>>, vector<1x16xf32>,
        %get3A_923 = arith.index_cast %add3A_902 : i32 to index
        %get3A_924 = arith.constant 32 : index
        %get3A_925 = tpu.vector_load %arg10[%get3A_923, %get3A_924] {strides = array<i32>} : memref<128x128xf32, #tpu.memory_space<vmem>>, vector<1x16xf32>,
        %get3A_926 = vector.shape_cast %get3A_925 : vector<1x16xf32> to vector<16xf32>
        %mul3A_927 = arith.mulf %get3A_926, %gather3A_900 : vector<16xf32>
        %swap3A_928 = arith.index_cast %add3A_902 : i32 to index
        %swap3A_929 = arith.constant 32 : index
        %swap3A_930 = tpu.vector_load %arg10[%swap3A_928, %swap3A_929] {strides = array<i32>} : memref<128x128xf32, #tpu.memory_space<vmem>>, vector<1x16xf32>,
        %swap3A_931 = vector.shape_cast %swap3A_930 : vector<1x16xf32> to vector<16xf32>
        %swap3A_932 = vector.shape_cast %mul3A_927 : vector<16xf32> to vector<1x16xf32>
        tpu.vector_store %arg10[%swap3A_928, %swap3A_929], %swap3A_932 {strides = array<i32>} : memref<128x128xf32, #tpu.memory_space<vmem>>, vector<1x16xf32>,
        %get3A_933 = arith.index_cast %add3A_902 : i32 to index
        %get3A_934 = arith.constant 48 : index
        %get3A_935 = tpu.vector_load %arg10[%get3A_933, %get3A_934] {strides = array<i32>} : memref<128x128xf32, #tpu.memory_space<vmem>>, vector<1x16xf32>,
        %get3A_936 = vector.shape_cast %get3A_935 : vector<1x16xf32> to vector<16xf32>
        %mul3A_937 = arith.mulf %get3A_936, %gather3A_900 : vector<16xf32>
        %swap3A_938 = arith.index_cast %add3A_902 : i32 to index
        %swap3A_939 = arith.constant 48 : index
        %swap3A_940 = tpu.vector_load %arg10[%swap3A_938, %swap3A_939] {strides = array<i32>} : memref<128x128xf32, #tpu.memory_space<vmem>>, vector<1x16xf32>,
        %swap3A_941 = vector.shape_cast %swap3A_940 : vector<1x16xf32> to vector<16xf32>
        %swap3A_942 = vector.shape_cast %mul3A_937 : vector<16xf32> to vector<1x16xf32>
        tpu.vector_store %arg10[%swap3A_938, %swap3A_939], %swap3A_942 {strides = array<i32>} : memref<128x128xf32, #tpu.memory_space<vmem>>, vector<1x16xf32>,
        %get3A_943 = arith.index_cast %add3A_902 : i32 to index
        %get3A_944 = arith.constant 64 : index
        %get3A_945 = tpu.vector_load %arg10[%get3A_943, %get3A_944] {strides = array<i32>} : memref<128x128xf32, #tpu.memory_space<vmem>>, vector<1x16xf32>,
        %get3A_946 = vector.shape_cast %get3A_945 : vector<1x16xf32> to vector<16xf32>
        %mul3A_947 = arith.mulf %get3A_946, %gather3A_900 : vector<16xf32>
        %swap3A_948 = arith.index_cast %add3A_902 : i32 to index
        %swap3A_949 = arith.constant 64 : index
        %swap3A_950 = tpu.vector_load %arg10[%swap3A_948, %swap3A_949] {strides = array<i32>} : memref<128x128xf32, #tpu.memory_space<vmem>>, vector<1x16xf32>,
        %swap3A_951 = vector.shape_cast %swap3A_950 : vector<1x16xf32> to vector<16xf32>
        %swap3A_952 = vector.shape_cast %mul3A_947 : vector<16xf32> to vector<1x16xf32>
        tpu.vector_store %arg10[%swap3A_948, %swap3A_949], %swap3A_952 {strides = array<i32>} : memref<128x128xf32, #tpu.memory_space<vmem>>, vector<1x16xf32>,
        %get3A_953 = arith.index_cast %add3A_902 : i32 to index
        %get3A_954 = arith.constant 80 : index
        %get3A_955 = tpu.vector_load %arg10[%get3A_953, %get3A_954] {strides = array<i32>} : memref<128x128xf32, #tpu.memory_space<vmem>>, vector<1x16xf32>,
        %get3A_956 = vector.shape_cast %get3A_955 : vector<1x16xf32> to vector<16xf32>
        %mul3A_957 = arith.mulf %get3A_956, %gather3A_900 : vector<16xf32>
        %swap3A_958 = arith.index_cast %add3A_902 : i32 to index
        %swap3A_959 = arith.constant 80 : index
        %swap3A_960 = tpu.vector_load %arg10[%swap3A_958, %swap3A_959] {strides = array<i32>} : memref<128x128xf32, #tpu.memory_space<vmem>>, vector<1x16xf32>,
        %swap3A_961 = vector.shape_cast %swap3A_960 : vector<1x16xf32> to vector<16xf32>
        %swap3A_962 = vector.shape_cast %mul3A_957 : vector<16xf32> to vector<1x16xf32>
        tpu.vector_store %arg10[%swap3A_958, %swap3A_959], %swap3A_962 {strides = array<i32>} : memref<128x128xf32, #tpu.memory_space<vmem>>, vector<1x16xf32>,
        %get3A_963 = arith.index_cast %add3A_902 : i32 to index
        %get3A_964 = arith.constant 96 : index
        %get3A_965 = tpu.vector_load %arg10[%get3A_963, %get3A_964] {strides = array<i32>} : memref<128x128xf32, #tpu.memory_space<vmem>>, vector<1x16xf32>,
        %get3A_966 = vector.shape_cast %get3A_965 : vector<1x16xf32> to vector<16xf32>
        %mul3A_967 = arith.mulf %get3A_966, %gather3A_900 : vector<16xf32>
        %swap3A_968 = arith.index_cast %add3A_902 : i32 to index
        %swap3A_969 = arith.constant 96 : index
        %swap3A_970 = tpu.vector_load %arg10[%swap3A_968, %swap3A_969] {strides = array<i32>} : memref<128x128xf32, #tpu.memory_space<vmem>>, vector<1x16xf32>,
        %swap3A_971 = vector.shape_cast %swap3A_970 : vector<1x16xf32> to vector<16xf32>
        %swap3A_972 = vector.shape_cast %mul3A_967 : vector<16xf32> to vector<1x16xf32>
        tpu.vector_store %arg10[%swap3A_968, %swap3A_969], %swap3A_972 {strides = array<i32>} : memref<128x128xf32, #tpu.memory_space<vmem>>, vector<1x16xf32>,
        %get3A_973 = arith.index_cast %add3A_902 : i32 to index
        %get3A_974 = arith.constant 112 : index
        %get3A_975 = tpu.vector_load %arg10[%get3A_973, %get3A_974] {strides = array<i32>} : memref<128x128xf32, #tpu.memory_space<vmem>>, vector<1x16xf32>,
        %get3A_976 = vector.shape_cast %get3A_975 : vector<1x16xf32> to vector<16xf32>
        %mul3A_977 = arith.mulf %get3A_976, %gather3A_900 : vector<16xf32>
        %swap3A_978 = arith.index_cast %add3A_902 : i32 to index
        %swap3A_979 = arith.constant 112 : index
        %swap3A_980 = tpu.vector_load %arg10[%swap3A_978, %swap3A_979] {strides = array<i32>} : memref<128x128xf32, #tpu.memory_space<vmem>>, vector<1x16xf32>,
        %swap3A_981 = vector.shape_cast %swap3A_980 : vector<1x16xf32> to vector<16xf32>
        %swap3A_982 = vector.shape_cast %mul3A_977 : vector<16xf32> to vector<1x16xf32>
        tpu.vector_store %arg10[%swap3A_978, %swap3A_979], %swap3A_982 {strides = array<i32>} : memref<128x128xf32, #tpu.memory_space<vmem>>, vector<1x16xf32>,
        %broadcast_in_dim3A_983 = arith.constant 10 : i32
        %broadcast_in_dim3A_984 = vector.broadcast %broadcast_in_dim3A_983 : i32 to vector<16xi32>
        %lt3A_985 = arith.constant 0 : i32
        %lt3A_986 = vector.broadcast %lt3A_985 : i32 to vector<16xi32>
        %lt3A_987 = arith.cmpi slt, %broadcast_in_dim3A_984, %lt3A_986 : vector<16xi32>
        %add3A_988 = arith.constant 16 : i32
        %add3A_989 = vector.broadcast %add3A_988 : i32 to vector<16xi32>
        %add3A_990 = arith.addi %broadcast_in_dim3A_984, %add3A_989 : vector<16xi32>
        %select_n3A_991 = arith.select %lt3A_987, %add3A_990, %broadcast_in_dim3A_984 : vector<16xi1>, vector<16xi32>
        %broadcast_in_dim3A_992 = vector.shape_cast %select_n3A_991 : vector<16xi32> to vector<16x1xi32>
        %gather3A_993 = vector.shape_cast %broadcast_in_dim3A_992 : vector<16x1xi32> to vector<16xi32>
        %gather3A_994 = tpu.dynamic_gather %get3A_47[%gather3A_993] in [0] : vector<16xf32>, vector<16xi32> -> vector<16xf32>
        %add3A_995 = arith.constant 10 : i32
        %add3A_996 = arith.addi %multiple_of3A, %add3A_995 : i32
        %get3A_997 = arith.index_cast %add3A_996 : i32 to index
        %get3A_998 = arith.constant 0 : index
        %get3A_999 = tpu.vector_load %arg10[%get3A_997, %get3A_998] {strides = array<i32>} : memref<128x128xf32, #tpu.memory_space<vmem>>, vector<1x16xf32>,
        %get3A_1000 = vector.shape_cast %get3A_999 : vector<1x16xf32> to vector<16xf32>
        %mul3A_1001 = arith.mulf %get3A_1000, %gather3A_994 : vector<16xf32>
        %swap3A_1002 = arith.index_cast %add3A_996 : i32 to index
        %swap3A_1003 = arith.constant 0 : index
        %swap3A_1004 = tpu.vector_load %arg10[%swap3A_1002, %swap3A_1003] {strides = array<i32>} : memref<128x128xf32, #tpu.memory_space<vmem>>, vector<1x16xf32>,
        %swap3A_1005 = vector.shape_cast %swap3A_1004 : vector<1x16xf32> to vector<16xf32>
        %swap3A_1006 = vector.shape_cast %mul3A_1001 : vector<16xf32> to vector<1x16xf32>
        tpu.vector_store %arg10[%swap3A_1002, %swap3A_1003], %swap3A_1006 {strides = array<i32>} : memref<128x128xf32, #tpu.memory_space<vmem>>, vector<1x16xf32>,
        %get3A_1007 = arith.index_cast %add3A_996 : i32 to index
        %get3A_1008 = arith.constant 16 : index
        %get3A_1009 = tpu.vector_load %arg10[%get3A_1007, %get3A_1008] {strides = array<i32>} : memref<128x128xf32, #tpu.memory_space<vmem>>, vector<1x16xf32>,
        %get3A_1010 = vector.shape_cast %get3A_1009 : vector<1x16xf32> to vector<16xf32>
        %mul3A_1011 = arith.mulf %get3A_1010, %gather3A_994 : vector<16xf32>
        %swap3A_1012 = arith.index_cast %add3A_996 : i32 to index
        %swap3A_1013 = arith.constant 16 : index
        %swap3A_1014 = tpu.vector_load %arg10[%swap3A_1012, %swap3A_1013] {strides = array<i32>} : memref<128x128xf32, #tpu.memory_space<vmem>>, vector<1x16xf32>,
        %swap3A_1015 = vector.shape_cast %swap3A_1014 : vector<1x16xf32> to vector<16xf32>
        %swap3A_1016 = vector.shape_cast %mul3A_1011 : vector<16xf32> to vector<1x16xf32>
        tpu.vector_store %arg10[%swap3A_1012, %swap3A_1013], %swap3A_1016 {strides = array<i32>} : memref<128x128xf32, #tpu.memory_space<vmem>>, vector<1x16xf32>,
        %get3A_1017 = arith.index_cast %add3A_996 : i32 to index
        %get3A_1018 = arith.constant 32 : index
        %get3A_1019 = tpu.vector_load %arg10[%get3A_1017, %get3A_1018] {strides = array<i32>} : memref<128x128xf32, #tpu.memory_space<vmem>>, vector<1x16xf32>,
        %get3A_1020 = vector.shape_cast %get3A_1019 : vector<1x16xf32> to vector<16xf32>
        %mul3A_1021 = arith.mulf %get3A_1020, %gather3A_994 : vector<16xf32>
        %swap3A_1022 = arith.index_cast %add3A_996 : i32 to index
        %swap3A_1023 = arith.constant 32 : index
        %swap3A_1024 = tpu.vector_load %arg10[%swap3A_1022, %swap3A_1023] {strides = array<i32>} : memref<128x128xf32, #tpu.memory_space<vmem>>, vector<1x16xf32>,
        %swap3A_1025 = vector.shape_cast %swap3A_1024 : vector<1x16xf32> to vector<16xf32>
        %swap3A_1026 = vector.shape_cast %mul3A_1021 : vector<16xf32> to vector<1x16xf32>
        tpu.vector_store %arg10[%swap3A_1022, %swap3A_1023], %swap3A_1026 {strides = array<i32>} : memref<128x128xf32, #tpu.memory_space<vmem>>, vector<1x16xf32>,
        %get3A_1027 = arith.index_cast %add3A_996 : i32 to index
        %get3A_1028 = arith.constant 48 : index
        %get3A_1029 = tpu.vector_load %arg10[%get3A_1027, %get3A_1028] {strides = array<i32>} : memref<128x128xf32, #tpu.memory_space<vmem>>, vector<1x16xf32>,
        %get3A_1030 = vector.shape_cast %get3A_1029 : vector<1x16xf32> to vector<16xf32>
        %mul3A_1031 = arith.mulf %get3A_1030, %gather3A_994 : vector<16xf32>
        %swap3A_1032 = arith.index_cast %add3A_996 : i32 to index
        %swap3A_1033 = arith.constant 48 : index
        %swap3A_1034 = tpu.vector_load %arg10[%swap3A_1032, %swap3A_1033] {strides = array<i32>} : memref<128x128xf32, #tpu.memory_space<vmem>>, vector<1x16xf32>,
        %swap3A_1035 = vector.shape_cast %swap3A_1034 : vector<1x16xf32> to vector<16xf32>
        %swap3A_1036 = vector.shape_cast %mul3A_1031 : vector<16xf32> to vector<1x16xf32>
        tpu.vector_store %arg10[%swap3A_1032, %swap3A_1033], %swap3A_1036 {strides = array<i32>} : memref<128x128xf32, #tpu.memory_space<vmem>>, vector<1x16xf32>,
        %get3A_1037 = arith.index_cast %add3A_996 : i32 to index
        %get3A_1038 = arith.constant 64 : index
        %get3A_1039 = tpu.vector_load %arg10[%get3A_1037, %get3A_1038] {strides = array<i32>} : memref<128x128xf32, #tpu.memory_space<vmem>>, vector<1x16xf32>,
        %get3A_1040 = vector.shape_cast %get3A_1039 : vector<1x16xf32> to vector<16xf32>
        %mul3A_1041 = arith.mulf %get3A_1040, %gather3A_994 : vector<16xf32>
        %swap3A_1042 = arith.index_cast %add3A_996 : i32 to index
        %swap3A_1043 = arith.constant 64 : index
        %swap3A_1044 = tpu.vector_load %arg10[%swap3A_1042, %swap3A_1043] {strides = array<i32>} : memref<128x128xf32, #tpu.memory_space<vmem>>, vector<1x16xf32>,
        %swap3A_1045 = vector.shape_cast %swap3A_1044 : vector<1x16xf32> to vector<16xf32>
        %swap3A_1046 = vector.shape_cast %mul3A_1041 : vector<16xf32> to vector<1x16xf32>
        tpu.vector_store %arg10[%swap3A_1042, %swap3A_1043], %swap3A_1046 {strides = array<i32>} : memref<128x128xf32, #tpu.memory_space<vmem>>, vector<1x16xf32>,
        %get3A_1047 = arith.index_cast %add3A_996 : i32 to index
        %get3A_1048 = arith.constant 80 : index
        %get3A_1049 = tpu.vector_load %arg10[%get3A_1047, %get3A_1048] {strides = array<i32>} : memref<128x128xf32, #tpu.memory_space<vmem>>, vector<1x16xf32>,
        %get3A_1050 = vector.shape_cast %get3A_1049 : vector<1x16xf32> to vector<16xf32>
        %mul3A_1051 = arith.mulf %get3A_1050, %gather3A_994 : vector<16xf32>
        %swap3A_1052 = arith.index_cast %add3A_996 : i32 to index
        %swap3A_1053 = arith.constant 80 : index
        %swap3A_1054 = tpu.vector_load %arg10[%swap3A_1052, %swap3A_1053] {strides = array<i32>} : memref<128x128xf32, #tpu.memory_space<vmem>>, vector<1x16xf32>,
        %swap3A_1055 = vector.shape_cast %swap3A_1054 : vector<1x16xf32> to vector<16xf32>
        %swap3A_1056 = vector.shape_cast %mul3A_1051 : vector<16xf32> to vector<1x16xf32>
        tpu.vector_store %arg10[%swap3A_1052, %swap3A_1053], %swap3A_1056 {strides = array<i32>} : memref<128x128xf32, #tpu.memory_space<vmem>>, vector<1x16xf32>,
        %get3A_1057 = arith.index_cast %add3A_996 : i32 to index
        %get3A_1058 = arith.constant 96 : index
        %get3A_1059 = tpu.vector_load %arg10[%get3A_1057, %get3A_1058] {strides = array<i32>} : memref<128x128xf32, #tpu.memory_space<vmem>>, vector<1x16xf32>,
        %get3A_1060 = vector.shape_cast %get3A_1059 : vector<1x16xf32> to vector<16xf32>
        %mul3A_1061 = arith.mulf %get3A_1060, %gather3A_994 : vector<16xf32>
        %swap3A_1062 = arith.index_cast %add3A_996 : i32 to index
        %swap3A_1063 = arith.constant 96 : index
        %swap3A_1064 = tpu.vector_load %arg10[%swap3A_1062, %swap3A_1063] {strides = array<i32>} : memref<128x128xf32, #tpu.memory_space<vmem>>, vector<1x16xf32>,
        %swap3A_1065 = vector.shape_cast %swap3A_1064 : vector<1x16xf32> to vector<16xf32>
        %swap3A_1066 = vector.shape_cast %mul3A_1061 : vector<16xf32> to vector<1x16xf32>
        tpu.vector_store %arg10[%swap3A_1062, %swap3A_1063], %swap3A_1066 {strides = array<i32>} : memref<128x128xf32, #tpu.memory_space<vmem>>, vector<1x16xf32>,
        %get3A_1067 = arith.index_cast %add3A_996 : i32 to index
        %get3A_1068 = arith.constant 112 : index
        %get3A_1069 = tpu.vector_load %arg10[%get3A_1067, %get3A_1068] {strides = array<i32>} : memref<128x128xf32, #tpu.memory_space<vmem>>, vector<1x16xf32>,
        %get3A_1070 = vector.shape_cast %get3A_1069 : vector<1x16xf32> to vector<16xf32>
        %mul3A_1071 = arith.mulf %get3A_1070, %gather3A_994 : vector<16xf32>
        %swap3A_1072 = arith.index_cast %add3A_996 : i32 to index
        %swap3A_1073 = arith.constant 112 : index
        %swap3A_1074 = tpu.vector_load %arg10[%swap3A_1072, %swap3A_1073] {strides = array<i32>} : memref<128x128xf32, #tpu.memory_space<vmem>>, vector<1x16xf32>,
        %swap3A_1075 = vector.shape_cast %swap3A_1074 : vector<1x16xf32> to vector<16xf32>
        %swap3A_1076 = vector.shape_cast %mul3A_1071 : vector<16xf32> to vector<1x16xf32>
        tpu.vector_store %arg10[%swap3A_1072, %swap3A_1073], %swap3A_1076 {strides = array<i32>} : memref<128x128xf32, #tpu.memory_space<vmem>>, vector<1x16xf32>,
        %broadcast_in_dim3A_1077 = arith.constant 11 : i32
        %broadcast_in_dim3A_1078 = vector.broadcast %broadcast_in_dim3A_1077 : i32 to vector<16xi32>
        %lt3A_1079 = arith.constant 0 : i32
        %lt3A_1080 = vector.broadcast %lt3A_1079 : i32 to vector<16xi32>
        %lt3A_1081 = arith.cmpi slt, %broadcast_in_dim3A_1078, %lt3A_1080 : vector<16xi32>
        %add3A_1082 = arith.constant 16 : i32
        %add3A_1083 = vector.broadcast %add3A_1082 : i32 to vector<16xi32>
        %add3A_1084 = arith.addi %broadcast_in_dim3A_1078, %add3A_1083 : vector<16xi32>
        %select_n3A_1085 = arith.select %lt3A_1081, %add3A_1084, %broadcast_in_dim3A_1078 : vector<16xi1>, vector<16xi32>
        %broadcast_in_dim3A_1086 = vector.shape_cast %select_n3A_1085 : vector<16xi32> to vector<16x1xi32>
        %gather3A_1087 = vector.shape_cast %broadcast_in_dim3A_1086 : vector<16x1xi32> to vector<16xi32>
        %gather3A_1088 = tpu.dynamic_gather %get3A_47[%gather3A_1087] in [0] : vector<16xf32>, vector<16xi32> -> vector<16xf32>
        %add3A_1089 = arith.constant 11 : i32
        %add3A_1090 = arith.addi %multiple_of3A, %add3A_1089 : i32
        %get3A_1091 = arith.index_cast %add3A_1090 : i32 to index
        %get3A_1092 = arith.constant 0 : index
        %get3A_1093 = tpu.vector_load %arg10[%get3A_1091, %get3A_1092] {strides = array<i32>} : memref<128x128xf32, #tpu.memory_space<vmem>>, vector<1x16xf32>,
        %get3A_1094 = vector.shape_cast %get3A_1093 : vector<1x16xf32> to vector<16xf32>
        %mul3A_1095 = arith.mulf %get3A_1094, %gather3A_1088 : vector<16xf32>
        %swap3A_1096 = arith.index_cast %add3A_1090 : i32 to index
        %swap3A_1097 = arith.constant 0 : index
        %swap3A_1098 = tpu.vector_load %arg10[%swap3A_1096, %swap3A_1097] {strides = array<i32>} : memref<128x128xf32, #tpu.memory_space<vmem>>, vector<1x16xf32>,
        %swap3A_1099 = vector.shape_cast %swap3A_1098 : vector<1x16xf32> to vector<16xf32>
        %swap3A_1100 = vector.shape_cast %mul3A_1095 : vector<16xf32> to vector<1x16xf32>
        tpu.vector_store %arg10[%swap3A_1096, %swap3A_1097], %swap3A_1100 {strides = array<i32>} : memref<128x128xf32, #tpu.memory_space<vmem>>, vector<1x16xf32>,
        %get3A_1101 = arith.index_cast %add3A_1090 : i32 to index
        %get3A_1102 = arith.constant 16 : index
        %get3A_1103 = tpu.vector_load %arg10[%get3A_1101, %get3A_1102] {strides = array<i32>} : memref<128x128xf32, #tpu.memory_space<vmem>>, vector<1x16xf32>,
        %get3A_1104 = vector.shape_cast %get3A_1103 : vector<1x16xf32> to vector<16xf32>
        %mul3A_1105 = arith.mulf %get3A_1104, %gather3A_1088 : vector<16xf32>
        %swap3A_1106 = arith.index_cast %add3A_1090 : i32 to index
        %swap3A_1107 = arith.constant 16 : index
        %swap3A_1108 = tpu.vector_load %arg10[%swap3A_1106, %swap3A_1107] {strides = array<i32>} : memref<128x128xf32, #tpu.memory_space<vmem>>, vector<1x16xf32>,
        %swap3A_1109 = vector.shape_cast %swap3A_1108 : vector<1x16xf32> to vector<16xf32>
        %swap3A_1110 = vector.shape_cast %mul3A_1105 : vector<16xf32> to vector<1x16xf32>
        tpu.vector_store %arg10[%swap3A_1106, %swap3A_1107], %swap3A_1110 {strides = array<i32>} : memref<128x128xf32, #tpu.memory_space<vmem>>, vector<1x16xf32>,
        %get3A_1111 = arith.index_cast %add3A_1090 : i32 to index
        %get3A_1112 = arith.constant 32 : index
        %get3A_1113 = tpu.vector_load %arg10[%get3A_1111, %get3A_1112] {strides = array<i32>} : memref<128x128xf32, #tpu.memory_space<vmem>>, vector<1x16xf32>,
        %get3A_1114 = vector.shape_cast %get3A_1113 : vector<1x16xf32> to vector<16xf32>
        %mul3A_1115 = arith.mulf %get3A_1114, %gather3A_1088 : vector<16xf32>
        %swap3A_1116 = arith.index_cast %add3A_1090 : i32 to index
        %swap3A_1117 = arith.constant 32 : index
        %swap3A_1118 = tpu.vector_load %arg10[%swap3A_1116, %swap3A_1117] {strides = array<i32>} : memref<128x128xf32, #tpu.memory_space<vmem>>, vector<1x16xf32>,
        %swap3A_1119 = vector.shape_cast %swap3A_1118 : vector<1x16xf32> to vector<16xf32>
        %swap3A_1120 = vector.shape_cast %mul3A_1115 : vector<16xf32> to vector<1x16xf32>
        tpu.vector_store %arg10[%swap3A_1116, %swap3A_1117], %swap3A_1120 {strides = array<i32>} : memref<128x128xf32, #tpu.memory_space<vmem>>, vector<1x16xf32>,
        %get3A_1121 = arith.index_cast %add3A_1090 : i32 to index
        %get3A_1122 = arith.constant 48 : index
        %get3A_1123 = tpu.vector_load %arg10[%get3A_1121, %get3A_1122] {strides = array<i32>} : memref<128x128xf32, #tpu.memory_space<vmem>>, vector<1x16xf32>,
        %get3A_1124 = vector.shape_cast %get3A_1123 : vector<1x16xf32> to vector<16xf32>
        %mul3A_1125 = arith.mulf %get3A_1124, %gather3A_1088 : vector<16xf32>
        %swap3A_1126 = arith.index_cast %add3A_1090 : i32 to index
        %swap3A_1127 = arith.constant 48 : index
        %swap3A_1128 = tpu.vector_load %arg10[%swap3A_1126, %swap3A_1127] {strides = array<i32>} : memref<128x128xf32, #tpu.memory_space<vmem>>, vector<1x16xf32>,
        %swap3A_1129 = vector.shape_cast %swap3A_1128 : vector<1x16xf32> to vector<16xf32>
        %swap3A_1130 = vector.shape_cast %mul3A_1125 : vector<16xf32> to vector<1x16xf32>
        tpu.vector_store %arg10[%swap3A_1126, %swap3A_1127], %swap3A_1130 {strides = array<i32>} : memref<128x128xf32, #tpu.memory_space<vmem>>, vector<1x16xf32>,
        %get3A_1131 = arith.index_cast %add3A_1090 : i32 to index
        %get3A_1132 = arith.constant 64 : index
        %get3A_1133 = tpu.vector_load %arg10[%get3A_1131, %get3A_1132] {strides = array<i32>} : memref<128x128xf32, #tpu.memory_space<vmem>>, vector<1x16xf32>,
        %get3A_1134 = vector.shape_cast %get3A_1133 : vector<1x16xf32> to vector<16xf32>
        %mul3A_1135 = arith.mulf %get3A_1134, %gather3A_1088 : vector<16xf32>
        %swap3A_1136 = arith.index_cast %add3A_1090 : i32 to index
        %swap3A_1137 = arith.constant 64 : index
        %swap3A_1138 = tpu.vector_load %arg10[%swap3A_1136, %swap3A_1137] {strides = array<i32>} : memref<128x128xf32, #tpu.memory_space<vmem>>, vector<1x16xf32>,
        %swap3A_1139 = vector.shape_cast %swap3A_1138 : vector<1x16xf32> to vector<16xf32>
        %swap3A_1140 = vector.shape_cast %mul3A_1135 : vector<16xf32> to vector<1x16xf32>
        tpu.vector_store %arg10[%swap3A_1136, %swap3A_1137], %swap3A_1140 {strides = array<i32>} : memref<128x128xf32, #tpu.memory_space<vmem>>, vector<1x16xf32>,
        %get3A_1141 = arith.index_cast %add3A_1090 : i32 to index
        %get3A_1142 = arith.constant 80 : index
        %get3A_1143 = tpu.vector_load %arg10[%get3A_1141, %get3A_1142] {strides = array<i32>} : memref<128x128xf32, #tpu.memory_space<vmem>>, vector<1x16xf32>,
        %get3A_1144 = vector.shape_cast %get3A_1143 : vector<1x16xf32> to vector<16xf32>
        %mul3A_1145 = arith.mulf %get3A_1144, %gather3A_1088 : vector<16xf32>
        %swap3A_1146 = arith.index_cast %add3A_1090 : i32 to index
        %swap3A_1147 = arith.constant 80 : index
        %swap3A_1148 = tpu.vector_load %arg10[%swap3A_1146, %swap3A_1147] {strides = array<i32>} : memref<128x128xf32, #tpu.memory_space<vmem>>, vector<1x16xf32>,
        %swap3A_1149 = vector.shape_cast %swap3A_1148 : vector<1x16xf32> to vector<16xf32>
        %swap3A_1150 = vector.shape_cast %mul3A_1145 : vector<16xf32> to vector<1x16xf32>
        tpu.vector_store %arg10[%swap3A_1146, %swap3A_1147], %swap3A_1150 {strides = array<i32>} : memref<128x128xf32, #tpu.memory_space<vmem>>, vector<1x16xf32>,
        %get3A_1151 = arith.index_cast %add3A_1090 : i32 to index
        %get3A_1152 = arith.constant 96 : index
        %get3A_1153 = tpu.vector_load %arg10[%get3A_1151, %get3A_1152] {strides = array<i32>} : memref<128x128xf32, #tpu.memory_space<vmem>>, vector<1x16xf32>,
        %get3A_1154 = vector.shape_cast %get3A_1153 : vector<1x16xf32> to vector<16xf32>
        %mul3A_1155 = arith.mulf %get3A_1154, %gather3A_1088 : vector<16xf32>
        %swap3A_1156 = arith.index_cast %add3A_1090 : i32 to index
        %swap3A_1157 = arith.constant 96 : index
        %swap3A_1158 = tpu.vector_load %arg10[%swap3A_1156, %swap3A_1157] {strides = array<i32>} : memref<128x128xf32, #tpu.memory_space<vmem>>, vector<1x16xf32>,
        %swap3A_1159 = vector.shape_cast %swap3A_1158 : vector<1x16xf32> to vector<16xf32>
        %swap3A_1160 = vector.shape_cast %mul3A_1155 : vector<16xf32> to vector<1x16xf32>
        tpu.vector_store %arg10[%swap3A_1156, %swap3A_1157], %swap3A_1160 {strides = array<i32>} : memref<128x128xf32, #tpu.memory_space<vmem>>, vector<1x16xf32>,
        %get3A_1161 = arith.index_cast %add3A_1090 : i32 to index
        %get3A_1162 = arith.constant 112 : index
        %get3A_1163 = tpu.vector_load %arg10[%get3A_1161, %get3A_1162] {strides = array<i32>} : memref<128x128xf32, #tpu.memory_space<vmem>>, vector<1x16xf32>,
        %get3A_1164 = vector.shape_cast %get3A_1163 : vector<1x16xf32> to vector<16xf32>
        %mul3A_1165 = arith.mulf %get3A_1164, %gather3A_1088 : vector<16xf32>
        %swap3A_1166 = arith.index_cast %add3A_1090 : i32 to index
        %swap3A_1167 = arith.constant 112 : index
        %swap3A_1168 = tpu.vector_load %arg10[%swap3A_1166, %swap3A_1167] {strides = array<i32>} : memref<128x128xf32, #tpu.memory_space<vmem>>, vector<1x16xf32>,
        %swap3A_1169 = vector.shape_cast %swap3A_1168 : vector<1x16xf32> to vector<16xf32>
        %swap3A_1170 = vector.shape_cast %mul3A_1165 : vector<16xf32> to vector<1x16xf32>
        tpu.vector_store %arg10[%swap3A_1166, %swap3A_1167], %swap3A_1170 {strides = array<i32>} : memref<128x128xf32, #tpu.memory_space<vmem>>, vector<1x16xf32>,
        %broadcast_in_dim3A_1171 = arith.constant 12 : i32
        %broadcast_in_dim3A_1172 = vector.broadcast %broadcast_in_dim3A_1171 : i32 to vector<16xi32>
        %lt3A_1173 = arith.constant 0 : i32
        %lt3A_1174 = vector.broadcast %lt3A_1173 : i32 to vector<16xi32>
        %lt3A_1175 = arith.cmpi slt, %broadcast_in_dim3A_1172, %lt3A_1174 : vector<16xi32>
        %add3A_1176 = arith.constant 16 : i32
        %add3A_1177 = vector.broadcast %add3A_1176 : i32 to vector<16xi32>
        %add3A_1178 = arith.addi %broadcast_in_dim3A_1172, %add3A_1177 : vector<16xi32>
        %select_n3A_1179 = arith.select %lt3A_1175, %add3A_1178, %broadcast_in_dim3A_1172 : vector<16xi1>, vector<16xi32>
        %broadcast_in_dim3A_1180 = vector.shape_cast %select_n3A_1179 : vector<16xi32> to vector<16x1xi32>
        %gather3A_1181 = vector.shape_cast %broadcast_in_dim3A_1180 : vector<16x1xi32> to vector<16xi32>
        %gather3A_1182 = tpu.dynamic_gather %get3A_47[%gather3A_1181] in [0] : vector<16xf32>, vector<16xi32> -> vector<16xf32>
        %add3A_1183 = arith.constant 12 : i32
        %add3A_1184 = arith.addi %multiple_of3A, %add3A_1183 : i32
        %get3A_1185 = arith.index_cast %add3A_1184 : i32 to index
        %get3A_1186 = arith.constant 0 : index
        %get3A_1187 = tpu.vector_load %arg10[%get3A_1185, %get3A_1186] {strides = array<i32>} : memref<128x128xf32, #tpu.memory_space<vmem>>, vector<1x16xf32>,
        %get3A_1188 = vector.shape_cast %get3A_1187 : vector<1x16xf32> to vector<16xf32>
        %mul3A_1189 = arith.mulf %get3A_1188, %gather3A_1182 : vector<16xf32>
        %swap3A_1190 = arith.index_cast %add3A_1184 : i32 to index
        %swap3A_1191 = arith.constant 0 : index
        %swap3A_1192 = tpu.vector_load %arg10[%swap3A_1190, %swap3A_1191] {strides = array<i32>} : memref<128x128xf32, #tpu.memory_space<vmem>>, vector<1x16xf32>,
        %swap3A_1193 = vector.shape_cast %swap3A_1192 : vector<1x16xf32> to vector<16xf32>
        %swap3A_1194 = vector.shape_cast %mul3A_1189 : vector<16xf32> to vector<1x16xf32>
        tpu.vector_store %arg10[%swap3A_1190, %swap3A_1191], %swap3A_1194 {strides = array<i32>} : memref<128x128xf32, #tpu.memory_space<vmem>>, vector<1x16xf32>,
        %get3A_1195 = arith.index_cast %add3A_1184 : i32 to index
        %get3A_1196 = arith.constant 16 : index
        %get3A_1197 = tpu.vector_load %arg10[%get3A_1195, %get3A_1196] {strides = array<i32>} : memref<128x128xf32, #tpu.memory_space<vmem>>, vector<1x16xf32>,
        %get3A_1198 = vector.shape_cast %get3A_1197 : vector<1x16xf32> to vector<16xf32>
        %mul3A_1199 = arith.mulf %get3A_1198, %gather3A_1182 : vector<16xf32>
        %swap3A_1200 = arith.index_cast %add3A_1184 : i32 to index
        %swap3A_1201 = arith.constant 16 : index
        %swap3A_1202 = tpu.vector_load %arg10[%swap3A_1200, %swap3A_1201] {strides = array<i32>} : memref<128x128xf32, #tpu.memory_space<vmem>>, vector<1x16xf32>,
        %swap3A_1203 = vector.shape_cast %swap3A_1202 : vector<1x16xf32> to vector<16xf32>
        %swap3A_1204 = vector.shape_cast %mul3A_1199 : vector<16xf32> to vector<1x16xf32>
        tpu.vector_store %arg10[%swap3A_1200, %swap3A_1201], %swap3A_1204 {strides = array<i32>} : memref<128x128xf32, #tpu.memory_space<vmem>>, vector<1x16xf32>,
        %get3A_1205 = arith.index_cast %add3A_1184 : i32 to index
        %get3A_1206 = arith.constant 32 : index
        %get3A_1207 = tpu.vector_load %arg10[%get3A_1205, %get3A_1206] {strides = array<i32>} : memref<128x128xf32, #tpu.memory_space<vmem>>, vector<1x16xf32>,
        %get3A_1208 = vector.shape_cast %get3A_1207 : vector<1x16xf32> to vector<16xf32>
        %mul3A_1209 = arith.mulf %get3A_1208, %gather3A_1182 : vector<16xf32>
        %swap3A_1210 = arith.index_cast %add3A_1184 : i32 to index
        %swap3A_1211 = arith.constant 32 : index
        %swap3A_1212 = tpu.vector_load %arg10[%swap3A_1210, %swap3A_1211] {strides = array<i32>} : memref<128x128xf32, #tpu.memory_space<vmem>>, vector<1x16xf32>,
        %swap3A_1213 = vector.shape_cast %swap3A_1212 : vector<1x16xf32> to vector<16xf32>
        %swap3A_1214 = vector.shape_cast %mul3A_1209 : vector<16xf32> to vector<1x16xf32>
        tpu.vector_store %arg10[%swap3A_1210, %swap3A_1211], %swap3A_1214 {strides = array<i32>} : memref<128x128xf32, #tpu.memory_space<vmem>>, vector<1x16xf32>,
        %get3A_1215 = arith.index_cast %add3A_1184 : i32 to index
        %get3A_1216 = arith.constant 48 : index
        %get3A_1217 = tpu.vector_load %arg10[%get3A_1215, %get3A_1216] {strides = array<i32>} : memref<128x128xf32, #tpu.memory_space<vmem>>, vector<1x16xf32>,
        %get3A_1218 = vector.shape_cast %get3A_1217 : vector<1x16xf32> to vector<16xf32>
        %mul3A_1219 = arith.mulf %get3A_1218, %gather3A_1182 : vector<16xf32>
        %swap3A_1220 = arith.index_cast %add3A_1184 : i32 to index
        %swap3A_1221 = arith.constant 48 : index
        %swap3A_1222 = tpu.vector_load %arg10[%swap3A_1220, %swap3A_1221] {strides = array<i32>} : memref<128x128xf32, #tpu.memory_space<vmem>>, vector<1x16xf32>,
        %swap3A_1223 = vector.shape_cast %swap3A_1222 : vector<1x16xf32> to vector<16xf32>
        %swap3A_1224 = vector.shape_cast %mul3A_1219 : vector<16xf32> to vector<1x16xf32>
        tpu.vector_store %arg10[%swap3A_1220, %swap3A_1221], %swap3A_1224 {strides = array<i32>} : memref<128x128xf32, #tpu.memory_space<vmem>>, vector<1x16xf32>,
        %get3A_1225 = arith.index_cast %add3A_1184 : i32 to index
        %get3A_1226 = arith.constant 64 : index
        %get3A_1227 = tpu.vector_load %arg10[%get3A_1225, %get3A_1226] {strides = array<i32>} : memref<128x128xf32, #tpu.memory_space<vmem>>, vector<1x16xf32>,
        %get3A_1228 = vector.shape_cast %get3A_1227 : vector<1x16xf32> to vector<16xf32>
        %mul3A_1229 = arith.mulf %get3A_1228, %gather3A_1182 : vector<16xf32>
        %swap3A_1230 = arith.index_cast %add3A_1184 : i32 to index
        %swap3A_1231 = arith.constant 64 : index
        %swap3A_1232 = tpu.vector_load %arg10[%swap3A_1230, %swap3A_1231] {strides = array<i32>} : memref<128x128xf32, #tpu.memory_space<vmem>>, vector<1x16xf32>,
        %swap3A_1233 = vector.shape_cast %swap3A_1232 : vector<1x16xf32> to vector<16xf32>
        %swap3A_1234 = vector.shape_cast %mul3A_1229 : vector<16xf32> to vector<1x16xf32>
        tpu.vector_store %arg10[%swap3A_1230, %swap3A_1231], %swap3A_1234 {strides = array<i32>} : memref<128x128xf32, #tpu.memory_space<vmem>>, vector<1x16xf32>,
        %get3A_1235 = arith.index_cast %add3A_1184 : i32 to index
        %get3A_1236 = arith.constant 80 : index
        %get3A_1237 = tpu.vector_load %arg10[%get3A_1235, %get3A_1236] {strides = array<i32>} : memref<128x128xf32, #tpu.memory_space<vmem>>, vector<1x16xf32>,
        %get3A_1238 = vector.shape_cast %get3A_1237 : vector<1x16xf32> to vector<16xf32>
        %mul3A_1239 = arith.mulf %get3A_1238, %gather3A_1182 : vector<16xf32>
        %swap3A_1240 = arith.index_cast %add3A_1184 : i32 to index
        %swap3A_1241 = arith.constant 80 : index
        %swap3A_1242 = tpu.vector_load %arg10[%swap3A_1240, %swap3A_1241] {strides = array<i32>} : memref<128x128xf32, #tpu.memory_space<vmem>>, vector<1x16xf32>,
        %swap3A_1243 = vector.shape_cast %swap3A_1242 : vector<1x16xf32> to vector<16xf32>
        %swap3A_1244 = vector.shape_cast %mul3A_1239 : vector<16xf32> to vector<1x16xf32>
        tpu.vector_store %arg10[%swap3A_1240, %swap3A_1241], %swap3A_1244 {strides = array<i32>} : memref<128x128xf32, #tpu.memory_space<vmem>>, vector<1x16xf32>,
        %get3A_1245 = arith.index_cast %add3A_1184 : i32 to index
        %get3A_1246 = arith.constant 96 : index
        %get3A_1247 = tpu.vector_load %arg10[%get3A_1245, %get3A_1246] {strides = array<i32>} : memref<128x128xf32, #tpu.memory_space<vmem>>, vector<1x16xf32>,
        %get3A_1248 = vector.shape_cast %get3A_1247 : vector<1x16xf32> to vector<16xf32>
        %mul3A_1249 = arith.mulf %get3A_1248, %gather3A_1182 : vector<16xf32>
        %swap3A_1250 = arith.index_cast %add3A_1184 : i32 to index
        %swap3A_1251 = arith.constant 96 : index
        %swap3A_1252 = tpu.vector_load %arg10[%swap3A_1250, %swap3A_1251] {strides = array<i32>} : memref<128x128xf32, #tpu.memory_space<vmem>>, vector<1x16xf32>,
        %swap3A_1253 = vector.shape_cast %swap3A_1252 : vector<1x16xf32> to vector<16xf32>
        %swap3A_1254 = vector.shape_cast %mul3A_1249 : vector<16xf32> to vector<1x16xf32>
        tpu.vector_store %arg10[%swap3A_1250, %swap3A_1251], %swap3A_1254 {strides = array<i32>} : memref<128x128xf32, #tpu.memory_space<vmem>>, vector<1x16xf32>,
        %get3A_1255 = arith.index_cast %add3A_1184 : i32 to index
        %get3A_1256 = arith.constant 112 : index
        %get3A_1257 = tpu.vector_load %arg10[%get3A_1255, %get3A_1256] {strides = array<i32>} : memref<128x128xf32, #tpu.memory_space<vmem>>, vector<1x16xf32>,
        %get3A_1258 = vector.shape_cast %get3A_1257 : vector<1x16xf32> to vector<16xf32>
        %mul3A_1259 = arith.mulf %get3A_1258, %gather3A_1182 : vector<16xf32>
        %swap3A_1260 = arith.index_cast %add3A_1184 : i32 to index
        %swap3A_1261 = arith.constant 112 : index
        %swap3A_1262 = tpu.vector_load %arg10[%swap3A_1260, %swap3A_1261] {strides = array<i32>} : memref<128x128xf32, #tpu.memory_space<vmem>>, vector<1x16xf32>,
        %swap3A_1263 = vector.shape_cast %swap3A_1262 : vector<1x16xf32> to vector<16xf32>
        %swap3A_1264 = vector.shape_cast %mul3A_1259 : vector<16xf32> to vector<1x16xf32>
        tpu.vector_store %arg10[%swap3A_1260, %swap3A_1261], %swap3A_1264 {strides = array<i32>} : memref<128x128xf32, #tpu.memory_space<vmem>>, vector<1x16xf32>,
        %broadcast_in_dim3A_1265 = arith.constant 13 : i32
        %broadcast_in_dim3A_1266 = vector.broadcast %broadcast_in_dim3A_1265 : i32 to vector<16xi32>
        %lt3A_1267 = arith.constant 0 : i32
        %lt3A_1268 = vector.broadcast %lt3A_1267 : i32 to vector<16xi32>
        %lt3A_1269 = arith.cmpi slt, %broadcast_in_dim3A_1266, %lt3A_1268 : vector<16xi32>
        %add3A_1270 = arith.constant 16 : i32
        %add3A_1271 = vector.broadcast %add3A_1270 : i32 to vector<16xi32>
        %add3A_1272 = arith.addi %broadcast_in_dim3A_1266, %add3A_1271 : vector<16xi32>
        %select_n3A_1273 = arith.select %lt3A_1269, %add3A_1272, %broadcast_in_dim3A_1266 : vector<16xi1>, vector<16xi32>
        %broadcast_in_dim3A_1274 = vector.shape_cast %select_n3A_1273 : vector<16xi32> to vector<16x1xi32>
        %gather3A_1275 = vector.shape_cast %broadcast_in_dim3A_1274 : vector<16x1xi32> to vector<16xi32>
        %gather3A_1276 = tpu.dynamic_gather %get3A_47[%gather3A_1275] in [0] : vector<16xf32>, vector<16xi32> -> vector<16xf32>
        %add3A_1277 = arith.constant 13 : i32
        %add3A_1278 = arith.addi %multiple_of3A, %add3A_1277 : i32
        %get3A_1279 = arith.index_cast %add3A_1278 : i32 to index
        %get3A_1280 = arith.constant 0 : index
        %get3A_1281 = tpu.vector_load %arg10[%get3A_1279, %get3A_1280] {strides = array<i32>} : memref<128x128xf32, #tpu.memory_space<vmem>>, vector<1x16xf32>,
        %get3A_1282 = vector.shape_cast %get3A_1281 : vector<1x16xf32> to vector<16xf32>
        %mul3A_1283 = arith.mulf %get3A_1282, %gather3A_1276 : vector<16xf32>
        %swap3A_1284 = arith.index_cast %add3A_1278 : i32 to index
        %swap3A_1285 = arith.constant 0 : index
        %swap3A_1286 = tpu.vector_load %arg10[%swap3A_1284, %swap3A_1285] {strides = array<i32>} : memref<128x128xf32, #tpu.memory_space<vmem>>, vector<1x16xf32>,
        %swap3A_1287 = vector.shape_cast %swap3A_1286 : vector<1x16xf32> to vector<16xf32>
        %swap3A_1288 = vector.shape_cast %mul3A_1283 : vector<16xf32> to vector<1x16xf32>
        tpu.vector_store %arg10[%swap3A_1284, %swap3A_1285], %swap3A_1288 {strides = array<i32>} : memref<128x128xf32, #tpu.memory_space<vmem>>, vector<1x16xf32>,
        %get3A_1289 = arith.index_cast %add3A_1278 : i32 to index
        %get3A_1290 = arith.constant 16 : index
        %get3A_1291 = tpu.vector_load %arg10[%get3A_1289, %get3A_1290] {strides = array<i32>} : memref<128x128xf32, #tpu.memory_space<vmem>>, vector<1x16xf32>,
        %get3A_1292 = vector.shape_cast %get3A_1291 : vector<1x16xf32> to vector<16xf32>
        %mul3A_1293 = arith.mulf %get3A_1292, %gather3A_1276 : vector<16xf32>
        %swap3A_1294 = arith.index_cast %add3A_1278 : i32 to index
        %swap3A_1295 = arith.constant 16 : index
        %swap3A_1296 = tpu.vector_load %arg10[%swap3A_1294, %swap3A_1295] {strides = array<i32>} : memref<128x128xf32, #tpu.memory_space<vmem>>, vector<1x16xf32>,
        %swap3A_1297 = vector.shape_cast %swap3A_1296 : vector<1x16xf32> to vector<16xf32>
        %swap3A_1298 = vector.shape_cast %mul3A_1293 : vector<16xf32> to vector<1x16xf32>
        tpu.vector_store %arg10[%swap3A_1294, %swap3A_1295], %swap3A_1298 {strides = array<i32>} : memref<128x128xf32, #tpu.memory_space<vmem>>, vector<1x16xf32>,
        %get3A_1299 = arith.index_cast %add3A_1278 : i32 to index
        %get3A_1300 = arith.constant 32 : index
        %get3A_1301 = tpu.vector_load %arg10[%get3A_1299, %get3A_1300] {strides = array<i32>} : memref<128x128xf32, #tpu.memory_space<vmem>>, vector<1x16xf32>,
        %get3A_1302 = vector.shape_cast %get3A_1301 : vector<1x16xf32> to vector<16xf32>
        %mul3A_1303 = arith.mulf %get3A_1302, %gather3A_1276 : vector<16xf32>
        %swap3A_1304 = arith.index_cast %add3A_1278 : i32 to index
        %swap3A_1305 = arith.constant 32 : index
        %swap3A_1306 = tpu.vector_load %arg10[%swap3A_1304, %swap3A_1305] {strides = array<i32>} : memref<128x128xf32, #tpu.memory_space<vmem>>, vector<1x16xf32>,
        %swap3A_1307 = vector.shape_cast %swap3A_1306 : vector<1x16xf32> to vector<16xf32>
        %swap3A_1308 = vector.shape_cast %mul3A_1303 : vector<16xf32> to vector<1x16xf32>
        tpu.vector_store %arg10[%swap3A_1304, %swap3A_1305], %swap3A_1308 {strides = array<i32>} : memref<128x128xf32, #tpu.memory_space<vmem>>, vector<1x16xf32>,
        %get3A_1309 = arith.index_cast %add3A_1278 : i32 to index
        %get3A_1310 = arith.constant 48 : index
        %get3A_1311 = tpu.vector_load %arg10[%get3A_1309, %get3A_1310] {strides = array<i32>} : memref<128x128xf32, #tpu.memory_space<vmem>>, vector<1x16xf32>,
        %get3A_1312 = vector.shape_cast %get3A_1311 : vector<1x16xf32> to vector<16xf32>
        %mul3A_1313 = arith.mulf %get3A_1312, %gather3A_1276 : vector<16xf32>
        %swap3A_1314 = arith.index_cast %add3A_1278 : i32 to index
        %swap3A_1315 = arith.constant 48 : index
        %swap3A_1316 = tpu.vector_load %arg10[%swap3A_1314, %swap3A_1315] {strides = array<i32>} : memref<128x128xf32, #tpu.memory_space<vmem>>, vector<1x16xf32>,
        %swap3A_1317 = vector.shape_cast %swap3A_1316 : vector<1x16xf32> to vector<16xf32>
        %swap3A_1318 = vector.shape_cast %mul3A_1313 : vector<16xf32> to vector<1x16xf32>
        tpu.vector_store %arg10[%swap3A_1314, %swap3A_1315], %swap3A_1318 {strides = array<i32>} : memref<128x128xf32, #tpu.memory_space<vmem>>, vector<1x16xf32>,
        %get3A_1319 = arith.index_cast %add3A_1278 : i32 to index
        %get3A_1320 = arith.constant 64 : index
        %get3A_1321 = tpu.vector_load %arg10[%get3A_1319, %get3A_1320] {strides = array<i32>} : memref<128x128xf32, #tpu.memory_space<vmem>>, vector<1x16xf32>,
        %get3A_1322 = vector.shape_cast %get3A_1321 : vector<1x16xf32> to vector<16xf32>
        %mul3A_1323 = arith.mulf %get3A_1322, %gather3A_1276 : vector<16xf32>
        %swap3A_1324 = arith.index_cast %add3A_1278 : i32 to index
        %swap3A_1325 = arith.constant 64 : index
        %swap3A_1326 = tpu.vector_load %arg10[%swap3A_1324, %swap3A_1325] {strides = array<i32>} : memref<128x128xf32, #tpu.memory_space<vmem>>, vector<1x16xf32>,
        %swap3A_1327 = vector.shape_cast %swap3A_1326 : vector<1x16xf32> to vector<16xf32>
        %swap3A_1328 = vector.shape_cast %mul3A_1323 : vector<16xf32> to vector<1x16xf32>
        tpu.vector_store %arg10[%swap3A_1324, %swap3A_1325], %swap3A_1328 {strides = array<i32>} : memref<128x128xf32, #tpu.memory_space<vmem>>, vector<1x16xf32>,
        %get3A_1329 = arith.index_cast %add3A_1278 : i32 to index
        %get3A_1330 = arith.constant 80 : index
        %get3A_1331 = tpu.vector_load %arg10[%get3A_1329, %get3A_1330] {strides = array<i32>} : memref<128x128xf32, #tpu.memory_space<vmem>>, vector<1x16xf32>,
        %get3A_1332 = vector.shape_cast %get3A_1331 : vector<1x16xf32> to vector<16xf32>
        %mul3A_1333 = arith.mulf %get3A_1332, %gather3A_1276 : vector<16xf32>
        %swap3A_1334 = arith.index_cast %add3A_1278 : i32 to index
        %swap3A_1335 = arith.constant 80 : index
        %swap3A_1336 = tpu.vector_load %arg10[%swap3A_1334, %swap3A_1335] {strides = array<i32>} : memref<128x128xf32, #tpu.memory_space<vmem>>, vector<1x16xf32>,
        %swap3A_1337 = vector.shape_cast %swap3A_1336 : vector<1x16xf32> to vector<16xf32>
        %swap3A_1338 = vector.shape_cast %mul3A_1333 : vector<16xf32> to vector<1x16xf32>
        tpu.vector_store %arg10[%swap3A_1334, %swap3A_1335], %swap3A_1338 {strides = array<i32>} : memref<128x128xf32, #tpu.memory_space<vmem>>, vector<1x16xf32>,
        %get3A_1339 = arith.index_cast %add3A_1278 : i32 to index
        %get3A_1340 = arith.constant 96 : index
        %get3A_1341 = tpu.vector_load %arg10[%get3A_1339, %get3A_1340] {strides = array<i32>} : memref<128x128xf32, #tpu.memory_space<vmem>>, vector<1x16xf32>,
        %get3A_1342 = vector.shape_cast %get3A_1341 : vector<1x16xf32> to vector<16xf32>
        %mul3A_1343 = arith.mulf %get3A_1342, %gather3A_1276 : vector<16xf32>
        %swap3A_1344 = arith.index_cast %add3A_1278 : i32 to index
        %swap3A_1345 = arith.constant 96 : index
        %swap3A_1346 = tpu.vector_load %arg10[%swap3A_1344, %swap3A_1345] {strides = array<i32>} : memref<128x128xf32, #tpu.memory_space<vmem>>, vector<1x16xf32>,
        %swap3A_1347 = vector.shape_cast %swap3A_1346 : vector<1x16xf32> to vector<16xf32>
        %swap3A_1348 = vector.shape_cast %mul3A_1343 : vector<16xf32> to vector<1x16xf32>
        tpu.vector_store %arg10[%swap3A_1344, %swap3A_1345], %swap3A_1348 {strides = array<i32>} : memref<128x128xf32, #tpu.memory_space<vmem>>, vector<1x16xf32>,
        %get3A_1349 = arith.index_cast %add3A_1278 : i32 to index
        %get3A_1350 = arith.constant 112 : index
        %get3A_1351 = tpu.vector_load %arg10[%get3A_1349, %get3A_1350] {strides = array<i32>} : memref<128x128xf32, #tpu.memory_space<vmem>>, vector<1x16xf32>,
        %get3A_1352 = vector.shape_cast %get3A_1351 : vector<1x16xf32> to vector<16xf32>
        %mul3A_1353 = arith.mulf %get3A_1352, %gather3A_1276 : vector<16xf32>
        %swap3A_1354 = arith.index_cast %add3A_1278 : i32 to index
        %swap3A_1355 = arith.constant 112 : index
        %swap3A_1356 = tpu.vector_load %arg10[%swap3A_1354, %swap3A_1355] {strides = array<i32>} : memref<128x128xf32, #tpu.memory_space<vmem>>, vector<1x16xf32>,
        %swap3A_1357 = vector.shape_cast %swap3A_1356 : vector<1x16xf32> to vector<16xf32>
        %swap3A_1358 = vector.shape_cast %mul3A_1353 : vector<16xf32> to vector<1x16xf32>
        tpu.vector_store %arg10[%swap3A_1354, %swap3A_1355], %swap3A_1358 {strides = array<i32>} : memref<128x128xf32, #tpu.memory_space<vmem>>, vector<1x16xf32>,
        %broadcast_in_dim3A_1359 = arith.constant 14 : i32
        %broadcast_in_dim3A_1360 = vector.broadcast %broadcast_in_dim3A_1359 : i32 to vector<16xi32>
        %lt3A_1361 = arith.constant 0 : i32
        %lt3A_1362 = vector.broadcast %lt3A_1361 : i32 to vector<16xi32>
        %lt3A_1363 = arith.cmpi slt, %broadcast_in_dim3A_1360, %lt3A_1362 : vector<16xi32>
        %add3A_1364 = arith.constant 16 : i32
        %add3A_1365 = vector.broadcast %add3A_1364 : i32 to vector<16xi32>
        %add3A_1366 = arith.addi %broadcast_in_dim3A_1360, %add3A_1365 : vector<16xi32>
        %select_n3A_1367 = arith.select %lt3A_1363, %add3A_1366, %broadcast_in_dim3A_1360 : vector<16xi1>, vector<16xi32>
        %broadcast_in_dim3A_1368 = vector.shape_cast %select_n3A_1367 : vector<16xi32> to vector<16x1xi32>
        %gather3A_1369 = vector.shape_cast %broadcast_in_dim3A_1368 : vector<16x1xi32> to vector<16xi32>
        %gather3A_1370 = tpu.dynamic_gather %get3A_47[%gather3A_1369] in [0] : vector<16xf32>, vector<16xi32> -> vector<16xf32>
        %add3A_1371 = arith.constant 14 : i32
        %add3A_1372 = arith.addi %multiple_of3A, %add3A_1371 : i32
        %get3A_1373 = arith.index_cast %add3A_1372 : i32 to index
        %get3A_1374 = arith.constant 0 : index
        %get3A_1375 = tpu.vector_load %arg10[%get3A_1373, %get3A_1374] {strides = array<i32>} : memref<128x128xf32, #tpu.memory_space<vmem>>, vector<1x16xf32>,
        %get3A_1376 = vector.shape_cast %get3A_1375 : vector<1x16xf32> to vector<16xf32>
        %mul3A_1377 = arith.mulf %get3A_1376, %gather3A_1370 : vector<16xf32>
        %swap3A_1378 = arith.index_cast %add3A_1372 : i32 to index
        %swap3A_1379 = arith.constant 0 : index
        %swap3A_1380 = tpu.vector_load %arg10[%swap3A_1378, %swap3A_1379] {strides = array<i32>} : memref<128x128xf32, #tpu.memory_space<vmem>>, vector<1x16xf32>,
        %swap3A_1381 = vector.shape_cast %swap3A_1380 : vector<1x16xf32> to vector<16xf32>
        %swap3A_1382 = vector.shape_cast %mul3A_1377 : vector<16xf32> to vector<1x16xf32>
        tpu.vector_store %arg10[%swap3A_1378, %swap3A_1379], %swap3A_1382 {strides = array<i32>} : memref<128x128xf32, #tpu.memory_space<vmem>>, vector<1x16xf32>,
        %get3A_1383 = arith.index_cast %add3A_1372 : i32 to index
        %get3A_1384 = arith.constant 16 : index
        %get3A_1385 = tpu.vector_load %arg10[%get3A_1383, %get3A_1384] {strides = array<i32>} : memref<128x128xf32, #tpu.memory_space<vmem>>, vector<1x16xf32>,
        %get3A_1386 = vector.shape_cast %get3A_1385 : vector<1x16xf32> to vector<16xf32>
        %mul3A_1387 = arith.mulf %get3A_1386, %gather3A_1370 : vector<16xf32>
        %swap3A_1388 = arith.index_cast %add3A_1372 : i32 to index
        %swap3A_1389 = arith.constant 16 : index
        %swap3A_1390 = tpu.vector_load %arg10[%swap3A_1388, %swap3A_1389] {strides = array<i32>} : memref<128x128xf32, #tpu.memory_space<vmem>>, vector<1x16xf32>,
        %swap3A_1391 = vector.shape_cast %swap3A_1390 : vector<1x16xf32> to vector<16xf32>
        %swap3A_1392 = vector.shape_cast %mul3A_1387 : vector<16xf32> to vector<1x16xf32>
        tpu.vector_store %arg10[%swap3A_1388, %swap3A_1389], %swap3A_1392 {strides = array<i32>} : memref<128x128xf32, #tpu.memory_space<vmem>>, vector<1x16xf32>,
        %get3A_1393 = arith.index_cast %add3A_1372 : i32 to index
        %get3A_1394 = arith.constant 32 : index
        %get3A_1395 = tpu.vector_load %arg10[%get3A_1393, %get3A_1394] {strides = array<i32>} : memref<128x128xf32, #tpu.memory_space<vmem>>, vector<1x16xf32>,
        %get3A_1396 = vector.shape_cast %get3A_1395 : vector<1x16xf32> to vector<16xf32>
        %mul3A_1397 = arith.mulf %get3A_1396, %gather3A_1370 : vector<16xf32>
        %swap3A_1398 = arith.index_cast %add3A_1372 : i32 to index
        %swap3A_1399 = arith.constant 32 : index
        %swap3A_1400 = tpu.vector_load %arg10[%swap3A_1398, %swap3A_1399] {strides = array<i32>} : memref<128x128xf32, #tpu.memory_space<vmem>>, vector<1x16xf32>,
        %swap3A_1401 = vector.shape_cast %swap3A_1400 : vector<1x16xf32> to vector<16xf32>
        %swap3A_1402 = vector.shape_cast %mul3A_1397 : vector<16xf32> to vector<1x16xf32>
        tpu.vector_store %arg10[%swap3A_1398, %swap3A_1399], %swap3A_1402 {strides = array<i32>} : memref<128x128xf32, #tpu.memory_space<vmem>>, vector<1x16xf32>,
        %get3A_1403 = arith.index_cast %add3A_1372 : i32 to index
        %get3A_1404 = arith.constant 48 : index
        %get3A_1405 = tpu.vector_load %arg10[%get3A_1403, %get3A_1404] {strides = array<i32>} : memref<128x128xf32, #tpu.memory_space<vmem>>, vector<1x16xf32>,
        %get3A_1406 = vector.shape_cast %get3A_1405 : vector<1x16xf32> to vector<16xf32>
        %mul3A_1407 = arith.mulf %get3A_1406, %gather3A_1370 : vector<16xf32>
        %swap3A_1408 = arith.index_cast %add3A_1372 : i32 to index
        %swap3A_1409 = arith.constant 48 : index
        %swap3A_1410 = tpu.vector_load %arg10[%swap3A_1408, %swap3A_1409] {strides = array<i32>} : memref<128x128xf32, #tpu.memory_space<vmem>>, vector<1x16xf32>,
        %swap3A_1411 = vector.shape_cast %swap3A_1410 : vector<1x16xf32> to vector<16xf32>
        %swap3A_1412 = vector.shape_cast %mul3A_1407 : vector<16xf32> to vector<1x16xf32>
        tpu.vector_store %arg10[%swap3A_1408, %swap3A_1409], %swap3A_1412 {strides = array<i32>} : memref<128x128xf32, #tpu.memory_space<vmem>>, vector<1x16xf32>,
        %get3A_1413 = arith.index_cast %add3A_1372 : i32 to index
        %get3A_1414 = arith.constant 64 : index
        %get3A_1415 = tpu.vector_load %arg10[%get3A_1413, %get3A_1414] {strides = array<i32>} : memref<128x128xf32, #tpu.memory_space<vmem>>, vector<1x16xf32>,
        %get3A_1416 = vector.shape_cast %get3A_1415 : vector<1x16xf32> to vector<16xf32>
        %mul3A_1417 = arith.mulf %get3A_1416, %gather3A_1370 : vector<16xf32>
        %swap3A_1418 = arith.index_cast %add3A_1372 : i32 to index
        %swap3A_1419 = arith.constant 64 : index
        %swap3A_1420 = tpu.vector_load %arg10[%swap3A_1418, %swap3A_1419] {strides = array<i32>} : memref<128x128xf32, #tpu.memory_space<vmem>>, vector<1x16xf32>,
        %swap3A_1421 = vector.shape_cast %swap3A_1420 : vector<1x16xf32> to vector<16xf32>
        %swap3A_1422 = vector.shape_cast %mul3A_1417 : vector<16xf32> to vector<1x16xf32>
        tpu.vector_store %arg10[%swap3A_1418, %swap3A_1419], %swap3A_1422 {strides = array<i32>} : memref<128x128xf32, #tpu.memory_space<vmem>>, vector<1x16xf32>,
        %get3A_1423 = arith.index_cast %add3A_1372 : i32 to index
        %get3A_1424 = arith.constant 80 : index
        %get3A_1425 = tpu.vector_load %arg10[%get3A_1423, %get3A_1424] {strides = array<i32>} : memref<128x128xf32, #tpu.memory_space<vmem>>, vector<1x16xf32>,
        %get3A_1426 = vector.shape_cast %get3A_1425 : vector<1x16xf32> to vector<16xf32>
        %mul3A_1427 = arith.mulf %get3A_1426, %gather3A_1370 : vector<16xf32>
        %swap3A_1428 = arith.index_cast %add3A_1372 : i32 to index
        %swap3A_1429 = arith.constant 80 : index
        %swap3A_1430 = tpu.vector_load %arg10[%swap3A_1428, %swap3A_1429] {strides = array<i32>} : memref<128x128xf32, #tpu.memory_space<vmem>>, vector<1x16xf32>,
        %swap3A_1431 = vector.shape_cast %swap3A_1430 : vector<1x16xf32> to vector<16xf32>
        %swap3A_1432 = vector.shape_cast %mul3A_1427 : vector<16xf32> to vector<1x16xf32>
        tpu.vector_store %arg10[%swap3A_1428, %swap3A_1429], %swap3A_1432 {strides = array<i32>} : memref<128x128xf32, #tpu.memory_space<vmem>>, vector<1x16xf32>,
        %get3A_1433 = arith.index_cast %add3A_1372 : i32 to index
        %get3A_1434 = arith.constant 96 : index
        %get3A_1435 = tpu.vector_load %arg10[%get3A_1433, %get3A_1434] {strides = array<i32>} : memref<128x128xf32, #tpu.memory_space<vmem>>, vector<1x16xf32>,
        %get3A_1436 = vector.shape_cast %get3A_1435 : vector<1x16xf32> to vector<16xf32>
        %mul3A_1437 = arith.mulf %get3A_1436, %gather3A_1370 : vector<16xf32>
        %swap3A_1438 = arith.index_cast %add3A_1372 : i32 to index
        %swap3A_1439 = arith.constant 96 : index
        %swap3A_1440 = tpu.vector_load %arg10[%swap3A_1438, %swap3A_1439] {strides = array<i32>} : memref<128x128xf32, #tpu.memory_space<vmem>>, vector<1x16xf32>,
        %swap3A_1441 = vector.shape_cast %swap3A_1440 : vector<1x16xf32> to vector<16xf32>
        %swap3A_1442 = vector.shape_cast %mul3A_1437 : vector<16xf32> to vector<1x16xf32>
        tpu.vector_store %arg10[%swap3A_1438, %swap3A_1439], %swap3A_1442 {strides = array<i32>} : memref<128x128xf32, #tpu.memory_space<vmem>>, vector<1x16xf32>,
        %get3A_1443 = arith.index_cast %add3A_1372 : i32 to index
        %get3A_1444 = arith.constant 112 : index
        %get3A_1445 = tpu.vector_load %arg10[%get3A_1443, %get3A_1444] {strides = array<i32>} : memref<128x128xf32, #tpu.memory_space<vmem>>, vector<1x16xf32>,
        %get3A_1446 = vector.shape_cast %get3A_1445 : vector<1x16xf32> to vector<16xf32>
        %mul3A_1447 = arith.mulf %get3A_1446, %gather3A_1370 : vector<16xf32>
        %swap3A_1448 = arith.index_cast %add3A_1372 : i32 to index
        %swap3A_1449 = arith.constant 112 : index
        %swap3A_1450 = tpu.vector_load %arg10[%swap3A_1448, %swap3A_1449] {strides = array<i32>} : memref<128x128xf32, #tpu.memory_space<vmem>>, vector<1x16xf32>,
        %swap3A_1451 = vector.shape_cast %swap3A_1450 : vector<1x16xf32> to vector<16xf32>
        %swap3A_1452 = vector.shape_cast %mul3A_1447 : vector<16xf32> to vector<1x16xf32>
        tpu.vector_store %arg10[%swap3A_1448, %swap3A_1449], %swap3A_1452 {strides = array<i32>} : memref<128x128xf32, #tpu.memory_space<vmem>>, vector<1x16xf32>,
        %broadcast_in_dim3A_1453 = arith.constant 15 : i32
        %broadcast_in_dim3A_1454 = vector.broadcast %broadcast_in_dim3A_1453 : i32 to vector<16xi32>
        %lt3A_1455 = arith.constant 0 : i32
        %lt3A_1456 = vector.broadcast %lt3A_1455 : i32 to vector<16xi32>
        %lt3A_1457 = arith.cmpi slt, %broadcast_in_dim3A_1454, %lt3A_1456 : vector<16xi32>
        %add3A_1458 = arith.constant 16 : i32
        %add3A_1459 = vector.broadcast %add3A_1458 : i32 to vector<16xi32>
        %add3A_1460 = arith.addi %broadcast_in_dim3A_1454, %add3A_1459 : vector<16xi32>
        %select_n3A_1461 = arith.select %lt3A_1457, %add3A_1460, %broadcast_in_dim3A_1454 : vector<16xi1>, vector<16xi32>
        %broadcast_in_dim3A_1462 = vector.shape_cast %select_n3A_1461 : vector<16xi32> to vector<16x1xi32>
        %gather3A_1463 = vector.shape_cast %broadcast_in_dim3A_1462 : vector<16x1xi32> to vector<16xi32>
        %gather3A_1464 = tpu.dynamic_gather %get3A_47[%gather3A_1463] in [0] : vector<16xf32>, vector<16xi32> -> vector<16xf32>
        %add3A_1465 = arith.constant 15 : i32
        %add3A_1466 = arith.addi %multiple_of3A, %add3A_1465 : i32
        %get3A_1467 = arith.index_cast %add3A_1466 : i32 to index
        %get3A_1468 = arith.constant 0 : index
        %get3A_1469 = tpu.vector_load %arg10[%get3A_1467, %get3A_1468] {strides = array<i32>} : memref<128x128xf32, #tpu.memory_space<vmem>>, vector<1x16xf32>,
        %get3A_1470 = vector.shape_cast %get3A_1469 : vector<1x16xf32> to vector<16xf32>
        %mul3A_1471 = arith.mulf %get3A_1470, %gather3A_1464 : vector<16xf32>
        %swap3A_1472 = arith.index_cast %add3A_1466 : i32 to index
        %swap3A_1473 = arith.constant 0 : index
        %swap3A_1474 = tpu.vector_load %arg10[%swap3A_1472, %swap3A_1473] {strides = array<i32>} : memref<128x128xf32, #tpu.memory_space<vmem>>, vector<1x16xf32>,
        %swap3A_1475 = vector.shape_cast %swap3A_1474 : vector<1x16xf32> to vector<16xf32>
        %swap3A_1476 = vector.shape_cast %mul3A_1471 : vector<16xf32> to vector<1x16xf32>
        tpu.vector_store %arg10[%swap3A_1472, %swap3A_1473], %swap3A_1476 {strides = array<i32>} : memref<128x128xf32, #tpu.memory_space<vmem>>, vector<1x16xf32>,
        %get3A_1477 = arith.index_cast %add3A_1466 : i32 to index
        %get3A_1478 = arith.constant 16 : index
        %get3A_1479 = tpu.vector_load %arg10[%get3A_1477, %get3A_1478] {strides = array<i32>} : memref<128x128xf32, #tpu.memory_space<vmem>>, vector<1x16xf32>,
        %get3A_1480 = vector.shape_cast %get3A_1479 : vector<1x16xf32> to vector<16xf32>
        %mul3A_1481 = arith.mulf %get3A_1480, %gather3A_1464 : vector<16xf32>
        %swap3A_1482 = arith.index_cast %add3A_1466 : i32 to index
        %swap3A_1483 = arith.constant 16 : index
        %swap3A_1484 = tpu.vector_load %arg10[%swap3A_1482, %swap3A_1483] {strides = array<i32>} : memref<128x128xf32, #tpu.memory_space<vmem>>, vector<1x16xf32>,
        %swap3A_1485 = vector.shape_cast %swap3A_1484 : vector<1x16xf32> to vector<16xf32>
        %swap3A_1486 = vector.shape_cast %mul3A_1481 : vector<16xf32> to vector<1x16xf32>
        tpu.vector_store %arg10[%swap3A_1482, %swap3A_1483], %swap3A_1486 {strides = array<i32>} : memref<128x128xf32, #tpu.memory_space<vmem>>, vector<1x16xf32>,
        %get3A_1487 = arith.index_cast %add3A_1466 : i32 to index
        %get3A_1488 = arith.constant 32 : index
        %get3A_1489 = tpu.vector_load %arg10[%get3A_1487, %get3A_1488] {strides = array<i32>} : memref<128x128xf32, #tpu.memory_space<vmem>>, vector<1x16xf32>,
        %get3A_1490 = vector.shape_cast %get3A_1489 : vector<1x16xf32> to vector<16xf32>
        %mul3A_1491 = arith.mulf %get3A_1490, %gather3A_1464 : vector<16xf32>
        %swap3A_1492 = arith.index_cast %add3A_1466 : i32 to index
        %swap3A_1493 = arith.constant 32 : index
        %swap3A_1494 = tpu.vector_load %arg10[%swap3A_1492, %swap3A_1493] {strides = array<i32>} : memref<128x128xf32, #tpu.memory_space<vmem>>, vector<1x16xf32>,
        %swap3A_1495 = vector.shape_cast %swap3A_1494 : vector<1x16xf32> to vector<16xf32>
        %swap3A_1496 = vector.shape_cast %mul3A_1491 : vector<16xf32> to vector<1x16xf32>
        tpu.vector_store %arg10[%swap3A_1492, %swap3A_1493], %swap3A_1496 {strides = array<i32>} : memref<128x128xf32, #tpu.memory_space<vmem>>, vector<1x16xf32>,
        %get3A_1497 = arith.index_cast %add3A_1466 : i32 to index
        %get3A_1498 = arith.constant 48 : index
        %get3A_1499 = tpu.vector_load %arg10[%get3A_1497, %get3A_1498] {strides = array<i32>} : memref<128x128xf32, #tpu.memory_space<vmem>>, vector<1x16xf32>,
        %get3A_1500 = vector.shape_cast %get3A_1499 : vector<1x16xf32> to vector<16xf32>
        %mul3A_1501 = arith.mulf %get3A_1500, %gather3A_1464 : vector<16xf32>
        %swap3A_1502 = arith.index_cast %add3A_1466 : i32 to index
        %swap3A_1503 = arith.constant 48 : index
        %swap3A_1504 = tpu.vector_load %arg10[%swap3A_1502, %swap3A_1503] {strides = array<i32>} : memref<128x128xf32, #tpu.memory_space<vmem>>, vector<1x16xf32>,
        %swap3A_1505 = vector.shape_cast %swap3A_1504 : vector<1x16xf32> to vector<16xf32>
        %swap3A_1506 = vector.shape_cast %mul3A_1501 : vector<16xf32> to vector<1x16xf32>
        tpu.vector_store %arg10[%swap3A_1502, %swap3A_1503], %swap3A_1506 {strides = array<i32>} : memref<128x128xf32, #tpu.memory_space<vmem>>, vector<1x16xf32>,
        %get3A_1507 = arith.index_cast %add3A_1466 : i32 to index
        %get3A_1508 = arith.constant 64 : index
        %get3A_1509 = tpu.vector_load %arg10[%get3A_1507, %get3A_1508] {strides = array<i32>} : memref<128x128xf32, #tpu.memory_space<vmem>>, vector<1x16xf32>,
        %get3A_1510 = vector.shape_cast %get3A_1509 : vector<1x16xf32> to vector<16xf32>
        %mul3A_1511 = arith.mulf %get3A_1510, %gather3A_1464 : vector<16xf32>
        %swap3A_1512 = arith.index_cast %add3A_1466 : i32 to index
        %swap3A_1513 = arith.constant 64 : index
        %swap3A_1514 = tpu.vector_load %arg10[%swap3A_1512, %swap3A_1513] {strides = array<i32>} : memref<128x128xf32, #tpu.memory_space<vmem>>, vector<1x16xf32>,
        %swap3A_1515 = vector.shape_cast %swap3A_1514 : vector<1x16xf32> to vector<16xf32>
        %swap3A_1516 = vector.shape_cast %mul3A_1511 : vector<16xf32> to vector<1x16xf32>
        tpu.vector_store %arg10[%swap3A_1512, %swap3A_1513], %swap3A_1516 {strides = array<i32>} : memref<128x128xf32, #tpu.memory_space<vmem>>, vector<1x16xf32>,
        %get3A_1517 = arith.index_cast %add3A_1466 : i32 to index
        %get3A_1518 = arith.constant 80 : index
        %get3A_1519 = tpu.vector_load %arg10[%get3A_1517, %get3A_1518] {strides = array<i32>} : memref<128x128xf32, #tpu.memory_space<vmem>>, vector<1x16xf32>,
        %get3A_1520 = vector.shape_cast %get3A_1519 : vector<1x16xf32> to vector<16xf32>
        %mul3A_1521 = arith.mulf %get3A_1520, %gather3A_1464 : vector<16xf32>
        %swap3A_1522 = arith.index_cast %add3A_1466 : i32 to index
        %swap3A_1523 = arith.constant 80 : index
        %swap3A_1524 = tpu.vector_load %arg10[%swap3A_1522, %swap3A_1523] {strides = array<i32>} : memref<128x128xf32, #tpu.memory_space<vmem>>, vector<1x16xf32>,
        %swap3A_1525 = vector.shape_cast %swap3A_1524 : vector<1x16xf32> to vector<16xf32>
        %swap3A_1526 = vector.shape_cast %mul3A_1521 : vector<16xf32> to vector<1x16xf32>
        tpu.vector_store %arg10[%swap3A_1522, %swap3A_1523], %swap3A_1526 {strides = array<i32>} : memref<128x128xf32, #tpu.memory_space<vmem>>, vector<1x16xf32>,
        %get3A_1527 = arith.index_cast %add3A_1466 : i32 to index
        %get3A_1528 = arith.constant 96 : index
        %get3A_1529 = tpu.vector_load %arg10[%get3A_1527, %get3A_1528] {strides = array<i32>} : memref<128x128xf32, #tpu.memory_space<vmem>>, vector<1x16xf32>,
        %get3A_1530 = vector.shape_cast %get3A_1529 : vector<1x16xf32> to vector<16xf32>
        %mul3A_1531 = arith.mulf %get3A_1530, %gather3A_1464 : vector<16xf32>
        %swap3A_1532 = arith.index_cast %add3A_1466 : i32 to index
        %swap3A_1533 = arith.constant 96 : index
        %swap3A_1534 = tpu.vector_load %arg10[%swap3A_1532, %swap3A_1533] {strides = array<i32>} : memref<128x128xf32, #tpu.memory_space<vmem>>, vector<1x16xf32>,
        %swap3A_1535 = vector.shape_cast %swap3A_1534 : vector<1x16xf32> to vector<16xf32>
        %swap3A_1536 = vector.shape_cast %mul3A_1531 : vector<16xf32> to vector<1x16xf32>
        tpu.vector_store %arg10[%swap3A_1532, %swap3A_1533], %swap3A_1536 {strides = array<i32>} : memref<128x128xf32, #tpu.memory_space<vmem>>, vector<1x16xf32>,
        %get3A_1537 = arith.index_cast %add3A_1466 : i32 to index
        %get3A_1538 = arith.constant 112 : index
        %get3A_1539 = tpu.vector_load %arg10[%get3A_1537, %get3A_1538] {strides = array<i32>} : memref<128x128xf32, #tpu.memory_space<vmem>>, vector<1x16xf32>,
        %get3A_1540 = vector.shape_cast %get3A_1539 : vector<1x16xf32> to vector<16xf32>
        %mul3A_1541 = arith.mulf %get3A_1540, %gather3A_1464 : vector<16xf32>
        %swap3A_1542 = arith.index_cast %add3A_1466 : i32 to index
        %swap3A_1543 = arith.constant 112 : index
        %swap3A_1544 = tpu.vector_load %arg10[%swap3A_1542, %swap3A_1543] {strides = array<i32>} : memref<128x128xf32, #tpu.memory_space<vmem>>, vector<1x16xf32>,
        %swap3A_1545 = vector.shape_cast %swap3A_1544 : vector<1x16xf32> to vector<16xf32>
        %swap3A_1546 = vector.shape_cast %mul3A_1541 : vector<16xf32> to vector<1x16xf32>
        tpu.vector_store %arg10[%swap3A_1542, %swap3A_1543], %swap3A_1546 {strides = array<i32>} : memref<128x128xf32, #tpu.memory_space<vmem>>, vector<1x16xf32>,
      }
      %scan3A_41 = arith.constant 8 : i32
      "tpu.region"() ({
        %run_scoped3A = tpu.sem_alloc : memref<!tpu.dma_semaphore, #tpu.memory_space<semaphore_mem>>
        %dma_start3A_42 = arith.constant 0 : i32
        %dma_start3A_43 = tpu.memref_slice %arg8[%scan3A_25, %dma_start3A_42] : memref<80x128xi32, #tpu.memory_space<vmem>> -> memref<1x128xi32, #tpu.memory_space<vmem>>
        %dma_start3A_44 = tpu.memref_squeeze %dma_start3A_43 : memref<1x128xi32, #tpu.memory_space<vmem>> -> memref<128xi32, #tpu.memory_space<vmem>>
        %dma_start3A_45 = arith.constant 0 : i32
        %dma_start3A_46 = arith.constant 0 : i32
        %dma_start3A_47 = tpu.memref_slice %arg11[%dma_start3A_45, %dma_start3A_46] : memref<10240x128xf32, #tpu.memory_space<vmem_shared>> -> memref<10240x128xf32, #tpu.memory_space<vmem_shared>>
        tpu.enqueue_indirect_dma source(%arg10 : memref<128x128xf32, #tpu.memory_space<vmem>>) target(%dma_start3A_47 : memref<10240x128xf32, #tpu.memory_space<vmem_shared>>) offsets(%dma_start3A_44 : memref<128xi32, #tpu.memory_space<vmem>>) semaphore(%run_scoped3A : memref<!tpu.dma_semaphore, #tpu.memory_space<semaphore_mem>>) {add = true}
        %dma_wait3A_48 = arith.constant 0 : i32
        %dma_wait3A_49 = tpu.memref_slice %arg8[%scan3A_25, %dma_wait3A_48] : memref<80x128xi32, #tpu.memory_space<vmem>> -> memref<1x128xi32, #tpu.memory_space<vmem>>
        %dma_wait3A_50 = tpu.memref_squeeze %dma_wait3A_49 : memref<1x128xi32, #tpu.memory_space<vmem>> -> memref<128xi32, #tpu.memory_space<vmem>>
        %dma_wait3A_51 = arith.constant 0 : i32
        %dma_wait3A_52 = arith.constant 0 : i32
        %dma_wait3A_53 = tpu.memref_slice %arg11[%dma_wait3A_51, %dma_wait3A_52] : memref<10240x128xf32, #tpu.memory_space<vmem_shared>> -> memref<10240x128xf32, #tpu.memory_space<vmem_shared>>
        tpu.wait_indirect_dma semaphore(%run_scoped3A : memref<!tpu.dma_semaphore, #tpu.memory_space<semaphore_mem>>) src(%arg10 : memref<128x128xf32, #tpu.memory_space<vmem>>) dst(%dma_wait3A_53 : memref<10240x128xf32, #tpu.memory_space<vmem_shared>>)
        tpu.yield
      }) : () -> ()
    }
    %scan3A_23 = arith.constant 80 : i32
    %barrier3A_24 = arith.constant 0 : index
    tpu.barrier barrier_id(%barrier3A_24)
    "tpu.region"() ({
      %run_scoped3A = tpu.sem_alloc : memref<!tpu.dma_semaphore, #tpu.memory_space<semaphore_mem>>
      %dma_start3A = arith.constant 0 : i32
      %dma_start3A_25 = tpu.memref_slice %arg6[%arg0, %mul3A_7, %dma_start3A] : memref<2x10240x128xf32, #tpu.memory_space<hbm>> -> memref<1x640x128xf32, #tpu.memory_space<hbm>>
      %dma_start3A_26 = tpu.memref_squeeze %dma_start3A_25 : memref<1x640x128xf32, #tpu.memory_space<hbm>> -> memref<640x128xf32, #tpu.memory_space<hbm>>
      %dma_start3A_27 = arith.constant 0 : i32
      %dma_start3A_28 = tpu.memref_slice %arg11[%mul3A_7, %dma_start3A_27] : memref<10240x128xf32, #tpu.memory_space<vmem_shared>> -> memref<640x128xf32, #tpu.memory_space<vmem_shared>>
      tpu.enqueue_dma source(%dma_start3A_28 : memref<640x128xf32, #tpu.memory_space<vmem_shared>>) target(%dma_start3A_26 : memref<640x128xf32, #tpu.memory_space<hbm>>) target_semaphore(%run_scoped3A : memref<!tpu.dma_semaphore, #tpu.memory_space<semaphore_mem>>)
      %dma_wait3A = arith.constant 0 : i32
      %dma_wait3A_29 = tpu.memref_slice %arg6[%arg0, %mul3A_7, %dma_wait3A] : memref<2x10240x128xf32, #tpu.memory_space<hbm>> -> memref<1x640x128xf32, #tpu.memory_space<hbm>>
      %dma_wait3A_30 = tpu.memref_squeeze %dma_wait3A_29 : memref<1x640x128xf32, #tpu.memory_space<hbm>> -> memref<640x128xf32, #tpu.memory_space<hbm>>
      %dma_wait3A_31 = arith.constant 0 : i32
      %dma_wait3A_32 = tpu.memref_slice %arg11[%mul3A_7, %dma_wait3A_31] : memref<10240x128xf32, #tpu.memory_space<vmem_shared>> -> memref<640x128xf32, #tpu.memory_space<vmem_shared>>
      tpu.wait_dma2 semaphore(%run_scoped3A : memref<!tpu.dma_semaphore, #tpu.memory_space<semaphore_mem>>) src(%dma_wait3A_32 : memref<640x128xf32, #tpu.memory_space<vmem_shared>>) dst(%dma_wait3A_30 : memref<640x128xf32, #tpu.memory_space<hbm>>)
      tpu.yield
    }) : () -> ()
    return
  }
}

module attributes {stable_mosaic.version = 14 : i64} {
  func.func @_linear_body(%arg0: i32, %arg1: memref<1000x128xf32, #tpu.memory_space<vmem>>, %arg2: memref<128x128xf32, #tpu.memory_space<vmem>>, %arg3: memref<1x128xf32, #tpu.memory_space<vmem>>, %arg4: memref<1000x128xf32, #tpu.memory_space<vmem>>) attributes {dimension_semantics = [#tpu.dimension_semantics<arbitrary>], iteration_bounds = array<i64: 10>, scalar_prefetch = 0 : i64, scratch_operands = 0 : i64, tpu.core_type = #tpu.core_type<tc>, window_params = [{transform_indices = @transform_0, window_bounds = array<i64: 1000, 128>}, {pipeline_mode = #tpu.pipeline_mode<synchronous>, transform_indices = @transform_1, window_bounds = array<i64: 128, 128>}, {pipeline_mode = #tpu.pipeline_mode<synchronous>, transform_indices = @transform_2, window_bounds = array<i64: 1, 128>}, {transform_indices = @transform_3, window_bounds = array<i64: 1000, 128>}]} {
    %get3A = arith.constant 0 : index
    %get3A_0 = arith.constant 0 : index
    %get3A_1 = vector.load %arg1[%get3A, %get3A_0] : memref<1000x128xf32, #tpu.memory_space<vmem>>, vector<1000x128xf32>
    %get3A_2 = arith.constant 0 : index
    %get3A_3 = arith.constant 0 : index
    %get3A_4 = vector.load %arg2[%get3A_2, %get3A_3] : memref<128x128xf32, #tpu.memory_space<vmem>>, vector<128x128xf32>
    %dot_general3A = arith.constant dense<0.000000e+00> : vector<1000x128xf32>
    %dot_general3A_5 = tpu.matmul %get3A_1, %get3A_4, %dot_general3A {dimension_numbers = #tpu.dot_dimension_numbers<[1], [0], [0], [1], [0, 0, 1, 1], [], []>, transpose_lhs_hint = false} : vector<1000x128xf32>, vector<128x128xf32>, vector<1000x128xf32> -> vector<1000x128xf32>
    %get3A_6 = arith.constant 0 : index
    %get3A_7 = arith.constant 0 : index
    %get3A_8 = vector.load %arg3[%get3A_6, %get3A_7] : memref<1x128xf32, #tpu.memory_space<vmem>>, vector<1x128xf32>
    %add3A = vector.broadcast %get3A_8 : vector<1x128xf32> to vector<1000x128xf32>
    %add3A_9 = arith.addf %dot_general3A_5, %add3A : vector<1000x128xf32>
    %swap3A = arith.constant 0 : index
    %swap3A_10 = arith.constant 0 : index
    %swap3A_11 = vector.load %arg4[%swap3A, %swap3A_10] : memref<1000x128xf32, #tpu.memory_space<vmem>>, vector<1000x128xf32>
    tpu.vector_store %arg4[%swap3A, %swap3A_10], %add3A_9 {strides = array<i32>} : memref<1000x128xf32, #tpu.memory_space<vmem>>, vector<1000x128xf32>,
    return
  }
  func.func @transform_0(%arg0: i32) -> (i32, i32) {
    %c0_i32 = arith.constant 0 : i32
    %c0_i32_0 = arith.constant 0 : i32
    return %arg0, %c0_i32 : i32, i32
  }
  func.func @transform_1(%arg0: i32) -> (i32, i32) {
    %c0_i32 = arith.constant 0 : i32
    %c0_i32_0 = arith.constant 0 : i32
    %c0_i32_1 = arith.constant 0 : i32
    return %c0_i32, %c0_i32_0 : i32, i32
  }
  func.func @transform_2(%arg0: i32) -> (i32, i32) {
    %c0_i32 = arith.constant 0 : i32
    %c0_i32_0 = arith.constant 0 : i32
    %c0_i32_1 = arith.constant 0 : i32
    return %c0_i32, %c0_i32_0 : i32, i32
  }
  func.func @transform_3(%arg0: i32) -> (i32, i32) {
    %c0_i32 = arith.constant 0 : i32
    %c0_i32_0 = arith.constant 0 : i32
    return %arg0, %c0_i32 : i32, i32
  }
}

module attributes {stable_mosaic.version = 14 : i64} {
  func.func @_combine_body(%arg0: i32, %arg1: memref<2x1000x128xf32, #tpu.memory_space<vmem>>, %arg2: memref<1000x128xf32, #tpu.memory_space<vmem>>) attributes {dimension_semantics = [#tpu.dimension_semantics<arbitrary>], iteration_bounds = array<i64: 10>, scalar_prefetch = 0 : i64, scratch_operands = 0 : i64, tpu.core_type = #tpu.core_type<tc>, window_params = [{transform_indices = @transform_0, window_bounds = array<i64: 2, 1000, 128>}, {transform_indices = @transform_1, window_bounds = array<i64: 1000, 128>}]} {
    %get3A = arith.constant 0 : index
    %get3A_0 = arith.constant 0 : index
    %get3A_1 = arith.constant 0 : index
    %get3A_2 = vector.load %arg1[%get3A, %get3A_0, %get3A_1] : memref<2x1000x128xf32, #tpu.memory_space<vmem>>, vector<1x1000x128xf32>
    %get3A_3 = vector.shape_cast %get3A_2 : vector<1x1000x128xf32> to vector<1000x128xf32>
    %get3A_4 = arith.constant 1 : index
    %get3A_5 = arith.constant 0 : index
    %get3A_6 = arith.constant 0 : index
    %get3A_7 = vector.load %arg1[%get3A_4, %get3A_5, %get3A_6] : memref<2x1000x128xf32, #tpu.memory_space<vmem>>, vector<1x1000x128xf32>
    %get3A_8 = vector.shape_cast %get3A_7 : vector<1x1000x128xf32> to vector<1000x128xf32>
    %add3A = arith.addf %get3A_3, %get3A_8 : vector<1000x128xf32>
    %swap3A = arith.constant 0 : index
    %swap3A_9 = arith.constant 0 : index
    %swap3A_10 = vector.load %arg2[%swap3A, %swap3A_9] : memref<1000x128xf32, #tpu.memory_space<vmem>>, vector<1000x128xf32>
    tpu.vector_store %arg2[%swap3A, %swap3A_9], %add3A {strides = array<i32>} : memref<1000x128xf32, #tpu.memory_space<vmem>>, vector<1000x128xf32>,
    return
  }
  func.func @transform_0(%arg0: i32) -> (i32, i32, i32) {
    %c0_i32 = arith.constant 0 : i32
    %c0_i32_0 = arith.constant 0 : i32
    %c0_i32_1 = arith.constant 0 : i32
    return %c0_i32, %arg0, %c0_i32_0 : i32, i32, i32
  }
  func.func @transform_1(%arg0: i32) -> (i32, i32) {
    %c0_i32 = arith.constant 0 : i32
    %c0_i32_0 = arith.constant 0 : i32
    return %arg0, %c0_i32 : i32, i32
  }
}

</mosaic_0001>

<sc_bundles>
// kernel: kernel.5.cloned.1.call-start
scs
__scs_entry_jumppad:
0x0: {  	(pc) =	sbr.rel $0x88, $3  }
0x1: {  	(tag) =	ssettag $0x0;
	lr =	simm.s32 $0x1  }
0x2: {  	[smem:$0x3F9C] =	sst lr;
	_ =	strace $0xD0000000  }
0x3: {  	_ = 	snop  }
0x4: {  	_ = 	snop  }
0x5: {  	_ = 	snop  }
0x6: {  	_ = 	snop  }
0x7: {  	_ = 	snop  }
__scs_overlays_trampoline_lowered:
0x8: {  	[smem:$0x3FAB] =	sst s0  }
0x9: {  	[smem:$0x3FAC] =	sst s1  }
0xa: {  	[smem:$0x3FAD] =	sst s2  }
0xb: {  	[smem:$0x3FAE] =	sst s3  }
0xc: {  	[smem:$0x3FAF] =	sst s4  }
0xd: {  	[smem:$0x3FB0] =	sst s5  }
0xe: {  	[smem:$0x3FB1] =	sst s6  }
0xf: {  	[smem:$0x3FB2] =	sst s7  }
0x10: {  	[smem:$0x3FB3] =	sst s8  }
0x11: {  	[smem:$0x3FB4] =	sst s9;
	s0 =	simm.s32 @!p0 $0x0  }
0x12: {  	s1 =	sld [smem:$0x3F9A];
	s0 =	simm.s32 @p0 $0x1  }
0x13: {  	[smem:$0x3FB5] =	sst s0;
	s0 =	simm.s32 @!p1 $0x0  }
0x14: {  	s2 =	sld [smem:$0x3F99];
	s0 =	simm.s32 @p1 $0x1  }
0x15: {  	[smem:$0x3FB6] =	sst s0;
	s0 =	simm.s32 @!p2 $0x0  }
0x16: {  	s3 =	sld [smem:$0x3FDB];
	s0 =	simm.s32 @p2 $0x1  }
0x17: {  	s4 =	simm.s32 $0x1BF5;
	[smem:$0x3FB8] =	sst s0  }
0x18: {  	s0 =	sld [smem:$0x3F9B];
	_ =	swait.ge [sflag:s4], $0x0  }
0x19: {  	s7 =	sld [smem:$0x3F9C]  }
0x1a: {  	s8 =	sadd.s32 $0xFFFFE003, lr  }
0x1b: {  	s9 =	sadd.s32 $0xFFFFFEF7, lr;
	s5 =	simm.s32 $0xFFFFFFFF;
	p2 =	slt.u32 s8, $0xFFFFF086  }
0x1c: {  	p1 =	slt.u32 s9, $0xF7A;
	s5 =	simm.s32 @!p2 $0x0  }
0x1d: {  	s5 =	simm.s32 @p1 $0x1;
	p0 =	seq.s32 s7, s2  }
0x1e: {  	s7 =	smul.u32 @!p0 $0xF7A, s2;
	p2 =	seq.s32 @!p0 s5, $0x0  }
0x1f: {  	s9 =	smul.u32 $0xF7A, s1;
	s8 =	simm.s32 @!p0 $0x1BF5;
	p2 =	por !p2, p0  }
0x20: {  	[sflag:s8] =	ssyncset.s32 @!p0 $0xFFFFF086;
	s6 =	sadd.s32 @!p0 s3, s7;
	s7 =	simm.s32 @!p0 $0x108  }
0x21: {  	s3 =	sadd.s32 s3, s9;
	s6 =	sadd.s32 @!p0 $0x88, s6;
	s7 =	simm.s32 @p2 $0x1082  }
0x22: {  	[simem:s7], [sflag:s8] =	dma.local @!p0 [hbm:s6], $0xF7A  }
0x23: {  	s9 =	sor.u32 $0xD0000000, s2;
	s6 =	simm.s32 $0x108;
	_ =	swait.ge @!p0 [sflag:s8], $0x0  }
0x24: {  	s3 =	sadd.s32 $0x88, s3;
	s6 =	simm.s32 @!p1 $0x1082;
	[sflag:s4] =	ssyncset.s32 $0xFFFFF086  }
0x25: {  	[simem:s6], [sflag:s4] =	dma.local [hbm:s3], $0xF7A  }
0x26: {  	[smem:$0x3F9C] =	sst s1;
	(tag) =	ssettag s2;
	_ =	strace s9  }
0x27: {  	s1 =	sld [smem:$0x3FAC]  }
0x28: {  	s2 =	sld [smem:$0x3FAD]  }
0x29: {  	s4 =	sld [smem:$0x3FAF]  }
0x2a: {  	p0 =	seq.s32 s5, $0x0;
	s5 =	sld [smem:$0x3FB0]  }
0x2b: {  	s6 =	sld [smem:$0x3FB1]  }
0x2c: {  	s7 =	sld [smem:$0x3FB2]  }
0x2d: {  	s3 =	simm.s32 $0x108;
	s8 =	sld [smem:$0x3FB3]  }
0x2e: {  	s3 =	simm.s32 @!p0 $0x1082;
	s9 =	sld [smem:$0x3FB4]  }
0x2f: {  	lr =	sadd.s32 s0, s3;
	s0 =	sld [smem:$0x3FAB]  }
0x30: {  	s3 =	sld [smem:$0x3FAE]  }
0x31: {  	[smem:$0x3FB7] =	sst s10  }
0x32: {  	s10 =	sld [smem:$0x3FB5];
	_ =	sdelay $0x3  }
0x33: {  	p0 =	seq.s32 s10, $0x1;
	s10 =	sld [smem:$0x3FB7];
	_ =	sdelay $0x3  }
0x34: {  	[smem:$0x3FB7] =	sst s10  }
0x35: {  	s10 =	sld [smem:$0x3FB6];
	_ =	sdelay $0x3  }
0x36: {  	p1 =	seq.s32 s10, $0x1;
	s10 =	sld [smem:$0x3FB7];
	_ =	sdelay $0x3  }
0x37: {  	[smem:$0x3FB7] =	sst s10  }
0x38: {  	s10 =	sld [smem:$0x3FB8]  }
0x39: {  	_ = 	snop;
	(pc) =	sbr.ind lr, $3  }
0x3a: {  	_ = 	snop  }
0x3b: {  	_ = 	snop  }
0x3c: {  	p2 =	seq.s32 s10, $0x1;
	s10 =	sld [smem:$0x3FB7]  }
0x3d: {  	_ =	shalt  }
0x3e: {  	_ =	shalt  }
0x3f: {  	_ =	shalt  }
0x40: {  	_ =	shalt  }
0x41: {  	_ =	shalt  }
0x42: {  	_ =	shalt  }
0x43: {  	_ =	shalt  }
0x44: {  	_ =	shalt  }
0x45: {  	_ =	shalt  }
0x46: {  	_ =	shalt  }
0x47: {  	_ =	shalt  }
0x48: {  	_ =	shalt  }
0x49: {  	_ =	shalt  }
0x4a: {  	_ =	shalt  }
0x4b: {  	_ =	shalt  }
0x4c: {  	_ =	shalt  }
0x4d: {  	_ =	shalt  }
0x4e: {  	_ =	shalt  }
0x4f: {  	_ =	shalt  }
0x50: {  	_ =	shalt  }
0x51: {  	_ =	shalt  }
0x52: {  	_ =	shalt  }
0x53: {  	_ =	shalt  }
0x54: {  	_ =	shalt  }
0x55: {  	_ =	shalt  }
0x56: {  	_ =	shalt  }
0x57: {  	_ =	shalt  }
0x58: {  	_ =	shalt  }
0x59: {  	_ =	shalt  }
0x5a: {  	_ =	shalt  }
0x5b: {  	_ =	shalt  }
0x5c: {  	_ =	shalt  }
0x5d: {  	_ =	shalt  }
0x5e: {  	_ =	shalt  }
0x5f: {  	_ =	shalt  }
0x60: {  	_ =	shalt  }
0x61: {  	_ =	shalt  }
0x62: {  	_ =	shalt  }
0x63: {  	_ =	shalt  }
0x64: {  	_ =	shalt  }
0x65: {  	_ =	shalt  }
0x66: {  	_ =	shalt  }
0x67: {  	_ =	shalt  }
0x68: {  	_ =	shalt  }
0x69: {  	_ =	shalt  }
0x6a: {  	_ =	shalt  }
0x6b: {  	_ =	shalt  }
0x6c: {  	_ =	shalt  }
0x6d: {  	_ =	shalt  }
0x6e: {  	_ =	shalt  }
0x6f: {  	_ =	shalt  }
0x70: {  	_ =	shalt  }
0x71: {  	_ =	shalt  }
0x72: {  	_ =	shalt  }
0x73: {  	_ =	shalt  }
0x74: {  	_ =	shalt  }
0x75: {  	_ =	shalt  }
0x76: {  	_ =	shalt  }
0x77: {  	_ =	shalt  }
0x78: {  	_ =	shalt  }
0x79: {  	_ =	shalt  }
0x7a: {  	_ =	shalt  }
0x7b: {  	_ =	shalt  }
0x7c: {  	_ =	shalt  }
0x7d: {  	_ =	shalt  }
0x7e: {  	_ =	shalt  }
0x7f: {  	_ =	shalt  }
0x80: {  	_ =	shalt  }
0x81: {  	_ =	shalt  }
0x82: {  	_ =	shalt  }
0x83: {  	_ =	shalt  }
0x84: {  	_ =	shalt  }
0x85: {  	_ =	shalt  }
0x86: {  	_ =	shalt  }
0x87: {  	_ =	shalt  }
.Lfunc_end0:
.L_simem_size_0:
called_computation_lowered:
.L_overlay_start_0:
0x88: {  	s2 =	sld [smem:$0x3FD9]  }
0x89: {  	s3 =	sld [smem:$0x3FFE];
	_ =	sdelay $0x1  }
0x8a: {  	s1 =	srdreg.scid  }
0x8b: {  	s0 =	sand.u32 $0x1, s1  }
0x8c: {  	s17 =	sshll.u32 s0, $0xA;
	s2 =	sadd.s32 s3, s2  }
0x8d: {  	s2 =	sadd.s32 s2, s17  }
0x8e: {  	[smem:$0x3FC3] =	sst s2  }
0x8f: {  	_ = 	snop  }
0x90: {  	s2 =	sld [smem:$0x3FD0];
	(tm) =	ssettm $0x1  }
0x91: {  	s18 =	sld [smem:$0x3FFB];
	_ =	sdelay $0x3  }
0x92: {  	_ =	strace s18  }
0x93: {  	s3 =	sld [smem:$0x3FFC];
	_ =	sdelay $0x3  }
0x94: {  	_ =	strace s3  }
0x95: {  	s3 =	sld [smem:$0x3FFD];
	_ =	sdelay $0x3  }
0x96: {  	_ =	strace s3  }
0x97: {  	_ =	strace $0x8FFFFFFF  }
0x98: {  	s19 =	sld [smem:$0x3FDB];
	_ =	sdelay $0x1  }
0x99: {  	s4 =	simm.s32 $_scs_section_size  }
0x9a: {  	s5 =	simm.s32 $_size__tile_overlayer_lowered;
	s6 =	simm.s32 $_tile_overlayer_lowered  }
0x9b: {  	s22 =	simm.s32 $0x1BFF;
	s21 =	sshll.u32 s6, $0x1;
	s3 =	sadd.s32 s4, s19  }
0x9c: {  	s7 =	simm.s32 $0x0;
	s20 =	sshll.u32 s5, $0x1;
	s5 =	sadd.s32 s21, s3  }
0x9d: {  	[timem:s7], [sflag:s22] =	dma.local [hbm:s5], s20  }
0x9e: {  	_ =	swait.ge [sflag:s22], s20  }
0x9f: {  	s4 =	ssub.s32 $0x0, s20;
	[sflag:s22] =	ssyncset.done $0x0  }
0xa0: {  	[sflag:s22] =	ssyncadd.s32 s4;
	_ =	sdelay $0x1  }
0xa1: {  	s23 =	simm.s32 $0x1B8B  }
0xa2: {  	_ =	swait.ge [sflag:s23], $0x1  }
0xa3: {  	[sflag:s23] =	ssyncset.done $0x0  }
0xa4: {  	s25 =	simm.s32 $0x1B8E;
	s24 =	sld [smem:$0x3FFE];
	[sflag:s23] =	ssyncadd.s32 $0xFFFFFFFF  }
0xa5: {  	s26 =	simm.s32 $execute0_lowered;
	[smem:$0x3FD2] =	sst s25  }
0xa6: {  	s5 =	sshll.u32 s26, $0x1;
	_ =	strace $0x80000046;
	[dreg:$0x1] =	wrdreg $0xFFFFFFFF  }
0xa7: {  	s28 =	simm.s32 $_size_execute0_lowered;
	s3 =	sadd.s32 s3, s5;
	[dreg:$0x0] =	wrdreg $0x0  }
0xa8: {  	s5 =	sshll.u32 s28, $0x1;
	[dreg:$0x2] =	wrdreg s3  }
0xa9: {  	[dreg:$0x3] =	wrdreg s5  }
0xaa: {  	[dreg:$0x4] =	wrdreg $0xC0  }
0xab: {  	_ =	task [dreg:s7], $0x5FFFF  }
0xac: {  	[dreg:$0x1] =	wrdreg $0xFFFFFFFF  }
0xad: {  	[dreg:$0x0] =	wrdreg $0x60  }
0xae: {  	[dreg:$0x2] =	wrdreg s2  }
0xaf: {  	[dreg:$0x3] =	wrdreg s24  }
0xb0: {  	[dreg:$0x4] =	wrdreg $0xB8000  }
0xb1: {  	[dreg:$0x5] =	wrdreg $0x9  }
0xb2: {  	_ =	task.clear_ibuf [dreg:s7], $0x6FFFF;
	_ =	strace $0x90000046  }
0xb3: {  	s29 =	simm.s32 $0x9;
	_ =	strace $0x80000048  }
0xb4: {  	_ =	swait.ge [sflag:s29], $0x1  }
0xb5: {  	[sflag:s29] =	ssyncadd.s32 $0xFFFFFFFF  }
0xb6: {  	_ =	strace $0x90000048  }
0xb7: {  	_ =	sfence  }
0xb8: {  	s30 =	sld [smem:$0x0];
	_ =	sdelay $0x2  }
0xb9: {  	s31 =	sshll.u32 s1, $0xD;
	s1 =	sshrl.u32 s1, $0x2  }
0xba: {  	s3 =	sand.u32 $0x4000, s31;
	s1 =	sadd.s32 s1, s30  }
0xbb: {  	s0 =	sor.u32 s3, s0;
	s1 =	sshll.u32 s1, $0x11  }
0xbc: {  	s0 =	sor.u32 s1, s0  }
0xbd: {  	s0 =	sadd.s32 $0x8F2B, s0  }
0xbe: {  	[sflag:s0] =	ssyncadd.remote.s32 $0x1  }
0xbf: {  	_ =	sfence.sel $0xFFFF  }
0xc0: {  	[dreg:$0x0] =	wrdreg $0xFFFFFFFF;
	(pc) =	sbr.abs _section_cstart, $3  }
0xc1: {  	[dreg:$0x1] =	wrdreg $0xFFFFFFFF  }
0xc2: {  	_ =	task.clear_ibuf [dreg:s7], $0x2FFFF;
	_ =	strace $0x9FFFFFFF  }
0xc3: {  	(tm) =	ssettm $0x7FFFFFFF  }
tec
execute0_lowered:
.L_overlay_start_1:
0x0: {  	(tag) =	ssettag $0x1  }
0x1: {  	s1 =	rddreg [dreg:$0x0]  }
0x2: {  	s5 =	rddreg [dreg:$0x1]  }
0x3: {  	s3 =	rddreg [dreg:$0x2]  }
0x4: {  	s2 =	srdreg.scid;
	s0 =	rddreg [dreg:$0x3]  }
0x5: {  	s4 =	simm.s32 $0x0;
	s15 =	simm.s32 $0x2;
	s16 =	simm.s32 $0x2800  }
0x6: {  	s17 =	simm.s32 $0x5000;
	s18 =	simm.s32 $0x7800;
	s19 =	simm.s32 $0x80  }
0x7: {  	s20 =	simm.s32 $0x1;
	s6 =	sand.u32 $0x1, s2;
	s2 =	stileid.u32  }
0x8: {  	s23 =	simm.s32 $0x0;
	[smem:$0x7FF] =	sst s4;
	s8 =	smul.u32 $0x140000, s6  }
0x9: {  	s7 =	sshll.u32 s6, $0x4;
	s9 =	smul.u32 $0x14000, s2;
	_ =	strace $0x80000047  }
0xa: {  	s28 =	smul.u32 $0x50000, s2;
	s6 =	ssub.s32 $0x2, s6;
	s21 =	sshll.u32 s2, $0x6  }
0xb: {  	s7 =	sor.u32 s2, s7;
	s30 =	sshrl.u32 s6, $0x1;
	s21 =	sor.u32 $0x1C02, s21  }
0xc: {  	v0 =	vimm.f32 $0.0e+00;
	v1 =	vimm.s32 $0x0;
	s7 =	smul.u32 $0x500, s7;
	s8 =	sadd.s32 s9, s8;
	s31 =	sshrl.u32 s28, $0x2  }
0xd: {  	v2 =	vimm.s32 $0x1;
	v3 =	vimm.s32 $0x2;
	v4 =	vimm.s32 $0x3;
	s14 =	ssub.s32 s6, s30;
	s29 =	sshrl.u32 s8, $0x3;
	s6 =	sadd.s32 s31, s3  }
0xe: {  	v5 =	vimm.s32 $0x4;
	v6 =	vimm.s32 $0x5;
	v7 =	vimm.s32 $0x6;
	s14 =	smax.u32 s14, $0x1;
	s10 =	sadd.s32 s7, s5;
	s13 =	sadd.s32 s29, s5  }
0xf: {  	v8 =	vimm.s32 $0x7;
	v9 =	vimm.s32 $0x8;
	v10 =	vimm.s32 $0x9;
	s9 =	sadd.s32 $0x4000, s6;
	s11 =	sadd.s32 $0xC000, s6;
	s12 =	sadd.s32 $0x10000, s6  }
0x10: {  	v11 =	vimm.s32 $0xA;
	v12 =	vimm.s32 $0xB;
	v13 =	vimm.s32 $0xC;
	s22 =	sshrl.u32 s6, $0x3;
	s5 =	sadd.s32 $0xAC00, s10;
	s7 =	sadd.s32 $0xC00, s10  }
0x11: {  	v14 =	vimm.s32 $0xD;
	v15 =	vimm.s32 $0xE;
	v16 =	vimm.s32 $0xF;
	s8 =	sadd.s32 $0x14C00, s10;
	s10 =	sadd.s32 $0x8000, s6;
	s13 =	sadd.s32 $0x1EC00, s13  }
.LBB2_1:
0x12: {  	[tilespmem:s4], [sflag:$0x2] =	stream.linear.gather [hbm4b:s5+s4], $0x2800, $0x38;
	[tilespmem:$0x1F800] =	vst v63  }
0x13: {  	_ =	swait.ge [sflag:s15], $0x2800  }
0x14: {  	[sflag:s15] =	ssyncset.done $0x0  }
0x15: {  	[sflag:s15] =	ssyncadd.s32 $0xFFFFD800  }
0x16: {  	[tilespmem:s16], [sflag:$0x2] =	stream.linear.gather [hbm4b:s7+s4], $0x2800, $0x38;
	[tilespmem:$0x1F800] =	vst v63  }
0x17: {  	_ =	swait.ge [sflag:s15], $0x2800  }
0x18: {  	[sflag:s15] =	ssyncset.done $0x0  }
0x19: {  	[sflag:s15] =	ssyncadd.s32 $0xFFFFD800  }
0x1a: {  	[tilespmem:s17], [sflag:$0x2] =	stream.linear.gather [hbm4b:s8+s4], $0x2800, $0x38;
	[tilespmem:$0x1F800] =	vst v63  }
0x1b: {  	_ =	swait.ge [sflag:s15], $0x2800  }
0x1c: {  	[sflag:s15] =	ssyncset.done $0x0  }
0x1d: {  	s24 =	simm.s32 $0x0;
	s25 =	simm.s32 $0x200;
	[sflag:s15] =	ssyncadd.s32 $0xFFFFD800  }
.LBB2_2:
0x1e: {  	p0 =	sne.s32 s25, $0xFE00;
	[tilespmem:s24+$0x7870] =	vst v0  }
0x1f: {  	[tilespmem:s24+$0x7800] =	vst v0  }
0x20: {  	[tilespmem:s24+$0x7810] =	vst v0  }
.Ltmp0:
0x21: {  	[tilespmem:s24+$0x7820] =	vst v0;
	(pc) =	sbr.rel @p0 .LBB2_2-.Ltmp0, $4  }
0x22: {  	[tilespmem:s24+$0x7830] =	vst v0  }
0x23: {  	[tilespmem:s24+$0x7840] =	vst v0  }
0x24: {  	[tilespmem:s24+$0x7850] =	vst v0  }
0x25: {  	[tilespmem:s24+$0x7860] =	vst v0;
	s24 =	sshra.s32 s25, $0x2;
	s25 =	sadd.s32 $0x200, s25  }
0x26: {  	[tilespmem:s24+$0x7870] =	vst v0  }
0x27: {  	[tilespmem:s24+$0x7800] =	vst v0  }
0x28: {  	[tilespmem:s24+$0x7810] =	vst v0  }
0x29: {  	[tilespmem:s24+$0x7820] =	vst v0  }
0x2a: {  	[tilespmem:s24+$0x7830] =	vst v0  }
0x2b: {  	[tilespmem:s24+$0x7840] =	vst v0  }
0x2c: {  	[tilespmem:s24+$0x7850] =	vst v0  }
0x2d: {  	[tilespmem:s24+$0x7860] =	vst v0  }
0x2e: {  	[spmem:s6] =	stream.linear.scatter [tilespmem:s18], [sflag:$0x2], $0x4000, $0x38;
	[tilespmem:$0x1F800] =	vst v63  }
0x2f: {  	_ =	swait.ge [sflag:s15], $0x4000  }
0x30: {  	[sflag:s15] =	ssyncset.done $0x0  }
0x31: {  	[sflag:s15] =	ssyncadd.s32 $0xFFFFC000  }
0x32: {  	[spmem:s9] =	stream.linear.scatter [tilespmem:s18], [sflag:$0x2], $0x4000, $0x38;
	[tilespmem:$0x1F800] =	vst v63  }
0x33: {  	_ =	swait.ge [sflag:s15], $0x4000  }
0x34: {  	[sflag:s15] =	ssyncset.done $0x0  }
0x35: {  	[sflag:s15] =	ssyncadd.s32 $0xFFFFC000  }
0x36: {  	[spmem:s10] =	stream.linear.scatter [tilespmem:s18], [sflag:$0x2], $0x4000, $0x38;
	[tilespmem:$0x1F800] =	vst v63  }
0x37: {  	_ =	swait.ge [sflag:s15], $0x4000  }
0x38: {  	[sflag:s15] =	ssyncset.done $0x0  }
0x39: {  	[sflag:s15] =	ssyncadd.s32 $0xFFFFC000  }
0x3a: {  	[spmem:s11] =	stream.linear.scatter [tilespmem:s18], [sflag:$0x2], $0x4000, $0x38;
	[tilespmem:$0x1F800] =	vst v63  }
0x3b: {  	_ =	swait.ge [sflag:s15], $0x4000  }
0x3c: {  	[sflag:s15] =	ssyncset.done $0x0  }
0x3d: {  	[sflag:s15] =	ssyncadd.s32 $0xFFFFC000  }
0x3e: {  	[spmem:s12] =	stream.linear.scatter [tilespmem:s18], [sflag:$0x2], $0x4000, $0x38;
	[tilespmem:$0x1F800] =	vst v63  }
0x3f: {  	_ =	swait.ge [sflag:s15], $0x4000  }
0x40: {  	[sflag:s15] =	ssyncset.done $0x0  }
0x41: {  	[sflag:s15] =	ssyncadd.s32 $0xFFFFC000  }
0x42: {  	s24 =	simm.s32 $0x0;
	[bflag:$0x0] =	sbarrier.arrive $0xFFFF  }
.LBB2_4:
0x43: {  	s25 =	sshll.u32 s24, $0x7  }
0x44: {  	[tilespmem:s18], [sflag:$0x1] =	stream.indirect.gather [hbm4b:s1+s19], $0x80, s25, s19, $0xb8;
	[tilespmem:$0x1F800] =	vst v63  }
0x45: {  	s26 =	sadd.s32 $0x5000, s25  }
0x46: {  	_ =	swait.ge [sflag:s20], $0x4000;
	v17 =	vmov s26  }
0x47: {  	[sflag:s20] =	ssyncset.done $0x0  }
0x48: {  	s26 =	simm.s32 $0x0;
	[sflag:s20] =	ssyncadd.s32 $0xFFFFC000  }
.LBB2_5:
0x49: {  	s28 =	sshll.u32 s26, $0x4  }
0x4a: {  	s28 =	sand.u32 $0x3FFFFFF0, s28  }
0x4b: {  	s31 =	sshll.u32 s26, $0xB;
	v18 =	vld.idx.msk [tilespmem:v17+s28+$0x0 ss:$0x1], $0xffff  }
0x4c: {  	s28 =	sand.u32 $0x3FFFF800, s31  }
0x4d: {  	v19 =	vld [tilespmem:s28+$0x7800]  }
0x4e: {  	v20 =	vld [tilespmem:s28+$0x7810]  }
0x4f: {  	v21 =	vld [tilespmem:s28+$0x7820]  }
0x50: {  	v23 =	vld [tilespmem:s28+$0x7830];
	v22 =	vperm.xlane v18, v1  }
0x51: {  	v24 =	vld [tilespmem:s28+$0x7840]  }
0x52: {  	v25 =	vld [tilespmem:s28+$0x7850];
	v19 =	vmul.f32 v19, v22  }
0x53: {  	v26 =	vld [tilespmem:s28+$0x7860];
	v20 =	vmul.f32 v20, v22  }
0x54: {  	v43 =	vld [tilespmem:s28+$0x7870];
	[tilespmem:s28+$0x7800] =	vst v19;
	v19 =	vmul.f32 v21, v22  }
0x55: {  	v45 =	vld [tilespmem:s28+$0x7880];
	v44 =	vmul.f32 v23, v22;
	[tilespmem:s28+$0x7810] =	vst v20  }
0x56: {  	v46 =	vld [tilespmem:s28+$0x7890];
	[tilespmem:s28+$0x7820] =	vst v19;
	v19 =	vmul.f32 v24, v22  }
0x57: {  	v48 =	vld [tilespmem:s28+$0x78A0];
	v47 =	vmul.f32 v25, v22;
	[tilespmem:s28+$0x7830] =	vst v44  }
0x58: {  	v27 =	vld [tilespmem:s28+$0x78B0];
	v49 =	vperm.xlane v18, v2;
	[tilespmem:s28+$0x7840] =	vst v19;
	v19 =	vmul.f32 v26, v22  }
0x59: {  	v51 =	vld [tilespmem:s28+$0x78C0];
	v50 =	vmul.f32 v43, v22;
	[tilespmem:s28+$0x7850] =	vst v47  }
0x5a: {  	v52 =	vld [tilespmem:s28+$0x78D0];
	[tilespmem:s28+$0x7860] =	vst v19;
	v19 =	vmul.f32 v45, v49  }
0x5b: {  	v54 =	vld [tilespmem:s28+$0x78E0];
	v53 =	vmul.f32 v46, v49;
	[tilespmem:s28+$0x7870] =	vst v50  }
0x5c: {  	v55 =	vld [tilespmem:s28+$0x78F0];
	[tilespmem:s28+$0x7880] =	vst v19;
	v19 =	vmul.f32 v48, v49  }
0x5d: {  	v57 =	vld [tilespmem:s28+$0x7900];
	v56 =	vmul.f32 v27, v49;
	[tilespmem:s28+$0x7890] =	vst v53  }
0x5e: {  	v58 =	vld [tilespmem:s28+$0x7910];
	[tilespmem:s28+$0x78A0] =	vst v19;
	v19 =	vmul.f32 v51, v49  }
0x5f: {  	v60 =	vld [tilespmem:s28+$0x7920];
	v59 =	vmul.f32 v52, v49;
	[tilespmem:s28+$0x78B0] =	vst v56  }
0x60: {  	v62 =	vld [tilespmem:s28+$0x7930];
	v61 =	vperm.xlane v18, v3;
	[tilespmem:s28+$0x78C0] =	vst v19;
	v19 =	vmul.f32 v54, v49  }
0x61: {  	v28 =	vld [tilespmem:s28+$0x7940];
	v63 =	vmul.f32 v55, v49;
	[tilespmem:s28+$0x78D0] =	vst v59  }
0x62: {  	v29 =	vld [tilespmem:s28+$0x7950];
	[tilespmem:s28+$0x78E0] =	vst v19;
	v19 =	vmul.f32 v57, v61  }
0x63: {  	v31 =	vld [tilespmem:s28+$0x7960];
	v30 =	vmul.f32 v58, v61;
	[tilespmem:s28+$0x78F0] =	vst v63  }
0x64: {  	v32 =	vld [tilespmem:s28+$0x7970];
	[tilespmem:s28+$0x7900] =	vst v19;
	v19 =	vmul.f32 v60, v61  }
0x65: {  	v34 =	vld [tilespmem:s28+$0x7980];
	v33 =	vmul.f32 v62, v61;
	[tilespmem:s28+$0x7910] =	vst v30  }
0x66: {  	v35 =	vld [tilespmem:s28+$0x7990];
	[tilespmem:s28+$0x7920] =	vst v19;
	v19 =	vmul.f32 v28, v61  }
0x67: {  	v37 =	vld [tilespmem:s28+$0x79A0];
	v36 =	vmul.f32 v29, v61;
	[tilespmem:s28+$0x7930] =	vst v33  }
0x68: {  	v39 =	vld [tilespmem:s28+$0x79B0];
	v38 =	vperm.xlane v18, v4;
	[tilespmem:s28+$0x7940] =	vst v19;
	v19 =	vmul.f32 v31, v61  }
0x69: {  	v41 =	vld [tilespmem:s28+$0x79C0];
	v40 =	vmul.f32 v32, v61;
	[tilespmem:s28+$0x7950] =	vst v36  }
0x6a: {  	v45 =	vld [tilespmem:s28+$0x79F0];
	[tilespmem:s28+$0x7960] =	vst v19;
	v19 =	vmul.f32 v34, v38  }
0x6b: {  	v43 =	vmul.f32 v35, v38;
	[tilespmem:s28+$0x7970] =	vst v40;
	v44 =	vld [tilespmem:s28+$0x79E0]  }
0x6c: {  	v42 =	vld [tilespmem:s28+$0x79D0];
	[tilespmem:s28+$0x7980] =	vst v19;
	v19 =	vmul.f32 v37, v38  }
0x6d: {  	v46 =	vmul.f32 v39, v38;
	[tilespmem:s28+$0x7990] =	vst v43;
	v47 =	vld [tilespmem:s28+$0x7A00]  }
0x6e: {  	v52 =	vld [tilespmem:s28+$0x7A30];
	[tilespmem:s28+$0x79A0] =	vst v19;
	v19 =	vmul.f32 v41, v38  }
0x6f: {  	[tilespmem:s28+$0x79B0] =	vst v46;
	v50 =	vld [tilespmem:s28+$0x7A20];
	v53 =	vmul.f32 v45, v38  }
0x70: {  	v55 =	vld [tilespmem:s28+$0x7A50];
	v51 =	vperm.xlane v18, v5;
	[tilespmem:s28+$0x79C0] =	vst v19;
	v19 =	vmul.f32 v44, v38  }
0x71: {  	v49 =	vmul.f32 v42, v38;
	v54 =	vld [tilespmem:s28+$0x7A40];
	[tilespmem:s28+$0x79F0] =	vst v53  }
0x72: {  	v58 =	vld [tilespmem:s28+$0x7A70];
	[tilespmem:s28+$0x79E0] =	vst v19;
	v19 =	vmul.f32 v47, v51  }
0x73: {  	v59 =	vmul.f32 v52, v51;
	[tilespmem:s28+$0x79D0] =	vst v49;
	v57 =	vld [tilespmem:s28+$0x7A60]  }
0x74: {  	v48 =	vld [tilespmem:s28+$0x7A10];
	[tilespmem:s28+$0x7A00] =	vst v19;
	v19 =	vmul.f32 v50, v51  }
0x75: {  	v62 =	vmul.f32 v55, v51;
	[tilespmem:s28+$0x7A30] =	vst v59;
	v60 =	vld [tilespmem:s28+$0x7A80]  }
0x76: {  	v40 =	vld [tilespmem:s28+$0x7B10];
	[tilespmem:s28+$0x7A20] =	vst v19;
	v19 =	vmul.f32 v54, v51  }
0x77: {  	v63 =	vld [tilespmem:s28+$0x7AA0];
	v32 =	vmul.f32 v58, v51;
	[tilespmem:s28+$0x7A50] =	vst v62  }
0x78: {  	v30 =	vperm.xlane v18, v6;
	v61 =	vld [tilespmem:s28+$0x7A90];
	[tilespmem:s28+$0x7A40] =	vst v19;
	v19 =	vmul.f32 v57, v51  }
0x79: {  	v33 =	vld [tilespmem:s28+$0x7AC0];
	v43 =	vperm.xlane v18, v7;
	v56 =	vmul.f32 v48, v51;
	[tilespmem:s28+$0x7A70] =	vst v32  }
0x7a: {  	v53 =	vld [tilespmem:s28+$0x7B90];
	[tilespmem:s28+$0x7A60] =	vst v19;
	v19 =	vmul.f32 v60, v30  }
0x7b: {  	v36 =	vld [tilespmem:s28+$0x7AE0];
	v48 =	vmul.f32 v40, v43;
	[tilespmem:s28+$0x7A10] =	vst v56  }
0x7c: {  	v31 =	vld [tilespmem:s28+$0x7AB0];
	[tilespmem:s28+$0x7A80] =	vst v19;
	v19 =	vmul.f32 v63, v30  }
0x7d: {  	v39 =	vld [tilespmem:s28+$0x7B00];
	[tilespmem:s28+$0x7B10] =	vst v48;
	v56 =	vperm.xlane v18, v8;
	v35 =	vmul.f32 v61, v30  }
0x7e: {  	v34 =	vld [tilespmem:s28+$0x7AD0];
	[tilespmem:s28+$0x7AA0] =	vst v19;
	v19 =	vmul.f32 v33, v30  }
0x7f: {  	v42 =	vld [tilespmem:s28+$0x7B20];
	v61 =	vmul.f32 v53, v56;
	[tilespmem:s28+$0x7A90] =	vst v35  }
0x80: {  	v37 =	vld [tilespmem:s28+$0x7AF0];
	[tilespmem:s28+$0x7AC0] =	vst v19;
	v19 =	vmul.f32 v36, v30  }
0x81: {  	v46 =	vld [tilespmem:s28+$0x7B40];
	[tilespmem:s28+$0x7B90] =	vst v61;
	v38 =	vmul.f32 v31, v30  }
0x82: {  	v47 =	vld [tilespmem:s28+$0x7B50];
	[tilespmem:s28+$0x7AE0] =	vst v19;
	v19 =	vmul.f32 v39, v43  }
0x83: {  	v49 =	vld [tilespmem:s28+$0x7B60];
	v41 =	vmul.f32 v34, v30;
	[tilespmem:s28+$0x7AB0] =	vst v38  }
0x84: {  	v38 =	vld [tilespmem:s28+$0x7C50];
	[tilespmem:s28+$0x7B00] =	vst v19;
	v19 =	vmul.f32 v42, v43  }
0x85: {  	v52 =	vld [tilespmem:s28+$0x7B80];
	[tilespmem:s28+$0x7AD0] =	vst v41;
	v45 =	vmul.f32 v37, v30  }
0x86: {  	v44 =	vld [tilespmem:s28+$0x7B30];
	[tilespmem:s28+$0x7B20] =	vst v19;
	v19 =	vmul.f32 v46, v43  }
0x87: {  	v55 =	vld [tilespmem:s28+$0x7BA0];
	v34 =	vperm.xlane v18, v9;
	[tilespmem:s28+$0x7AF0] =	vst v45;
	v54 =	vmul.f32 v47, v43  }
0x88: {  	v50 =	vld [tilespmem:s28+$0x7B70];
	[tilespmem:s28+$0x7B40] =	vst v19;
	v19 =	vmul.f32 v49, v43  }
0x89: {  	v59 =	vld [tilespmem:s28+$0x7BC0];
	v45 =	vmul.f32 v38, v34;
	[tilespmem:s28+$0x7B50] =	vst v54  }
0x8a: {  	v57 =	vld [tilespmem:s28+$0x7BB0];
	[tilespmem:s28+$0x7B60] =	vst v19;
	v19 =	vmul.f32 v52, v56  }
0x8b: {  	v62 =	vld [tilespmem:s28+$0x7BE0];
	v51 =	vmul.f32 v44, v43;
	[tilespmem:s28+$0x7C50] =	vst v45  }
0x8c: {  	v60 =	vld [tilespmem:s28+$0x7BD0];
	[tilespmem:s28+$0x7B80] =	vst v19;
	v19 =	vmul.f32 v55, v56  }
0x8d: {  	v58 =	vmul.f32 v50, v43;
	[tilespmem:s28+$0x7B30] =	vst v51;
	v30 =	vld [tilespmem:s28+$0x7C00]  }
0x8e: {  	v51 =	vld [tilespmem:s28+$0x7CD0];
	[tilespmem:s28+$0x7BA0] =	vst v19;
	v19 =	vmul.f32 v59, v56  }
0x8f: {  	[tilespmem:s28+$0x7B70] =	vst v58;
	v29 =	vmul.f32 v57, v56;
	v33 =	vld [tilespmem:s28+$0x7C20]  }
0x90: {  	v63 =	vld [tilespmem:s28+$0x7BF0];
	[tilespmem:s28+$0x7BC0] =	vst v19;
	v19 =	vmul.f32 v62, v56  }
0x91: {  	v37 =	vld [tilespmem:s28+$0x7C40];
	v47 =	vperm.xlane v18, v10;
	[tilespmem:s28+$0x7BB0] =	vst v29;
	v32 =	vmul.f32 v60, v56  }
0x92: {  	v61 =	vld [tilespmem:s28+$0x7D30];
	[tilespmem:s28+$0x7BE0] =	vst v19;
	v19 =	vmul.f32 v30, v34  }
0x93: {  	v40 =	vld [tilespmem:s28+$0x7C60];
	v58 =	vmul.f32 v51, v47;
	[tilespmem:s28+$0x7BD0] =	vst v32  }
0x94: {  	v31 =	vld [tilespmem:s28+$0x7C10];
	[tilespmem:s28+$0x7C00] =	vst v19;
	v19 =	vmul.f32 v33, v34  }
0x95: {  	v60 =	vperm.xlane v18, v11;
	v36 =	vmul.f32 v63, v56;
	[tilespmem:s28+$0x7CD0] =	vst v58;
	v43 =	vld [tilespmem:s28+$0x7C80]  }
0x96: {  	v57 =	vld [tilespmem:s28+$0x7D10];
	[tilespmem:s28+$0x7C20] =	vst v19;
	v19 =	vmul.f32 v37, v34  }
0x97: {  	v32 =	vmul.f32 v61, v60;
	[tilespmem:s28+$0x7BF0] =	vst v36;
	v46 =	vld [tilespmem:s28+$0x7CA0]  }
0x98: {  	v35 =	vld [tilespmem:s28+$0x7C30];
	[tilespmem:s28+$0x7C40] =	vst v19;
	v19 =	vmul.f32 v40, v34  }
0x99: {  	v50 =	vld [tilespmem:s28+$0x7CC0];
	v39 =	vmul.f32 v31, v34;
	[tilespmem:s28+$0x7D30] =	vst v32  }
0x9a: {  	v28 =	vld [tilespmem:s28+$0x7D50];
	[tilespmem:s28+$0x7C60] =	vst v19;
	v19 =	vmul.f32 v43, v47  }
0x9b: {  	v53 =	vld [tilespmem:s28+$0x7CE0];
	v29 =	vmul.f32 v57, v60;
	[tilespmem:s28+$0x7C10] =	vst v39  }
0x9c: {  	v31 =	vld [tilespmem:s28+$0x7D70];
	[tilespmem:s28+$0x7C80] =	vst v19;
	v19 =	vmul.f32 v46, v47  }
0x9d: {  	v42 =	vmul.f32 v35, v34;
	[tilespmem:s28+$0x7D10] =	vst v29;
	v56 =	vld [tilespmem:s28+$0x7D00]  }
0x9e: {  	v41 =	vld [tilespmem:s28+$0x7C70];
	[tilespmem:s28+$0x7CA0] =	vst v19;
	v19 =	vmul.f32 v50, v47  }
0x9f: {  	v35 =	vmul.f32 v28, v60;
	[tilespmem:s28+$0x7C30] =	vst v42;
	v59 =	vld [tilespmem:s28+$0x7D20]  }
0xa0: {  	v44 =	vld [tilespmem:s28+$0x7C90];
	[tilespmem:s28+$0x7CC0] =	vst v19;
	v19 =	vmul.f32 v53, v47  }
0xa1: {  	v63 =	vld [tilespmem:s28+$0x7D40];
	[tilespmem:s28+$0x7D50] =	vst v35;
	v39 =	vmul.f32 v31, v60  }
0xa2: {  	v48 =	vld [tilespmem:s28+$0x7CB0];
	[tilespmem:s28+$0x7CE0] =	vst v19;
	v19 =	vmul.f32 v56, v60  }
0xa3: {  	v49 =	vmul.f32 v41, v34;
	[tilespmem:s28+$0x7D70] =	vst v39;
	v30 =	vld [tilespmem:s28+$0x7D60]  }
0xa4: {  	v54 =	vld [tilespmem:s28+$0x7CF0];
	[tilespmem:s28+$0x7D00] =	vst v19;
	v19 =	vmul.f32 v59, v60  }
0xa5: {  	[tilespmem:s28+$0x7C70] =	vst v49;
	v52 =	vmul.f32 v44, v47;
	v33 =	vld [tilespmem:s28+$0x7D80]  }
0xa6: {  	v38 =	vld [tilespmem:s28+$0x7DB0];
	[tilespmem:s28+$0x7D20] =	vst v19;
	v19 =	vmul.f32 v63, v60  }
0xa7: {  	v36 =	vld [tilespmem:s28+$0x7DA0];
	[tilespmem:s28+$0x7C90] =	vst v52;
	v55 =	vmul.f32 v48, v47  }
0xa8: {  	v41 =	vld [tilespmem:s28+$0x7DD0];
	v37 =	vperm.xlane v18, v12;
	[tilespmem:s28+$0x7D40] =	vst v19;
	v19 =	vmul.f32 v30, v60  }
0xa9: {  	[tilespmem:s28+$0x7CB0] =	vst v55;
	v62 =	vmul.f32 v54, v47;
	v40 =	vld [tilespmem:s28+$0x7DC0]  }
0xaa: {  	v44 =	vld [tilespmem:s28+$0x7DF0];
	[tilespmem:s28+$0x7D60] =	vst v19;
	v19 =	vmul.f32 v33, v37  }
0xab: {  	[tilespmem:s28+$0x7CF0] =	vst v62;
	v45 =	vmul.f32 v38, v37;
	v43 =	vld [tilespmem:s28+$0x7DE0]  }
0xac: {  	v34 =	vld [tilespmem:s28+$0x7D90];
	[tilespmem:s28+$0x7D80] =	vst v19;
	v19 =	vmul.f32 v36, v37  }
0xad: {  	v48 =	vmul.f32 v41, v37;
	[tilespmem:s28+$0x7DB0] =	vst v45;
	v46 =	vld [tilespmem:s28+$0x7E00]  }
0xae: {  	v51 =	vld [tilespmem:s28+$0x7E30];
	[tilespmem:s28+$0x7DA0] =	vst v19;
	v19 =	vmul.f32 v40, v37  }
0xaf: {  	v49 =	vld [tilespmem:s28+$0x7E20];
	v52 =	vmul.f32 v44, v37;
	[tilespmem:s28+$0x7DD0] =	vst v48  }
0xb0: {  	v54 =	vld [tilespmem:s28+$0x7E50];
	v50 =	vperm.xlane v18, v13;
	[tilespmem:s28+$0x7DC0] =	vst v19;
	v19 =	vmul.f32 v43, v37  }
0xb1: {  	[tilespmem:s28+$0x7DF0] =	vst v52;
	v42 =	vmul.f32 v34, v37;
	v53 =	vld [tilespmem:s28+$0x7E40]  }
0xb2: {  	v57 =	vld [tilespmem:s28+$0x7E70];
	[tilespmem:s28+$0x7DE0] =	vst v19;
	v19 =	vmul.f32 v46, v50  }
0xb3: {  	[tilespmem:s28+$0x7D90] =	vst v42;
	v58 =	vmul.f32 v51, v50;
	v56 =	vld [tilespmem:s28+$0x7E60]  }
0xb4: {  	v47 =	vld [tilespmem:s28+$0x7E10];
	[tilespmem:s28+$0x7E00] =	vst v19;
	v19 =	vmul.f32 v49, v50  }
0xb5: {  	v61 =	vmul.f32 v54, v50;
	[tilespmem:s28+$0x7E30] =	vst v58;
	v59 =	vld [tilespmem:s28+$0x7E80]  }
0xb6: {  	v39 =	vld [tilespmem:s28+$0x7F10];
	[tilespmem:s28+$0x7E20] =	vst v19;
	v19 =	vmul.f32 v53, v50  }
0xb7: {  	v62 =	vld [tilespmem:s28+$0x7EA0];
	v31 =	vmul.f32 v57, v50;
	[tilespmem:s28+$0x7E50] =	vst v61  }
0xb8: {  	v63 =	vperm.xlane v18, v14;
	v60 =	vld [tilespmem:s28+$0x7E90];
	[tilespmem:s28+$0x7E40] =	vst v19;
	v19 =	vmul.f32 v56, v50  }
0xb9: {  	v32 =	vld [tilespmem:s28+$0x7EC0];
	v42 =	vperm.xlane v18, v15;
	[tilespmem:s28+$0x7E70] =	vst v31;
	v55 =	vmul.f32 v47, v50  }
0xba: {  	v33 =	vld [tilespmem:s28+$0x7ED0];
	[tilespmem:s28+$0x7E60] =	vst v19;
	v19 =	vmul.f32 v59, v63  }
0xbb: {  	v35 =	vld [tilespmem:s28+$0x7EE0];
	v47 =	vmul.f32 v39, v42;
	[tilespmem:s28+$0x7E10] =	vst v55  }
0xbc: {  	v30 =	vld [tilespmem:s28+$0x7EB0];
	[tilespmem:s28+$0x7E80] =	vst v19;
	v19 =	vmul.f32 v62, v63  }
0xbd: {  	v38 =	vld [tilespmem:s28+$0x7F00];
	[tilespmem:s28+$0x7F10] =	vst v47;
	v34 =	vmul.f32 v60, v63  }
0xbe: {  	v36 =	vld [tilespmem:s28+$0x7EF0];
	[tilespmem:s28+$0x7EA0] =	vst v19;
	v19 =	vmul.f32 v32, v63  }
0xbf: {  	v41 =	vld [tilespmem:s28+$0x7F20];
	[tilespmem:s28+$0x7E90] =	vst v34;
	v40 =	vmul.f32 v33, v63  }
0xc0: {  	v46 =	vld [tilespmem:s28+$0x7F50];
	[tilespmem:s28+$0x7EC0] =	vst v19;
	v19 =	vmul.f32 v35, v63  }
0xc1: {  	v45 =	vld [tilespmem:s28+$0x7F40];
	v37 =	vmul.f32 v30, v63;
	[tilespmem:s28+$0x7ED0] =	vst v40  }
0xc2: {  	v43 =	vld [tilespmem:s28+$0x7F30];
	[tilespmem:s28+$0x7EE0] =	vst v19;
	v19 =	vmul.f32 v38, v42  }
0xc3: {  	v48 =	vld [tilespmem:s28+$0x7F60];
	v44 =	vmul.f32 v36, v63;
	[tilespmem:s28+$0x7EB0] =	vst v37  }
0xc4: {  	v49 =	vld [tilespmem:s28+$0x7F70];
	[tilespmem:s28+$0x7F00] =	vst v19;
	v19 =	vmul.f32 v41, v42  }
0xc5: {  	v51 =	vld [tilespmem:s28+$0x7F80];
	[tilespmem:s28+$0x7EF0] =	vst v44;
	v53 =	vmul.f32 v46, v42  }
0xc6: {  	v52 =	vld [tilespmem:s28+$0x7F90];
	[tilespmem:s28+$0x7F20] =	vst v19;
	v19 =	vmul.f32 v45, v42  }
0xc7: {  	v54 =	vld [tilespmem:s28+$0x7FA0];
	v50 =	vmul.f32 v43, v42;
	[tilespmem:s28+$0x7F50] =	vst v53  }
0xc8: {  	v18 =	vperm.xlane v18, v16;
	v55 =	vld [tilespmem:s28+$0x7FB0];
	[tilespmem:s28+$0x7F40] =	vst v19;
	v19 =	vmul.f32 v48, v42  }
0xc9: {  	v57 =	vld [tilespmem:s28+$0x7FC0];
	v56 =	vmul.f32 v49, v42;
	[tilespmem:s28+$0x7F30] =	vst v50  }
0xca: {  	v58 =	vld [tilespmem:s28+$0x7FD0];
	[tilespmem:s28+$0x7F60] =	vst v19;
	v19 =	vmul.f32 v51, v18  }
0xcb: {  	v60 =	vld [tilespmem:s28+$0x7FE0];
	v59 =	vmul.f32 v52, v18;
	[tilespmem:s28+$0x7F70] =	vst v56  }
0xcc: {  	v61 =	vld [tilespmem:s28+$0x7FF0];
	[tilespmem:s28+$0x7F80] =	vst v19;
	v19 =	vmul.f32 v54, v18  }
0xcd: {  	[tilespmem:s28+$0x7F90] =	vst v59;
	v62 =	vmul.f32 v55, v18  }
0xce: {  	p0 =	sne.s32 s26, $0x7;
	[tilespmem:s28+$0x7FA0] =	vst v19;
	v19 =	vmul.f32 v57, v18  }
.Ltmp1:
0xcf: {  	[tilespmem:s28+$0x7FB0] =	vst v62;
	v63 =	vmul.f32 v58, v18;
	(pc) =	sbr.rel @p0 .LBB2_5-.Ltmp1, $4  }
0xd0: {  	[tilespmem:s28+$0x7FC0] =	vst v19;
	v19 =	vmul.f32 v60, v18  }
0xd1: {  	[tilespmem:s28+$0x7FD0] =	vst v63;
	v18 =	vmul.f32 v61, v18  }
0xd2: {  	[tilespmem:s28+$0x7FE0] =	vst v19  }
0xd3: {  	s26 =	sadd.s32 $0x1, s26;
	[tilespmem:s28+$0x7FF0] =	vst v18  }
0xd4: {  	s24 =	sadd.s32 $0x1, s24  }
0xd5: {  	p0 =	sne.s32 s24, $0x50  }
.Ltmp2:
0xd6: {  	s25 =	sadd.s32 $0x2800, s25;
	(pc) =	sbr.rel @p0 .LBB2_4-.Ltmp2, $4  }
0xd7: {  	[spmem:s3] =	stream.indirect.scatter.add.f32 [tilespmem:s18], [sflag:$0x2], $0x80, s25, s19, $0xb8;
	[tilespmem:$0x1F800] =	vst v63  }
0xd8: {  	_ =	swait.ge [sflag:s15], $0x4000  }
0xd9: {  	[sflag:s15] =	ssyncset.done $0x0  }
0xda: {  	[sflag:s15] =	ssyncadd.s32 $0xFFFFC000  }
0xdb: {  	s23 =	sadd.s32 $0x1, s23  }
0xdc: {  	p0 =	sne.s32 s23, s14  }
.Ltmp3:
0xdd: {  	[bflag:$0x0] =	sbarrier.arrive $0xFFFF;
	(pc) =	sbr.rel @p0 .LBB2_1-.Ltmp3, $4  }
0xde: {  	[hbm:s13], [sflag:s21] =	dma.local [spmem:s22], $0x2800  }
0xdf: {  	_ =	swait.ge [sflag:s15], $0x2800  }
0xe0: {  	[sflag:s15] =	ssyncset.done $0x0  }
0xe1: {  	[sflag:s15] =	ssyncadd.s32 $0xFFFFD800  }
0xe2: {  	_ =	sfence.sel $0x180000  }
0xe3: {  	[bflag:$0x0] =	sbarrier.arrive $0xFFFF  }
0xe4: {  	p0 =	sne.s32 s2, $0x0;
	_ =	strace $0x90000047  }
0xe5: {  	s0 =	sadd.s32 @!p0 $0x100000, s0;
	[bflag:$0x2] =	sbarrier.arrive $0xFFFF  }
0xe6: {  	[sflag:s0] =	ssyncadd.tile.s32 @!p0 $0x1;
	_ =	shalt  }
.Lfunc_end2:
_tile_overlayer_lowered:
.L_overlay_start_2:
0xe7: {  	(tag) =	ssettag $0x2  }
0xe8: {  	s0 =	rddreg [dreg:$0x0];
	s2 =	stileid.u32  }
0xe9: {  	s1 =	rddreg [dreg:$0x1];
	p0 =	sne.s32 s2, $0x0  }
0xea: {  	s3 =	rddreg [dreg:$0x2];
	[bflag:$0x3] =	sbarrier.arrive $0xFFFF;
	s2 =	simm.s32 @!p0 $0x1C02  }
0xeb: {  	[timem:s3], [sflag:s2] =	dma.local @!p0 [hbm:s0], s1  }
0xec: {  	s0 =	simm.s32 @!p0 $0x2  }
0xed: {  	_ =	swait.ge @!p0 [sflag:s0], s1  }
0xee: {  	s1 =	ssub.s32 @!p0 $0x0, s1;
	[sflag:s0] =	ssyncset.done @!p0 $0x0  }
0xef: {  	[sflag:s0] =	ssyncadd.s32 @!p0 s1  }
0xf0: {  	[bflag:$0x3] =	sbarrier.arrive $0xFFFF  }
0xf1: {  	_ =	shalt  }

</sc_bundles>
